<compile_context>
chip_gen: v7x
topology: tpu7x:2x2x1
jax: 0.10.2.dev20260603
libtpu: 0.0.44.dev20260713+nightly
codegen_flags: <defaults>
</compile_context>

<pallas_src>
import functools

import jax
import jax.numpy as jnp
from jax import lax
from jax.experimental import pallas as pl
from jax.experimental.pallas import tpu as pltpu
from jax.experimental.pallas import tpu_sc as plsc

B = 16384
D = 8
CH = 128
NQ, ND, NU = 1000, 500, 10000

NC = 2
NS = 16
NW = NC * NS
BPW = B // NW
NCH = BPW // CH

PL = 128 // D
LPW = BPW // PL
NL = B // PL


def _sc_gather_body(qid_hbm, did_hbm, uid_hbm, qt_hbm, dt_hbm, ut_hbm,
                    ox_hbm,
                    qt_sp, dt_sp, ut_sp,
                    qp_v, dp_v, up_v,
                    qrows_v, drows_v, urows_v,
                    isem, gsem, osem, tsem):
    sid = lax.axis_index("s")
    wid = sid * NC + lax.axis_index("c")
    base = wid * BPW
    obase = wid * LPW
    @pl.when(sid == 0)
    def _():
        t0 = pltpu.async_copy(qt_hbm, qt_sp, tsem)
        t1 = pltpu.async_copy(dt_hbm, dt_sp, tsem)
        t2 = pltpu.async_copy(ut_hbm, ut_sp, tsem)
        t0.wait(); t1.wait(); t2.wait()
    idx_copies = []
    for idx_hbm, p_v in ((qid_hbm, qp_v), (did_hbm, dp_v),
                         (uid_hbm, up_v)):
        idx_copies.append(pltpu.async_copy(
            idx_hbm.at[pl.ds(base, BPW)], p_v, isem))
    plsc.subcore_barrier()
    outs = []
    per_table = []
    for t, (cp, p_v, t_sp, trows_v) in enumerate(
            ((idx_copies[0], qp_v, qt_sp, qrows_v),
             (idx_copies[1], dp_v, dt_sp, drows_v),
             (idx_copies[2], up_v, ut_sp, urows_v))):
        cp.wait()
        gathers = [pltpu.async_copy(
            t_sp.at[p_v.at[pl.ds(j * CH, CH)]],
            trows_v.at[pl.ds(j * CH, CH)], gsem) for j in range(NCH)]
        per_table.append((t, trows_v, gathers))
    for t, trows_v, gathers in per_table:
        for cp in gathers:
            cp.wait()
        for g in range(PL):
            outs.append(pltpu.async_copy(
                trows_v.at[pl.ds(g * LPW, LPW)],
                ox_hbm.at[pl.ds(obase, LPW), pl.ds(t * 128 + g * D, D)],
                osem))
    for cp in outs:
        cp.wait()


@functools.cache
def _sc_gather_kernel():
    mesh = plsc.VectorSubcoreMesh(core_axis_name="c", subcore_axis_name="s")
    return pl.kernel(
        _sc_gather_body,
        mesh=mesh,
        compiler_params=pltpu.CompilerParams(use_tc_tiling_on_sc=False),
        out_type=jax.ShapeDtypeStruct((NL, 3 * 128), jnp.float32),
        scratch_types=[
            pltpu.VMEM_SHARED((NQ, D), jnp.float32),
            pltpu.VMEM_SHARED((ND, D), jnp.float32),
            pltpu.VMEM_SHARED((NU, D), jnp.float32),
            pltpu.VMEM((BPW,), jnp.int32),
            pltpu.VMEM((BPW,), jnp.int32),
            pltpu.VMEM((BPW,), jnp.int32),
            pltpu.VMEM((BPW, D), jnp.float32),
            pltpu.VMEM((BPW, D), jnp.float32),
            pltpu.VMEM((BPW, D), jnp.float32),
            pltpu.SemaphoreType.DMA,
            pltpu.SemaphoreType.DMA,
            pltpu.SemaphoreType.DMA,
            pltpu.SemaphoreType.DMA,
        ],
    )


H2 = 2048


def _tc_mlp_body(x_ref, s_ref, w1c_ref, w1v_ref, w2c_ref, w2v_ref, o_ref):
    w1 = jnp.concatenate([w1c_ref[...], w1v_ref[...]], axis=1)
    r128 = lax.broadcasted_iota(jnp.int32, (128, H2), 0)
    c128 = lax.broadcasted_iota(jnp.int32, (128, H2), 1)
    gmask = (r128 // D) == (c128 // 128)
    hp = None
    for t in range(3):
        wt = w1[t * D:(t + 1) * D]
        wrep = jnp.concatenate([wt] * (128 // D), axis=0)
        wrep = jnp.concatenate([wrep] * (H2 // 128), axis=1)
        wbig = jnp.where(gmask, wrep, 0.0)
        xt = x_ref[:, t * 128:(t + 1) * 128]
        c = jnp.dot(xt, wbig, preferred_element_type=jnp.float32)
        hp = c if hp is None else hp + c
    r48 = lax.broadcasted_iota(jnp.int32, (48, H2), 0)
    c48 = lax.broadcasted_iota(jnp.int32, (48, H2), 1)
    smask = (r48 % 16) == (c48 // 128)
    wsrep = jnp.concatenate(
        [jnp.concatenate([w1[24 + k:25 + k]] * 16, axis=0)
         for k in range(3)], axis=0)
    wsrep = jnp.concatenate([wsrep] * (H2 // 128), axis=1)
    wsbig = jnp.where(smask, wsrep, 0.0)
    hp = hp + jnp.dot(s_ref[...], wsbig, preferred_element_type=jnp.float32)
    hp = jnp.maximum(hp, 0.0)
    w2all = jnp.concatenate([w2c_ref[...], w2v_ref[...]], axis=0)
    w2rep = jnp.concatenate([w2all] * 16, axis=0)
    rr = lax.broadcasted_iota(jnp.int32, (H2, 128), 0)
    cc = lax.broadcasted_iota(jnp.int32, (H2, 128), 1)
    sel = ((rr // 128) == (cc % 16)) & ((rr % 128 < 64) == (cc < 16)) & (cc < 32)
    w2big = jnp.where(sel, w2rep, 0.0)
    o = jnp.dot(hp, w2big, preferred_element_type=jnp.float32)
    o_ref[...] = 1.0 / (1.0 + jnp.exp(-o))


def _tc_mlp(xp, sp, w1c, w1v, w2c, w2v):
    full = lambda a, b: pl.BlockSpec((a, b), lambda: (0, 0))
    return pl.pallas_call(
        _tc_mlp_body,
        in_specs=[full(NL, 3 * 128), full(NL, 48),
                  full(27, 64), full(27, 64), full(64, 1), full(64, 1)],
        out_specs=full(NL, 128),
        out_shape=jax.ShapeDtypeStruct((NL, 128), jnp.float32),
    )(xp, sp, w1c, w1v, w2c, w2v)


def kernel(query_id, doc_id, utdid, position, device_type, doc_length,
           query_table, doc_table, utdid_table,
           W1_ctr, b1_ctr, W2_ctr, b2_ctr,
           W1_cvr, b1_cvr, W2_cvr, b2_cvr):
    sp = jnp.concatenate([position.reshape(NL, PL),
                          device_type.reshape(NL, PL),
                          doc_length.reshape(NL, PL)], axis=1)

    def _perm(ix):
        return ix.reshape(NW, LPW, PL).transpose(0, 2, 1).reshape(B)

    xp = _sc_gather_kernel()(
        _perm(query_id), _perm(doc_id), _perm(utdid),
        query_table, doc_table, utdid_table)

    o = _tc_mlp(xp, sp, W1_ctr, W1_cvr, W2_ctr, W2_cvr)
    ctr = o[:, 0:16].reshape(B, 1)
    cvr = o[:, 16:32].reshape(B, 1)
    return (ctr, cvr)

# --- scband reference (transcript-rebuilt; emitter-appended) ---
"""Pipeline reference for scband-esmm-74457553044141 (READ-ONLY COPY).

The authoritative reference and input builder live on the scoring server;
editing this copy changes nothing except your own understanding.
"""

import jax, jax.numpy as jnp
import numpy as np

B = 16384
HIDDEN = 64
IN_DIM = 8 + 8 + 8 + 3

def setup_inputs(seed: int = 0) -> dict:
    key = jax.random.key(seed)
    ks = jax.random.split(key, 20)
    query_id = jax.random.randint(ks[0], (B,), 0, 1000, dtype=jnp.int64 if jax.config.jax_enable_x64 else jnp.int32).astype(jnp.int32)
    doc_id = jax.random.randint(ks[1], (B,), 0, 500).astype(jnp.int32)
    utdid = jax.random.randint(ks[2], (B,), 0, 10000).astype(jnp.int32)
    position = jax.random.uniform(ks[3], (B,), dtype=jnp.float32)
    device_type = jax.random.uniform(ks[4], (B,), dtype=jnp.float32)
    doc_length = jax.random.uniform(ks[5], (B,), dtype=jnp.float32)
    query_table = jax.random.normal(ks[6], (1000, 8), dtype=jnp.float32)
    doc_table = jax.random.normal(ks[7], (500, 8), dtype=jnp.float32)
    utdid_table = jax.random.normal(ks[8], (10000, 8), dtype=jnp.float32)
    W1_ctr = jax.random.normal(ks[9], (IN_DIM, HIDDEN), dtype=jnp.float32) * 0.05
    b1_ctr = jnp.zeros((HIDDEN,), dtype=jnp.float32)
    W2_ctr = jax.random.normal(ks[10], (HIDDEN, 1), dtype=jnp.float32) * 0.05
    b2_ctr = jnp.zeros((1,), dtype=jnp.float32)
    W1_cvr = jax.random.normal(ks[11], (IN_DIM, HIDDEN), dtype=jnp.float32) * 0.05
    b1_cvr = jnp.zeros((HIDDEN,), dtype=jnp.float32)
    W2_cvr = jax.random.normal(ks[12], (HIDDEN, 1), dtype=jnp.float32) * 0.05
    b2_cvr = jnp.zeros((1,), dtype=jnp.float32)
    return {"query_id": query_id, "doc_id": doc_id, "utdid": utdid,
            "position": position, "device_type": device_type, "doc_length": doc_length,
            "query_table": query_table, "doc_table": doc_table, "utdid_table": utdid_table,
            "W1_ctr": W1_ctr, "b1_ctr": b1_ctr, "W2_ctr": W2_ctr, "b2_ctr": b2_ctr,
            "W1_cvr": W1_cvr, "b1_cvr": b1_cvr, "W2_cvr": W2_cvr, "b2_cvr": b2_cvr}

def reference(query_id, doc_id, utdid, position, device_type, doc_length,
              query_table, doc_table, utdid_table,
              W1_ctr, b1_ctr, W2_ctr, b2_ctr,
              W1_cvr, b1_cvr, W2_cvr, b2_cvr):
    query_emb = jnp.take(query_table, query_id, axis=0)
    doc_emb = jnp.take(doc_table, doc_id, axis=0)
    utdid_emb = jnp.take(utdid_table, utdid, axis=0)
    x = jnp.concatenate([query_emb, doc_emb, utdid_emb,
                         position[:, None], device_type[:, None], doc_length[:, None]], axis=1)
    h_ctr = jax.nn.relu(x @ W1_ctr + b1_ctr)
    ctr = jax.nn.sigmoid(h_ctr @ W2_ctr + b2_ctr)
    h_cvr = jax.nn.relu(x @ W1_cvr + b1_cvr)
    cvr = jax.nn.sigmoid(h_cvr @ W2_cvr + b2_cvr)
    return (ctr, cvr)

if __name__ == "__main__":
    import jax
    _d = setup_inputs()
    print(jax.jit(kernel)(*tuple(_d.values())))

</pallas_src>

<mosaic_0001>
#map = affine_map<(d0, d1) -> (0)>
#map1 = affine_map<(d0, d1) -> (0, 0)>
module attributes {stable_mosaic.version = 14 : i64} {
  func.func @_sc_gather_body(%arg0: i32, %arg1: i32, %arg2: memref<16384xi32, #tpu.memory_space<hbm>>, %arg3: memref<16384xi32, #tpu.memory_space<hbm>>, %arg4: memref<16384xi32, #tpu.memory_space<hbm>>, %arg5: memref<1000x8xf32, #tpu.memory_space<hbm>>, %arg6: memref<500x8xf32, #tpu.memory_space<hbm>>, %arg7: memref<10000x8xf32, #tpu.memory_space<hbm>>, %arg8: memref<1024x384xf32, #tpu.memory_space<hbm>>, %arg9: memref<1000x8xf32, #tpu.memory_space<vmem_shared>>, %arg10: memref<500x8xf32, #tpu.memory_space<vmem_shared>>, %arg11: memref<10000x8xf32, #tpu.memory_space<vmem_shared>>, %arg12: memref<512xi32, #tpu.memory_space<vmem>>, %arg13: memref<512xi32, #tpu.memory_space<vmem>>, %arg14: memref<512xi32, #tpu.memory_space<vmem>>, %arg15: memref<512x8xf32, #tpu.memory_space<vmem>>, %arg16: memref<512x8xf32, #tpu.memory_space<vmem>>, %arg17: memref<512x8xf32, #tpu.memory_space<vmem>>, %arg18: memref<!tpu.dma_semaphore, #tpu.memory_space<semaphore_mem>>, %arg19: memref<!tpu.dma_semaphore, #tpu.memory_space<semaphore_mem>>, %arg20: memref<!tpu.dma_semaphore, #tpu.memory_space<semaphore_mem>>, %arg21: memref<!tpu.dma_semaphore, #tpu.memory_space<semaphore_mem>>) attributes {dimension_semantics = [#tpu.dimension_semantics<core_parallel>, #tpu.dimension_semantics<subcore_parallel>], iteration_bounds = array<i64: 2, 16>, scalar_prefetch = 0 : i64, scratch_operands = 13 : i64, tpu.core_type = #tpu.core_type<sc_vector_subcore>, window_params = [{transform_indices = #map}, {transform_indices = #map}, {transform_indices = #map}, {transform_indices = #map1}, {transform_indices = #map1}, {transform_indices = #map1}, {transform_indices = #map1}]} {
    %mul3A = arith.constant 2 : i32
    %mul3A_0 = arith.muli %arg1, %mul3A : i32
    %add3A = arith.addi %mul3A_0, %arg0 : i32
    %mul3A_1 = arith.constant 512 : i32
    %mul3A_2 = arith.muli %add3A, %mul3A_1 : i32
    %mul3A_3 = arith.constant 32 : i32
    %mul3A_4 = arith.muli %add3A, %mul3A_3 : i32
    %eq3A = arith.constant 0 : i32
    %eq3A_5 = arith.cmpi eq, %arg1, %eq3A : i32
    %convert_element_type3A = arith.extui %eq3A_5 : i1 to i32
    %cond3A = arith.constant 0 : i32
    %cond3A_6 = arith.cmpi ne, %convert_element_type3A, %cond3A : i32
    scf.if %cond3A_6 {
      tpu.enqueue_dma source(%arg5 : memref<1000x8xf32, #tpu.memory_space<hbm>>) target(%arg9 : memref<1000x8xf32, #tpu.memory_space<vmem_shared>>) target_semaphore(%arg21 : memref<!tpu.dma_semaphore, #tpu.memory_space<semaphore_mem>>)
      tpu.enqueue_dma source(%arg6 : memref<500x8xf32, #tpu.memory_space<hbm>>) target(%arg10 : memref<500x8xf32, #tpu.memory_space<vmem_shared>>) target_semaphore(%arg21 : memref<!tpu.dma_semaphore, #tpu.memory_space<semaphore_mem>>)
      tpu.enqueue_dma source(%arg7 : memref<10000x8xf32, #tpu.memory_space<hbm>>) target(%arg11 : memref<10000x8xf32, #tpu.memory_space<vmem_shared>>) target_semaphore(%arg21 : memref<!tpu.dma_semaphore, #tpu.memory_space<semaphore_mem>>)
      tpu.wait_dma2 semaphore(%arg21 : memref<!tpu.dma_semaphore, #tpu.memory_space<semaphore_mem>>) src(%arg5 : memref<1000x8xf32, #tpu.memory_space<hbm>>) dst(%arg9 : memref<1000x8xf32, #tpu.memory_space<vmem_shared>>)
      tpu.wait_dma2 semaphore(%arg21 : memref<!tpu.dma_semaphore, #tpu.memory_space<semaphore_mem>>) src(%arg6 : memref<500x8xf32, #tpu.memory_space<hbm>>) dst(%arg10 : memref<500x8xf32, #tpu.memory_space<vmem_shared>>)
      tpu.wait_dma2 semaphore(%arg21 : memref<!tpu.dma_semaphore, #tpu.memory_space<semaphore_mem>>) src(%arg7 : memref<10000x8xf32, #tpu.memory_space<hbm>>) dst(%arg11 : memref<10000x8xf32, #tpu.memory_space<vmem_shared>>)
    } else {
    }
    %dma_start3A = tpu.memref_slice %arg2[%mul3A_2] : memref<16384xi32, #tpu.memory_space<hbm>> -> memref<512xi32, #tpu.memory_space<hbm>>
    %dma_start3A_7 = tpu.memref_slice %arg2[%mul3A_2] : memref<16384xi32, #tpu.memory_space<hbm>> -> memref<512xi32, #tpu.memory_space<hbm>>
    tpu.enqueue_dma source(%dma_start3A_7 : memref<512xi32, #tpu.memory_space<hbm>>) target(%arg12 : memref<512xi32, #tpu.memory_space<vmem>>) target_semaphore(%arg18 : memref<!tpu.dma_semaphore, #tpu.memory_space<semaphore_mem>>)
    %dma_start3A_8 = tpu.memref_slice %arg3[%mul3A_2] : memref<16384xi32, #tpu.memory_space<hbm>> -> memref<512xi32, #tpu.memory_space<hbm>>
    %dma_start3A_9 = tpu.memref_slice %arg3[%mul3A_2] : memref<16384xi32, #tpu.memory_space<hbm>> -> memref<512xi32, #tpu.memory_space<hbm>>
    tpu.enqueue_dma source(%dma_start3A_9 : memref<512xi32, #tpu.memory_space<hbm>>) target(%arg13 : memref<512xi32, #tpu.memory_space<vmem>>) target_semaphore(%arg18 : memref<!tpu.dma_semaphore, #tpu.memory_space<semaphore_mem>>)
    %dma_start3A_10 = tpu.memref_slice %arg4[%mul3A_2] : memref<16384xi32, #tpu.memory_space<hbm>> -> memref<512xi32, #tpu.memory_space<hbm>>
    %dma_start3A_11 = tpu.memref_slice %arg4[%mul3A_2] : memref<16384xi32, #tpu.memory_space<hbm>> -> memref<512xi32, #tpu.memory_space<hbm>>
    tpu.enqueue_dma source(%dma_start3A_11 : memref<512xi32, #tpu.memory_space<hbm>>) target(%arg14 : memref<512xi32, #tpu.memory_space<vmem>>) target_semaphore(%arg18 : memref<!tpu.dma_semaphore, #tpu.memory_space<semaphore_mem>>)
    %barrier3A = arith.constant 0 : index
    tpu.barrier barrier_id(%barrier3A)
    %dma_wait3A = tpu.memref_slice %arg2[%mul3A_2] : memref<16384xi32, #tpu.memory_space<hbm>> -> memref<512xi32, #tpu.memory_space<hbm>>
    %dma_wait3A_12 = tpu.memref_slice %arg2[%mul3A_2] : memref<16384xi32, #tpu.memory_space<hbm>> -> memref<512xi32, #tpu.memory_space<hbm>>
    tpu.wait_dma2 semaphore(%arg18 : memref<!tpu.dma_semaphore, #tpu.memory_space<semaphore_mem>>) src(%dma_wait3A_12 : memref<512xi32, #tpu.memory_space<hbm>>) dst(%arg12 : memref<512xi32, #tpu.memory_space<vmem>>)
    %dma_start3A_13 = arith.constant 0 : i32
    %dma_start3A_14 = arith.constant 0 : i32
    %dma_start3A_15 = tpu.memref_slice %arg15[%dma_start3A_13, %dma_start3A_14] : memref<512x8xf32, #tpu.memory_space<vmem>> -> memref<128x8xf32, #tpu.memory_space<vmem>>
    %dma_start3A_16 = arith.constant 0 : i32
    %dma_start3A_17 = tpu.memref_slice %arg12[%dma_start3A_16] : memref<512xi32, #tpu.memory_space<vmem>> -> memref<128xi32, #tpu.memory_space<vmem>>
    %dma_start3A_18 = arith.constant 0 : i32
    %dma_start3A_19 = arith.constant 0 : i32
    %dma_start3A_20 = tpu.memref_slice %arg9[%dma_start3A_18, %dma_start3A_19] : memref<1000x8xf32, #tpu.memory_space<vmem_shared>> -> memref<1000x8xf32, #tpu.memory_space<vmem_shared>>
    tpu.enqueue_indirect_dma source(%dma_start3A_20 : memref<1000x8xf32, #tpu.memory_space<vmem_shared>>) target(%dma_start3A_15 : memref<128x8xf32, #tpu.memory_space<vmem>>) offsets(%dma_start3A_17 : memref<128xi32, #tpu.memory_space<vmem>>) semaphore(%arg19 : memref<!tpu.dma_semaphore, #tpu.memory_space<semaphore_mem>>)
    %dma_start3A_21 = arith.constant 128 : i32
    %dma_start3A_22 = arith.constant 0 : i32
    %dma_start3A_23 = tpu.memref_slice %arg15[%dma_start3A_21, %dma_start3A_22] : memref<512x8xf32, #tpu.memory_space<vmem>> -> memref<128x8xf32, #tpu.memory_space<vmem>>
    %dma_start3A_24 = arith.constant 128 : i32
    %dma_start3A_25 = tpu.memref_slice %arg12[%dma_start3A_24] : memref<512xi32, #tpu.memory_space<vmem>> -> memref<128xi32, #tpu.memory_space<vmem>>
    %dma_start3A_26 = arith.constant 0 : i32
    %dma_start3A_27 = arith.constant 0 : i32
    %dma_start3A_28 = tpu.memref_slice %arg9[%dma_start3A_26, %dma_start3A_27] : memref<1000x8xf32, #tpu.memory_space<vmem_shared>> -> memref<1000x8xf32, #tpu.memory_space<vmem_shared>>
    tpu.enqueue_indirect_dma source(%dma_start3A_28 : memref<1000x8xf32, #tpu.memory_space<vmem_shared>>) target(%dma_start3A_23 : memref<128x8xf32, #tpu.memory_space<vmem>>) offsets(%dma_start3A_25 : memref<128xi32, #tpu.memory_space<vmem>>) semaphore(%arg19 : memref<!tpu.dma_semaphore, #tpu.memory_space<semaphore_mem>>)
    %dma_start3A_29 = arith.constant 256 : i32
    %dma_start3A_30 = arith.constant 0 : i32
    %dma_start3A_31 = tpu.memref_slice %arg15[%dma_start3A_29, %dma_start3A_30] : memref<512x8xf32, #tpu.memory_space<vmem>> -> memref<128x8xf32, #tpu.memory_space<vmem>>
    %dma_start3A_32 = arith.constant 256 : i32
    %dma_start3A_33 = tpu.memref_slice %arg12[%dma_start3A_32] : memref<512xi32, #tpu.memory_space<vmem>> -> memref<128xi32, #tpu.memory_space<vmem>>
    %dma_start3A_34 = arith.constant 0 : i32
    %dma_start3A_35 = arith.constant 0 : i32
    %dma_start3A_36 = tpu.memref_slice %arg9[%dma_start3A_34, %dma_start3A_35] : memref<1000x8xf32, #tpu.memory_space<vmem_shared>> -> memref<1000x8xf32, #tpu.memory_space<vmem_shared>>
    tpu.enqueue_indirect_dma source(%dma_start3A_36 : memref<1000x8xf32, #tpu.memory_space<vmem_shared>>) target(%dma_start3A_31 : memref<128x8xf32, #tpu.memory_space<vmem>>) offsets(%dma_start3A_33 : memref<128xi32, #tpu.memory_space<vmem>>) semaphore(%arg19 : memref<!tpu.dma_semaphore, #tpu.memory_space<semaphore_mem>>)
    %dma_start3A_37 = arith.constant 384 : i32
    %dma_start3A_38 = arith.constant 0 : i32
    %dma_start3A_39 = tpu.memref_slice %arg15[%dma_start3A_37, %dma_start3A_38] : memref<512x8xf32, #tpu.memory_space<vmem>> -> memref<128x8xf32, #tpu.memory_space<vmem>>
    %dma_start3A_40 = arith.constant 384 : i32
    %dma_start3A_41 = tpu.memref_slice %arg12[%dma_start3A_40] : memref<512xi32, #tpu.memory_space<vmem>> -> memref<128xi32, #tpu.memory_space<vmem>>
    %dma_start3A_42 = arith.constant 0 : i32
    %dma_start3A_43 = arith.constant 0 : i32
    %dma_start3A_44 = tpu.memref_slice %arg9[%dma_start3A_42, %dma_start3A_43] : memref<1000x8xf32, #tpu.memory_space<vmem_shared>> -> memref<1000x8xf32, #tpu.memory_space<vmem_shared>>
    tpu.enqueue_indirect_dma source(%dma_start3A_44 : memref<1000x8xf32, #tpu.memory_space<vmem_shared>>) target(%dma_start3A_39 : memref<128x8xf32, #tpu.memory_space<vmem>>) offsets(%dma_start3A_41 : memref<128xi32, #tpu.memory_space<vmem>>) semaphore(%arg19 : memref<!tpu.dma_semaphore, #tpu.memory_space<semaphore_mem>>)
    %dma_wait3A_45 = tpu.memref_slice %arg3[%mul3A_2] : memref<16384xi32, #tpu.memory_space<hbm>> -> memref<512xi32, #tpu.memory_space<hbm>>
    %dma_wait3A_46 = tpu.memref_slice %arg3[%mul3A_2] : memref<16384xi32, #tpu.memory_space<hbm>> -> memref<512xi32, #tpu.memory_space<hbm>>
    tpu.wait_dma2 semaphore(%arg18 : memref<!tpu.dma_semaphore, #tpu.memory_space<semaphore_mem>>) src(%dma_wait3A_46 : memref<512xi32, #tpu.memory_space<hbm>>) dst(%arg13 : memref<512xi32, #tpu.memory_space<vmem>>)
    %dma_start3A_47 = arith.constant 0 : i32
    %dma_start3A_48 = arith.constant 0 : i32
    %dma_start3A_49 = tpu.memref_slice %arg16[%dma_start3A_47, %dma_start3A_48] : memref<512x8xf32, #tpu.memory_space<vmem>> -> memref<128x8xf32, #tpu.memory_space<vmem>>
    %dma_start3A_50 = arith.constant 0 : i32
    %dma_start3A_51 = tpu.memref_slice %arg13[%dma_start3A_50] : memref<512xi32, #tpu.memory_space<vmem>> -> memref<128xi32, #tpu.memory_space<vmem>>
    %dma_start3A_52 = arith.constant 0 : i32
    %dma_start3A_53 = arith.constant 0 : i32
    %dma_start3A_54 = tpu.memref_slice %arg10[%dma_start3A_52, %dma_start3A_53] : memref<500x8xf32, #tpu.memory_space<vmem_shared>> -> memref<500x8xf32, #tpu.memory_space<vmem_shared>>
    tpu.enqueue_indirect_dma source(%dma_start3A_54 : memref<500x8xf32, #tpu.memory_space<vmem_shared>>) target(%dma_start3A_49 : memref<128x8xf32, #tpu.memory_space<vmem>>) offsets(%dma_start3A_51 : memref<128xi32, #tpu.memory_space<vmem>>) semaphore(%arg19 : memref<!tpu.dma_semaphore, #tpu.memory_space<semaphore_mem>>)
    %dma_start3A_55 = arith.constant 128 : i32
    %dma_start3A_56 = arith.constant 0 : i32
    %dma_start3A_57 = tpu.memref_slice %arg16[%dma_start3A_55, %dma_start3A_56] : memref<512x8xf32, #tpu.memory_space<vmem>> -> memref<128x8xf32, #tpu.memory_space<vmem>>
    %dma_start3A_58 = arith.constant 128 : i32
    %dma_start3A_59 = tpu.memref_slice %arg13[%dma_start3A_58] : memref<512xi32, #tpu.memory_space<vmem>> -> memref<128xi32, #tpu.memory_space<vmem>>
    %dma_start3A_60 = arith.constant 0 : i32
    %dma_start3A_61 = arith.constant 0 : i32
    %dma_start3A_62 = tpu.memref_slice %arg10[%dma_start3A_60, %dma_start3A_61] : memref<500x8xf32, #tpu.memory_space<vmem_shared>> -> memref<500x8xf32, #tpu.memory_space<vmem_shared>>
    tpu.enqueue_indirect_dma source(%dma_start3A_62 : memref<500x8xf32, #tpu.memory_space<vmem_shared>>) target(%dma_start3A_57 : memref<128x8xf32, #tpu.memory_space<vmem>>) offsets(%dma_start3A_59 : memref<128xi32, #tpu.memory_space<vmem>>) semaphore(%arg19 : memref<!tpu.dma_semaphore, #tpu.memory_space<semaphore_mem>>)
    %dma_start3A_63 = arith.constant 256 : i32
    %dma_start3A_64 = arith.constant 0 : i32
    %dma_start3A_65 = tpu.memref_slice %arg16[%dma_start3A_63, %dma_start3A_64] : memref<512x8xf32, #tpu.memory_space<vmem>> -> memref<128x8xf32, #tpu.memory_space<vmem>>
    %dma_start3A_66 = arith.constant 256 : i32
    %dma_start3A_67 = tpu.memref_slice %arg13[%dma_start3A_66] : memref<512xi32, #tpu.memory_space<vmem>> -> memref<128xi32, #tpu.memory_space<vmem>>
    %dma_start3A_68 = arith.constant 0 : i32
    %dma_start3A_69 = arith.constant 0 : i32
    %dma_start3A_70 = tpu.memref_slice %arg10[%dma_start3A_68, %dma_start3A_69] : memref<500x8xf32, #tpu.memory_space<vmem_shared>> -> memref<500x8xf32, #tpu.memory_space<vmem_shared>>
    tpu.enqueue_indirect_dma source(%dma_start3A_70 : memref<500x8xf32, #tpu.memory_space<vmem_shared>>) target(%dma_start3A_65 : memref<128x8xf32, #tpu.memory_space<vmem>>) offsets(%dma_start3A_67 : memref<128xi32, #tpu.memory_space<vmem>>) semaphore(%arg19 : memref<!tpu.dma_semaphore, #tpu.memory_space<semaphore_mem>>)
    %dma_start3A_71 = arith.constant 384 : i32
    %dma_start3A_72 = arith.constant 0 : i32
    %dma_start3A_73 = tpu.memref_slice %arg16[%dma_start3A_71, %dma_start3A_72] : memref<512x8xf32, #tpu.memory_space<vmem>> -> memref<128x8xf32, #tpu.memory_space<vmem>>
    %dma_start3A_74 = arith.constant 384 : i32
    %dma_start3A_75 = tpu.memref_slice %arg13[%dma_start3A_74] : memref<512xi32, #tpu.memory_space<vmem>> -> memref<128xi32, #tpu.memory_space<vmem>>
    %dma_start3A_76 = arith.constant 0 : i32
    %dma_start3A_77 = arith.constant 0 : i32
    %dma_start3A_78 = tpu.memref_slice %arg10[%dma_start3A_76, %dma_start3A_77] : memref<500x8xf32, #tpu.memory_space<vmem_shared>> -> memref<500x8xf32, #tpu.memory_space<vmem_shared>>
    tpu.enqueue_indirect_dma source(%dma_start3A_78 : memref<500x8xf32, #tpu.memory_space<vmem_shared>>) target(%dma_start3A_73 : memref<128x8xf32, #tpu.memory_space<vmem>>) offsets(%dma_start3A_75 : memref<128xi32, #tpu.memory_space<vmem>>) semaphore(%arg19 : memref<!tpu.dma_semaphore, #tpu.memory_space<semaphore_mem>>)
    %dma_wait3A_79 = tpu.memref_slice %arg4[%mul3A_2] : memref<16384xi32, #tpu.memory_space<hbm>> -> memref<512xi32, #tpu.memory_space<hbm>>
    %dma_wait3A_80 = tpu.memref_slice %arg4[%mul3A_2] : memref<16384xi32, #tpu.memory_space<hbm>> -> memref<512xi32, #tpu.memory_space<hbm>>
    tpu.wait_dma2 semaphore(%arg18 : memref<!tpu.dma_semaphore, #tpu.memory_space<semaphore_mem>>) src(%dma_wait3A_80 : memref<512xi32, #tpu.memory_space<hbm>>) dst(%arg14 : memref<512xi32, #tpu.memory_space<vmem>>)
    %dma_start3A_81 = arith.constant 0 : i32
    %dma_start3A_82 = arith.constant 0 : i32
    %dma_start3A_83 = tpu.memref_slice %arg17[%dma_start3A_81, %dma_start3A_82] : memref<512x8xf32, #tpu.memory_space<vmem>> -> memref<128x8xf32, #tpu.memory_space<vmem>>
    %dma_start3A_84 = arith.constant 0 : i32
    %dma_start3A_85 = tpu.memref_slice %arg14[%dma_start3A_84] : memref<512xi32, #tpu.memory_space<vmem>> -> memref<128xi32, #tpu.memory_space<vmem>>
    %dma_start3A_86 = arith.constant 0 : i32
    %dma_start3A_87 = arith.constant 0 : i32
    %dma_start3A_88 = tpu.memref_slice %arg11[%dma_start3A_86, %dma_start3A_87] : memref<10000x8xf32, #tpu.memory_space<vmem_shared>> -> memref<10000x8xf32, #tpu.memory_space<vmem_shared>>
    tpu.enqueue_indirect_dma source(%dma_start3A_88 : memref<10000x8xf32, #tpu.memory_space<vmem_shared>>) target(%dma_start3A_83 : memref<128x8xf32, #tpu.memory_space<vmem>>) offsets(%dma_start3A_85 : memref<128xi32, #tpu.memory_space<vmem>>) semaphore(%arg19 : memref<!tpu.dma_semaphore, #tpu.memory_space<semaphore_mem>>)
    %dma_start3A_89 = arith.constant 128 : i32
    %dma_start3A_90 = arith.constant 0 : i32
    %dma_start3A_91 = tpu.memref_slice %arg17[%dma_start3A_89, %dma_start3A_90] : memref<512x8xf32, #tpu.memory_space<vmem>> -> memref<128x8xf32, #tpu.memory_space<vmem>>
    %dma_start3A_92 = arith.constant 128 : i32
    %dma_start3A_93 = tpu.memref_slice %arg14[%dma_start3A_92] : memref<512xi32, #tpu.memory_space<vmem>> -> memref<128xi32, #tpu.memory_space<vmem>>
    %dma_start3A_94 = arith.constant 0 : i32
    %dma_start3A_95 = arith.constant 0 : i32
    %dma_start3A_96 = tpu.memref_slice %arg11[%dma_start3A_94, %dma_start3A_95] : memref<10000x8xf32, #tpu.memory_space<vmem_shared>> -> memref<10000x8xf32, #tpu.memory_space<vmem_shared>>
    tpu.enqueue_indirect_dma source(%dma_start3A_96 : memref<10000x8xf32, #tpu.memory_space<vmem_shared>>) target(%dma_start3A_91 : memref<128x8xf32, #tpu.memory_space<vmem>>) offsets(%dma_start3A_93 : memref<128xi32, #tpu.memory_space<vmem>>) semaphore(%arg19 : memref<!tpu.dma_semaphore, #tpu.memory_space<semaphore_mem>>)
    %dma_start3A_97 = arith.constant 256 : i32
    %dma_start3A_98 = arith.constant 0 : i32
    %dma_start3A_99 = tpu.memref_slice %arg17[%dma_start3A_97, %dma_start3A_98] : memref<512x8xf32, #tpu.memory_space<vmem>> -> memref<128x8xf32, #tpu.memory_space<vmem>>
    %dma_start3A_100 = arith.constant 256 : i32
    %dma_start3A_101 = tpu.memref_slice %arg14[%dma_start3A_100] : memref<512xi32, #tpu.memory_space<vmem>> -> memref<128xi32, #tpu.memory_space<vmem>>
    %dma_start3A_102 = arith.constant 0 : i32
    %dma_start3A_103 = arith.constant 0 : i32
    %dma_start3A_104 = tpu.memref_slice %arg11[%dma_start3A_102, %dma_start3A_103] : memref<10000x8xf32, #tpu.memory_space<vmem_shared>> -> memref<10000x8xf32, #tpu.memory_space<vmem_shared>>
    tpu.enqueue_indirect_dma source(%dma_start3A_104 : memref<10000x8xf32, #tpu.memory_space<vmem_shared>>) target(%dma_start3A_99 : memref<128x8xf32, #tpu.memory_space<vmem>>) offsets(%dma_start3A_101 : memref<128xi32, #tpu.memory_space<vmem>>) semaphore(%arg19 : memref<!tpu.dma_semaphore, #tpu.memory_space<semaphore_mem>>)
    %dma_start3A_105 = arith.constant 384 : i32
    %dma_start3A_106 = arith.constant 0 : i32
    %dma_start3A_107 = tpu.memref_slice %arg17[%dma_start3A_105, %dma_start3A_106] : memref<512x8xf32, #tpu.memory_space<vmem>> -> memref<128x8xf32, #tpu.memory_space<vmem>>
    %dma_start3A_108 = arith.constant 384 : i32
    %dma_start3A_109 = tpu.memref_slice %arg14[%dma_start3A_108] : memref<512xi32, #tpu.memory_space<vmem>> -> memref<128xi32, #tpu.memory_space<vmem>>
    %dma_start3A_110 = arith.constant 0 : i32
    %dma_start3A_111 = arith.constant 0 : i32
    %dma_start3A_112 = tpu.memref_slice %arg11[%dma_start3A_110, %dma_start3A_111] : memref<10000x8xf32, #tpu.memory_space<vmem_shared>> -> memref<10000x8xf32, #tpu.memory_space<vmem_shared>>
    tpu.enqueue_indirect_dma source(%dma_start3A_112 : memref<10000x8xf32, #tpu.memory_space<vmem_shared>>) target(%dma_start3A_107 : memref<128x8xf32, #tpu.memory_space<vmem>>) offsets(%dma_start3A_109 : memref<128xi32, #tpu.memory_space<vmem>>) semaphore(%arg19 : memref<!tpu.dma_semaphore, #tpu.memory_space<semaphore_mem>>)
    %dma_wait3A_113 = arith.constant 0 : i32
    %dma_wait3A_114 = arith.constant 0 : i32
    %dma_wait3A_115 = tpu.memref_slice %arg15[%dma_wait3A_113, %dma_wait3A_114] : memref<512x8xf32, #tpu.memory_space<vmem>> -> memref<128x8xf32, #tpu.memory_space<vmem>>
    %dma_wait3A_116 = arith.constant 0 : i32
    %dma_wait3A_117 = tpu.memref_slice %arg12[%dma_wait3A_116] : memref<512xi32, #tpu.memory_space<vmem>> -> memref<128xi32, #tpu.memory_space<vmem>>
    %dma_wait3A_118 = arith.constant 0 : i32
    %dma_wait3A_119 = arith.constant 0 : i32
    %dma_wait3A_120 = tpu.memref_slice %arg9[%dma_wait3A_118, %dma_wait3A_119] : memref<1000x8xf32, #tpu.memory_space<vmem_shared>> -> memref<1000x8xf32, #tpu.memory_space<vmem_shared>>
    tpu.wait_indirect_dma semaphore(%arg19 : memref<!tpu.dma_semaphore, #tpu.memory_space<semaphore_mem>>) src(%dma_wait3A_120 : memref<1000x8xf32, #tpu.memory_space<vmem_shared>>) dst(%dma_wait3A_115 : memref<128x8xf32, #tpu.memory_space<vmem>>)
    %dma_wait3A_121 = arith.constant 128 : i32
    %dma_wait3A_122 = arith.constant 0 : i32
    %dma_wait3A_123 = tpu.memref_slice %arg15[%dma_wait3A_121, %dma_wait3A_122] : memref<512x8xf32, #tpu.memory_space<vmem>> -> memref<128x8xf32, #tpu.memory_space<vmem>>
    %dma_wait3A_124 = arith.constant 128 : i32
    %dma_wait3A_125 = tpu.memref_slice %arg12[%dma_wait3A_124] : memref<512xi32, #tpu.memory_space<vmem>> -> memref<128xi32, #tpu.memory_space<vmem>>
    %dma_wait3A_126 = arith.constant 0 : i32
    %dma_wait3A_127 = arith.constant 0 : i32
    %dma_wait3A_128 = tpu.memref_slice %arg9[%dma_wait3A_126, %dma_wait3A_127] : memref<1000x8xf32, #tpu.memory_space<vmem_shared>> -> memref<1000x8xf32, #tpu.memory_space<vmem_shared>>
    tpu.wait_indirect_dma semaphore(%arg19 : memref<!tpu.dma_semaphore, #tpu.memory_space<semaphore_mem>>) src(%dma_wait3A_128 : memref<1000x8xf32, #tpu.memory_space<vmem_shared>>) dst(%dma_wait3A_123 : memref<128x8xf32, #tpu.memory_space<vmem>>)
    %dma_wait3A_129 = arith.constant 256 : i32
    %dma_wait3A_130 = arith.constant 0 : i32
    %dma_wait3A_131 = tpu.memref_slice %arg15[%dma_wait3A_129, %dma_wait3A_130] : memref<512x8xf32, #tpu.memory_space<vmem>> -> memref<128x8xf32, #tpu.memory_space<vmem>>
    %dma_wait3A_132 = arith.constant 256 : i32
    %dma_wait3A_133 = tpu.memref_slice %arg12[%dma_wait3A_132] : memref<512xi32, #tpu.memory_space<vmem>> -> memref<128xi32, #tpu.memory_space<vmem>>
    %dma_wait3A_134 = arith.constant 0 : i32
    %dma_wait3A_135 = arith.constant 0 : i32
    %dma_wait3A_136 = tpu.memref_slice %arg9[%dma_wait3A_134, %dma_wait3A_135] : memref<1000x8xf32, #tpu.memory_space<vmem_shared>> -> memref<1000x8xf32, #tpu.memory_space<vmem_shared>>
    tpu.wait_indirect_dma semaphore(%arg19 : memref<!tpu.dma_semaphore, #tpu.memory_space<semaphore_mem>>) src(%dma_wait3A_136 : memref<1000x8xf32, #tpu.memory_space<vmem_shared>>) dst(%dma_wait3A_131 : memref<128x8xf32, #tpu.memory_space<vmem>>)
    %dma_wait3A_137 = arith.constant 384 : i32
    %dma_wait3A_138 = arith.constant 0 : i32
    %dma_wait3A_139 = tpu.memref_slice %arg15[%dma_wait3A_137, %dma_wait3A_138] : memref<512x8xf32, #tpu.memory_space<vmem>> -> memref<128x8xf32, #tpu.memory_space<vmem>>
    %dma_wait3A_140 = arith.constant 384 : i32
    %dma_wait3A_141 = tpu.memref_slice %arg12[%dma_wait3A_140] : memref<512xi32, #tpu.memory_space<vmem>> -> memref<128xi32, #tpu.memory_space<vmem>>
    %dma_wait3A_142 = arith.constant 0 : i32
    %dma_wait3A_143 = arith.constant 0 : i32
    %dma_wait3A_144 = tpu.memref_slice %arg9[%dma_wait3A_142, %dma_wait3A_143] : memref<1000x8xf32, #tpu.memory_space<vmem_shared>> -> memref<1000x8xf32, #tpu.memory_space<vmem_shared>>
    tpu.wait_indirect_dma semaphore(%arg19 : memref<!tpu.dma_semaphore, #tpu.memory_space<semaphore_mem>>) src(%dma_wait3A_144 : memref<1000x8xf32, #tpu.memory_space<vmem_shared>>) dst(%dma_wait3A_139 : memref<128x8xf32, #tpu.memory_space<vmem>>)
    %dma_start3A_145 = arith.constant 0 : i32
    %dma_start3A_146 = arith.constant 0 : i32
    %dma_start3A_147 = tpu.memref_slice %arg15[%dma_start3A_145, %dma_start3A_146] : memref<512x8xf32, #tpu.memory_space<vmem>> -> memref<32x8xf32, #tpu.memory_space<vmem>>
    %dma_start3A_148 = arith.constant 0 : i32
    %dma_start3A_149 = tpu.memref_slice %arg8[%mul3A_4, %dma_start3A_148] : memref<1024x384xf32, #tpu.memory_space<hbm>> -> memref<32x8xf32, #tpu.memory_space<hbm>>
    %dma_start3A_150 = arith.constant 0 : i32
    %dma_start3A_151 = tpu.memref_slice %arg8[%mul3A_4, %dma_start3A_150] : memref<1024x384xf32, #tpu.memory_space<hbm>> -> memref<32x8xf32, #tpu.memory_space<hbm>>
    %dma_start3A_152 = arith.constant 0 : i32
    %dma_start3A_153 = arith.constant 0 : i32
    %dma_start3A_154 = tpu.memref_slice %arg15[%dma_start3A_152, %dma_start3A_153] : memref<512x8xf32, #tpu.memory_space<vmem>> -> memref<32x8xf32, #tpu.memory_space<vmem>>
    tpu.enqueue_dma source(%dma_start3A_154 : memref<32x8xf32, #tpu.memory_space<vmem>>) target(%dma_start3A_151 : memref<32x8xf32, #tpu.memory_space<hbm>>) target_semaphore(%arg20 : memref<!tpu.dma_semaphore, #tpu.memory_space<semaphore_mem>>)
    %dma_start3A_155 = arith.constant 32 : i32
    %dma_start3A_156 = arith.constant 0 : i32
    %dma_start3A_157 = tpu.memref_slice %arg15[%dma_start3A_155, %dma_start3A_156] : memref<512x8xf32, #tpu.memory_space<vmem>> -> memref<32x8xf32, #tpu.memory_space<vmem>>
    %dma_start3A_158 = arith.constant 8 : i32
    %dma_start3A_159 = tpu.memref_slice %arg8[%mul3A_4, %dma_start3A_158] : memref<1024x384xf32, #tpu.memory_space<hbm>> -> memref<32x8xf32, #tpu.memory_space<hbm>>
    %dma_start3A_160 = arith.constant 8 : i32
    %dma_start3A_161 = tpu.memref_slice %arg8[%mul3A_4, %dma_start3A_160] : memref<1024x384xf32, #tpu.memory_space<hbm>> -> memref<32x8xf32, #tpu.memory_space<hbm>>
    %dma_start3A_162 = arith.constant 32 : i32
    %dma_start3A_163 = arith.constant 0 : i32
    %dma_start3A_164 = tpu.memref_slice %arg15[%dma_start3A_162, %dma_start3A_163] : memref<512x8xf32, #tpu.memory_space<vmem>> -> memref<32x8xf32, #tpu.memory_space<vmem>>
    tpu.enqueue_dma source(%dma_start3A_164 : memref<32x8xf32, #tpu.memory_space<vmem>>) target(%dma_start3A_161 : memref<32x8xf32, #tpu.memory_space<hbm>>) target_semaphore(%arg20 : memref<!tpu.dma_semaphore, #tpu.memory_space<semaphore_mem>>)
    %dma_start3A_165 = arith.constant 64 : i32
    %dma_start3A_166 = arith.constant 0 : i32
    %dma_start3A_167 = tpu.memref_slice %arg15[%dma_start3A_165, %dma_start3A_166] : memref<512x8xf32, #tpu.memory_space<vmem>> -> memref<32x8xf32, #tpu.memory_space<vmem>>
    %dma_start3A_168 = arith.constant 16 : i32
    %dma_start3A_169 = tpu.memref_slice %arg8[%mul3A_4, %dma_start3A_168] : memref<1024x384xf32, #tpu.memory_space<hbm>> -> memref<32x8xf32, #tpu.memory_space<hbm>>
    %dma_start3A_170 = arith.constant 16 : i32
    %dma_start3A_171 = tpu.memref_slice %arg8[%mul3A_4, %dma_start3A_170] : memref<1024x384xf32, #tpu.memory_space<hbm>> -> memref<32x8xf32, #tpu.memory_space<hbm>>
    %dma_start3A_172 = arith.constant 64 : i32
    %dma_start3A_173 = arith.constant 0 : i32
    %dma_start3A_174 = tpu.memref_slice %arg15[%dma_start3A_172, %dma_start3A_173] : memref<512x8xf32, #tpu.memory_space<vmem>> -> memref<32x8xf32, #tpu.memory_space<vmem>>
    tpu.enqueue_dma source(%dma_start3A_174 : memref<32x8xf32, #tpu.memory_space<vmem>>) target(%dma_start3A_171 : memref<32x8xf32, #tpu.memory_space<hbm>>) target_semaphore(%arg20 : memref<!tpu.dma_semaphore, #tpu.memory_space<semaphore_mem>>)
    %dma_start3A_175 = arith.constant 96 : i32
    %dma_start3A_176 = arith.constant 0 : i32
    %dma_start3A_177 = tpu.memref_slice %arg15[%dma_start3A_175, %dma_start3A_176] : memref<512x8xf32, #tpu.memory_space<vmem>> -> memref<32x8xf32, #tpu.memory_space<vmem>>
    %dma_start3A_178 = arith.constant 24 : i32
    %dma_start3A_179 = tpu.memref_slice %arg8[%mul3A_4, %dma_start3A_178] : memref<1024x384xf32, #tpu.memory_space<hbm>> -> memref<32x8xf32, #tpu.memory_space<hbm>>
    %dma_start3A_180 = arith.constant 24 : i32
    %dma_start3A_181 = tpu.memref_slice %arg8[%mul3A_4, %dma_start3A_180] : memref<1024x384xf32, #tpu.memory_space<hbm>> -> memref<32x8xf32, #tpu.memory_space<hbm>>
    %dma_start3A_182 = arith.constant 96 : i32
    %dma_start3A_183 = arith.constant 0 : i32
    %dma_start3A_184 = tpu.memref_slice %arg15[%dma_start3A_182, %dma_start3A_183] : memref<512x8xf32, #tpu.memory_space<vmem>> -> memref<32x8xf32, #tpu.memory_space<vmem>>
    tpu.enqueue_dma source(%dma_start3A_184 : memref<32x8xf32, #tpu.memory_space<vmem>>) target(%dma_start3A_181 : memref<32x8xf32, #tpu.memory_space<hbm>>) target_semaphore(%arg20 : memref<!tpu.dma_semaphore, #tpu.memory_space<semaphore_mem>>)
    %dma_start3A_185 = arith.constant 128 : i32
    %dma_start3A_186 = arith.constant 0 : i32
    %dma_start3A_187 = tpu.memref_slice %arg15[%dma_start3A_185, %dma_start3A_186] : memref<512x8xf32, #tpu.memory_space<vmem>> -> memref<32x8xf32, #tpu.memory_space<vmem>>
    %dma_start3A_188 = arith.constant 32 : i32
    %dma_start3A_189 = tpu.memref_slice %arg8[%mul3A_4, %dma_start3A_188] : memref<1024x384xf32, #tpu.memory_space<hbm>> -> memref<32x8xf32, #tpu.memory_space<hbm>>
    %dma_start3A_190 = arith.constant 32 : i32
    %dma_start3A_191 = tpu.memref_slice %arg8[%mul3A_4, %dma_start3A_190] : memref<1024x384xf32, #tpu.memory_space<hbm>> -> memref<32x8xf32, #tpu.memory_space<hbm>>
    %dma_start3A_192 = arith.constant 128 : i32
    %dma_start3A_193 = arith.constant 0 : i32
    %dma_start3A_194 = tpu.memref_slice %arg15[%dma_start3A_192, %dma_start3A_193] : memref<512x8xf32, #tpu.memory_space<vmem>> -> memref<32x8xf32, #tpu.memory_space<vmem>>
    tpu.enqueue_dma source(%dma_start3A_194 : memref<32x8xf32, #tpu.memory_space<vmem>>) target(%dma_start3A_191 : memref<32x8xf32, #tpu.memory_space<hbm>>) target_semaphore(%arg20 : memref<!tpu.dma_semaphore, #tpu.memory_space<semaphore_mem>>)
    %dma_start3A_195 = arith.constant 160 : i32
    %dma_start3A_196 = arith.constant 0 : i32
    %dma_start3A_197 = tpu.memref_slice %arg15[%dma_start3A_195, %dma_start3A_196] : memref<512x8xf32, #tpu.memory_space<vmem>> -> memref<32x8xf32, #tpu.memory_space<vmem>>
    %dma_start3A_198 = arith.constant 40 : i32
    %dma_start3A_199 = tpu.memref_slice %arg8[%mul3A_4, %dma_start3A_198] : memref<1024x384xf32, #tpu.memory_space<hbm>> -> memref<32x8xf32, #tpu.memory_space<hbm>>
    %dma_start3A_200 = arith.constant 40 : i32
    %dma_start3A_201 = tpu.memref_slice %arg8[%mul3A_4, %dma_start3A_200] : memref<1024x384xf32, #tpu.memory_space<hbm>> -> memref<32x8xf32, #tpu.memory_space<hbm>>
    %dma_start3A_202 = arith.constant 160 : i32
    %dma_start3A_203 = arith.constant 0 : i32
    %dma_start3A_204 = tpu.memref_slice %arg15[%dma_start3A_202, %dma_start3A_203] : memref<512x8xf32, #tpu.memory_space<vmem>> -> memref<32x8xf32, #tpu.memory_space<vmem>>
    tpu.enqueue_dma source(%dma_start3A_204 : memref<32x8xf32, #tpu.memory_space<vmem>>) target(%dma_start3A_201 : memref<32x8xf32, #tpu.memory_space<hbm>>) target_semaphore(%arg20 : memref<!tpu.dma_semaphore, #tpu.memory_space<semaphore_mem>>)
    %dma_start3A_205 = arith.constant 192 : i32
    %dma_start3A_206 = arith.constant 0 : i32
    %dma_start3A_207 = tpu.memref_slice %arg15[%dma_start3A_205, %dma_start3A_206] : memref<512x8xf32, #tpu.memory_space<vmem>> -> memref<32x8xf32, #tpu.memory_space<vmem>>
    %dma_start3A_208 = arith.constant 48 : i32
    %dma_start3A_209 = tpu.memref_slice %arg8[%mul3A_4, %dma_start3A_208] : memref<1024x384xf32, #tpu.memory_space<hbm>> -> memref<32x8xf32, #tpu.memory_space<hbm>>
    %dma_start3A_210 = arith.constant 48 : i32
    %dma_start3A_211 = tpu.memref_slice %arg8[%mul3A_4, %dma_start3A_210] : memref<1024x384xf32, #tpu.memory_space<hbm>> -> memref<32x8xf32, #tpu.memory_space<hbm>>
    %dma_start3A_212 = arith.constant 192 : i32
    %dma_start3A_213 = arith.constant 0 : i32
    %dma_start3A_214 = tpu.memref_slice %arg15[%dma_start3A_212, %dma_start3A_213] : memref<512x8xf32, #tpu.memory_space<vmem>> -> memref<32x8xf32, #tpu.memory_space<vmem>>
    tpu.enqueue_dma source(%dma_start3A_214 : memref<32x8xf32, #tpu.memory_space<vmem>>) target(%dma_start3A_211 : memref<32x8xf32, #tpu.memory_space<hbm>>) target_semaphore(%arg20 : memref<!tpu.dma_semaphore, #tpu.memory_space<semaphore_mem>>)
    %dma_start3A_215 = arith.constant 224 : i32
    %dma_start3A_216 = arith.constant 0 : i32
    %dma_start3A_217 = tpu.memref_slice %arg15[%dma_start3A_215, %dma_start3A_216] : memref<512x8xf32, #tpu.memory_space<vmem>> -> memref<32x8xf32, #tpu.memory_space<vmem>>
    %dma_start3A_218 = arith.constant 56 : i32
    %dma_start3A_219 = tpu.memref_slice %arg8[%mul3A_4, %dma_start3A_218] : memref<1024x384xf32, #tpu.memory_space<hbm>> -> memref<32x8xf32, #tpu.memory_space<hbm>>
    %dma_start3A_220 = arith.constant 56 : i32
    %dma_start3A_221 = tpu.memref_slice %arg8[%mul3A_4, %dma_start3A_220] : memref<1024x384xf32, #tpu.memory_space<hbm>> -> memref<32x8xf32, #tpu.memory_space<hbm>>
    %dma_start3A_222 = arith.constant 224 : i32
    %dma_start3A_223 = arith.constant 0 : i32
    %dma_start3A_224 = tpu.memref_slice %arg15[%dma_start3A_222, %dma_start3A_223] : memref<512x8xf32, #tpu.memory_space<vmem>> -> memref<32x8xf32, #tpu.memory_space<vmem>>
    tpu.enqueue_dma source(%dma_start3A_224 : memref<32x8xf32, #tpu.memory_space<vmem>>) target(%dma_start3A_221 : memref<32x8xf32, #tpu.memory_space<hbm>>) target_semaphore(%arg20 : memref<!tpu.dma_semaphore, #tpu.memory_space<semaphore_mem>>)
    %dma_start3A_225 = arith.constant 256 : i32
    %dma_start3A_226 = arith.constant 0 : i32
    %dma_start3A_227 = tpu.memref_slice %arg15[%dma_start3A_225, %dma_start3A_226] : memref<512x8xf32, #tpu.memory_space<vmem>> -> memref<32x8xf32, #tpu.memory_space<vmem>>
    %dma_start3A_228 = arith.constant 64 : i32
    %dma_start3A_229 = tpu.memref_slice %arg8[%mul3A_4, %dma_start3A_228] : memref<1024x384xf32, #tpu.memory_space<hbm>> -> memref<32x8xf32, #tpu.memory_space<hbm>>
    %dma_start3A_230 = arith.constant 64 : i32
    %dma_start3A_231 = tpu.memref_slice %arg8[%mul3A_4, %dma_start3A_230] : memref<1024x384xf32, #tpu.memory_space<hbm>> -> memref<32x8xf32, #tpu.memory_space<hbm>>
    %dma_start3A_232 = arith.constant 256 : i32
    %dma_start3A_233 = arith.constant 0 : i32
    %dma_start3A_234 = tpu.memref_slice %arg15[%dma_start3A_232, %dma_start3A_233] : memref<512x8xf32, #tpu.memory_space<vmem>> -> memref<32x8xf32, #tpu.memory_space<vmem>>
    tpu.enqueue_dma source(%dma_start3A_234 : memref<32x8xf32, #tpu.memory_space<vmem>>) target(%dma_start3A_231 : memref<32x8xf32, #tpu.memory_space<hbm>>) target_semaphore(%arg20 : memref<!tpu.dma_semaphore, #tpu.memory_space<semaphore_mem>>)
    %dma_start3A_235 = arith.constant 288 : i32
    %dma_start3A_236 = arith.constant 0 : i32
    %dma_start3A_237 = tpu.memref_slice %arg15[%dma_start3A_235, %dma_start3A_236] : memref<512x8xf32, #tpu.memory_space<vmem>> -> memref<32x8xf32, #tpu.memory_space<vmem>>
    %dma_start3A_238 = arith.constant 72 : i32
    %dma_start3A_239 = tpu.memref_slice %arg8[%mul3A_4, %dma_start3A_238] : memref<1024x384xf32, #tpu.memory_space<hbm>> -> memref<32x8xf32, #tpu.memory_space<hbm>>
    %dma_start3A_240 = arith.constant 72 : i32
    %dma_start3A_241 = tpu.memref_slice %arg8[%mul3A_4, %dma_start3A_240] : memref<1024x384xf32, #tpu.memory_space<hbm>> -> memref<32x8xf32, #tpu.memory_space<hbm>>
    %dma_start3A_242 = arith.constant 288 : i32
    %dma_start3A_243 = arith.constant 0 : i32
    %dma_start3A_244 = tpu.memref_slice %arg15[%dma_start3A_242, %dma_start3A_243] : memref<512x8xf32, #tpu.memory_space<vmem>> -> memref<32x8xf32, #tpu.memory_space<vmem>>
    tpu.enqueue_dma source(%dma_start3A_244 : memref<32x8xf32, #tpu.memory_space<vmem>>) target(%dma_start3A_241 : memref<32x8xf32, #tpu.memory_space<hbm>>) target_semaphore(%arg20 : memref<!tpu.dma_semaphore, #tpu.memory_space<semaphore_mem>>)
    %dma_start3A_245 = arith.constant 320 : i32
    %dma_start3A_246 = arith.constant 0 : i32
    %dma_start3A_247 = tpu.memref_slice %arg15[%dma_start3A_245, %dma_start3A_246] : memref<512x8xf32, #tpu.memory_space<vmem>> -> memref<32x8xf32, #tpu.memory_space<vmem>>
    %dma_start3A_248 = arith.constant 80 : i32
    %dma_start3A_249 = tpu.memref_slice %arg8[%mul3A_4, %dma_start3A_248] : memref<1024x384xf32, #tpu.memory_space<hbm>> -> memref<32x8xf32, #tpu.memory_space<hbm>>
    %dma_start3A_250 = arith.constant 80 : i32
    %dma_start3A_251 = tpu.memref_slice %arg8[%mul3A_4, %dma_start3A_250] : memref<1024x384xf32, #tpu.memory_space<hbm>> -> memref<32x8xf32, #tpu.memory_space<hbm>>
    %dma_start3A_252 = arith.constant 320 : i32
    %dma_start3A_253 = arith.constant 0 : i32
    %dma_start3A_254 = tpu.memref_slice %arg15[%dma_start3A_252, %dma_start3A_253] : memref<512x8xf32, #tpu.memory_space<vmem>> -> memref<32x8xf32, #tpu.memory_space<vmem>>
    tpu.enqueue_dma source(%dma_start3A_254 : memref<32x8xf32, #tpu.memory_space<vmem>>) target(%dma_start3A_251 : memref<32x8xf32, #tpu.memory_space<hbm>>) target_semaphore(%arg20 : memref<!tpu.dma_semaphore, #tpu.memory_space<semaphore_mem>>)
    %dma_start3A_255 = arith.constant 352 : i32
    %dma_start3A_256 = arith.constant 0 : i32
    %dma_start3A_257 = tpu.memref_slice %arg15[%dma_start3A_255, %dma_start3A_256] : memref<512x8xf32, #tpu.memory_space<vmem>> -> memref<32x8xf32, #tpu.memory_space<vmem>>
    %dma_start3A_258 = arith.constant 88 : i32
    %dma_start3A_259 = tpu.memref_slice %arg8[%mul3A_4, %dma_start3A_258] : memref<1024x384xf32, #tpu.memory_space<hbm>> -> memref<32x8xf32, #tpu.memory_space<hbm>>
    %dma_start3A_260 = arith.constant 88 : i32
    %dma_start3A_261 = tpu.memref_slice %arg8[%mul3A_4, %dma_start3A_260] : memref<1024x384xf32, #tpu.memory_space<hbm>> -> memref<32x8xf32, #tpu.memory_space<hbm>>
    %dma_start3A_262 = arith.constant 352 : i32
    %dma_start3A_263 = arith.constant 0 : i32
    %dma_start3A_264 = tpu.memref_slice %arg15[%dma_start3A_262, %dma_start3A_263] : memref<512x8xf32, #tpu.memory_space<vmem>> -> memref<32x8xf32, #tpu.memory_space<vmem>>
    tpu.enqueue_dma source(%dma_start3A_264 : memref<32x8xf32, #tpu.memory_space<vmem>>) target(%dma_start3A_261 : memref<32x8xf32, #tpu.memory_space<hbm>>) target_semaphore(%arg20 : memref<!tpu.dma_semaphore, #tpu.memory_space<semaphore_mem>>)
    %dma_start3A_265 = arith.constant 384 : i32
    %dma_start3A_266 = arith.constant 0 : i32
    %dma_start3A_267 = tpu.memref_slice %arg15[%dma_start3A_265, %dma_start3A_266] : memref<512x8xf32, #tpu.memory_space<vmem>> -> memref<32x8xf32, #tpu.memory_space<vmem>>
    %dma_start3A_268 = arith.constant 96 : i32
    %dma_start3A_269 = tpu.memref_slice %arg8[%mul3A_4, %dma_start3A_268] : memref<1024x384xf32, #tpu.memory_space<hbm>> -> memref<32x8xf32, #tpu.memory_space<hbm>>
    %dma_start3A_270 = arith.constant 96 : i32
    %dma_start3A_271 = tpu.memref_slice %arg8[%mul3A_4, %dma_start3A_270] : memref<1024x384xf32, #tpu.memory_space<hbm>> -> memref<32x8xf32, #tpu.memory_space<hbm>>
    %dma_start3A_272 = arith.constant 384 : i32
    %dma_start3A_273 = arith.constant 0 : i32
    %dma_start3A_274 = tpu.memref_slice %arg15[%dma_start3A_272, %dma_start3A_273] : memref<512x8xf32, #tpu.memory_space<vmem>> -> memref<32x8xf32, #tpu.memory_space<vmem>>
    tpu.enqueue_dma source(%dma_start3A_274 : memref<32x8xf32, #tpu.memory_space<vmem>>) target(%dma_start3A_271 : memref<32x8xf32, #tpu.memory_space<hbm>>) target_semaphore(%arg20 : memref<!tpu.dma_semaphore, #tpu.memory_space<semaphore_mem>>)
    %dma_start3A_275 = arith.constant 416 : i32
    %dma_start3A_276 = arith.constant 0 : i32
    %dma_start3A_277 = tpu.memref_slice %arg15[%dma_start3A_275, %dma_start3A_276] : memref<512x8xf32, #tpu.memory_space<vmem>> -> memref<32x8xf32, #tpu.memory_space<vmem>>
    %dma_start3A_278 = arith.constant 104 : i32
    %dma_start3A_279 = tpu.memref_slice %arg8[%mul3A_4, %dma_start3A_278] : memref<1024x384xf32, #tpu.memory_space<hbm>> -> memref<32x8xf32, #tpu.memory_space<hbm>>
    %dma_start3A_280 = arith.constant 104 : i32
    %dma_start3A_281 = tpu.memref_slice %arg8[%mul3A_4, %dma_start3A_280] : memref<1024x384xf32, #tpu.memory_space<hbm>> -> memref<32x8xf32, #tpu.memory_space<hbm>>
    %dma_start3A_282 = arith.constant 416 : i32
    %dma_start3A_283 = arith.constant 0 : i32
    %dma_start3A_284 = tpu.memref_slice %arg15[%dma_start3A_282, %dma_start3A_283] : memref<512x8xf32, #tpu.memory_space<vmem>> -> memref<32x8xf32, #tpu.memory_space<vmem>>
    tpu.enqueue_dma source(%dma_start3A_284 : memref<32x8xf32, #tpu.memory_space<vmem>>) target(%dma_start3A_281 : memref<32x8xf32, #tpu.memory_space<hbm>>) target_semaphore(%arg20 : memref<!tpu.dma_semaphore, #tpu.memory_space<semaphore_mem>>)
    %dma_start3A_285 = arith.constant 448 : i32
    %dma_start3A_286 = arith.constant 0 : i32
    %dma_start3A_287 = tpu.memref_slice %arg15[%dma_start3A_285, %dma_start3A_286] : memref<512x8xf32, #tpu.memory_space<vmem>> -> memref<32x8xf32, #tpu.memory_space<vmem>>
    %dma_start3A_288 = arith.constant 112 : i32
    %dma_start3A_289 = tpu.memref_slice %arg8[%mul3A_4, %dma_start3A_288] : memref<1024x384xf32, #tpu.memory_space<hbm>> -> memref<32x8xf32, #tpu.memory_space<hbm>>
    %dma_start3A_290 = arith.constant 112 : i32
    %dma_start3A_291 = tpu.memref_slice %arg8[%mul3A_4, %dma_start3A_290] : memref<1024x384xf32, #tpu.memory_space<hbm>> -> memref<32x8xf32, #tpu.memory_space<hbm>>
    %dma_start3A_292 = arith.constant 448 : i32
    %dma_start3A_293 = arith.constant 0 : i32
    %dma_start3A_294 = tpu.memref_slice %arg15[%dma_start3A_292, %dma_start3A_293] : memref<512x8xf32, #tpu.memory_space<vmem>> -> memref<32x8xf32, #tpu.memory_space<vmem>>
    tpu.enqueue_dma source(%dma_start3A_294 : memref<32x8xf32, #tpu.memory_space<vmem>>) target(%dma_start3A_291 : memref<32x8xf32, #tpu.memory_space<hbm>>) target_semaphore(%arg20 : memref<!tpu.dma_semaphore, #tpu.memory_space<semaphore_mem>>)
    %dma_start3A_295 = arith.constant 480 : i32
    %dma_start3A_296 = arith.constant 0 : i32
    %dma_start3A_297 = tpu.memref_slice %arg15[%dma_start3A_295, %dma_start3A_296] : memref<512x8xf32, #tpu.memory_space<vmem>> -> memref<32x8xf32, #tpu.memory_space<vmem>>
    %dma_start3A_298 = arith.constant 120 : i32
    %dma_start3A_299 = tpu.memref_slice %arg8[%mul3A_4, %dma_start3A_298] : memref<1024x384xf32, #tpu.memory_space<hbm>> -> memref<32x8xf32, #tpu.memory_space<hbm>>
    %dma_start3A_300 = arith.constant 120 : i32
    %dma_start3A_301 = tpu.memref_slice %arg8[%mul3A_4, %dma_start3A_300] : memref<1024x384xf32, #tpu.memory_space<hbm>> -> memref<32x8xf32, #tpu.memory_space<hbm>>
    %dma_start3A_302 = arith.constant 480 : i32
    %dma_start3A_303 = arith.constant 0 : i32
    %dma_start3A_304 = tpu.memref_slice %arg15[%dma_start3A_302, %dma_start3A_303] : memref<512x8xf32, #tpu.memory_space<vmem>> -> memref<32x8xf32, #tpu.memory_space<vmem>>
    tpu.enqueue_dma source(%dma_start3A_304 : memref<32x8xf32, #tpu.memory_space<vmem>>) target(%dma_start3A_301 : memref<32x8xf32, #tpu.memory_space<hbm>>) target_semaphore(%arg20 : memref<!tpu.dma_semaphore, #tpu.memory_space<semaphore_mem>>)
    %dma_wait3A_305 = arith.constant 0 : i32
    %dma_wait3A_306 = arith.constant 0 : i32
    %dma_wait3A_307 = tpu.memref_slice %arg16[%dma_wait3A_305, %dma_wait3A_306] : memref<512x8xf32, #tpu.memory_space<vmem>> -> memref<128x8xf32, #tpu.memory_space<vmem>>
    %dma_wait3A_308 = arith.constant 0 : i32
    %dma_wait3A_309 = tpu.memref_slice %arg13[%dma_wait3A_308] : memref<512xi32, #tpu.memory_space<vmem>> -> memref<128xi32, #tpu.memory_space<vmem>>
    %dma_wait3A_310 = arith.constant 0 : i32
    %dma_wait3A_311 = arith.constant 0 : i32
    %dma_wait3A_312 = tpu.memref_slice %arg10[%dma_wait3A_310, %dma_wait3A_311] : memref<500x8xf32, #tpu.memory_space<vmem_shared>> -> memref<500x8xf32, #tpu.memory_space<vmem_shared>>
    tpu.wait_indirect_dma semaphore(%arg19 : memref<!tpu.dma_semaphore, #tpu.memory_space<semaphore_mem>>) src(%dma_wait3A_312 : memref<500x8xf32, #tpu.memory_space<vmem_shared>>) dst(%dma_wait3A_307 : memref<128x8xf32, #tpu.memory_space<vmem>>)
    %dma_wait3A_313 = arith.constant 128 : i32
    %dma_wait3A_314 = arith.constant 0 : i32
    %dma_wait3A_315 = tpu.memref_slice %arg16[%dma_wait3A_313, %dma_wait3A_314] : memref<512x8xf32, #tpu.memory_space<vmem>> -> memref<128x8xf32, #tpu.memory_space<vmem>>
    %dma_wait3A_316 = arith.constant 128 : i32
    %dma_wait3A_317 = tpu.memref_slice %arg13[%dma_wait3A_316] : memref<512xi32, #tpu.memory_space<vmem>> -> memref<128xi32, #tpu.memory_space<vmem>>
    %dma_wait3A_318 = arith.constant 0 : i32
    %dma_wait3A_319 = arith.constant 0 : i32
    %dma_wait3A_320 = tpu.memref_slice %arg10[%dma_wait3A_318, %dma_wait3A_319] : memref<500x8xf32, #tpu.memory_space<vmem_shared>> -> memref<500x8xf32, #tpu.memory_space<vmem_shared>>
    tpu.wait_indirect_dma semaphore(%arg19 : memref<!tpu.dma_semaphore, #tpu.memory_space<semaphore_mem>>) src(%dma_wait3A_320 : memref<500x8xf32, #tpu.memory_space<vmem_shared>>) dst(%dma_wait3A_315 : memref<128x8xf32, #tpu.memory_space<vmem>>)
    %dma_wait3A_321 = arith.constant 256 : i32
    %dma_wait3A_322 = arith.constant 0 : i32
    %dma_wait3A_323 = tpu.memref_slice %arg16[%dma_wait3A_321, %dma_wait3A_322] : memref<512x8xf32, #tpu.memory_space<vmem>> -> memref<128x8xf32, #tpu.memory_space<vmem>>
    %dma_wait3A_324 = arith.constant 256 : i32
    %dma_wait3A_325 = tpu.memref_slice %arg13[%dma_wait3A_324] : memref<512xi32, #tpu.memory_space<vmem>> -> memref<128xi32, #tpu.memory_space<vmem>>
    %dma_wait3A_326 = arith.constant 0 : i32
    %dma_wait3A_327 = arith.constant 0 : i32
    %dma_wait3A_328 = tpu.memref_slice %arg10[%dma_wait3A_326, %dma_wait3A_327] : memref<500x8xf32, #tpu.memory_space<vmem_shared>> -> memref<500x8xf32, #tpu.memory_space<vmem_shared>>
    tpu.wait_indirect_dma semaphore(%arg19 : memref<!tpu.dma_semaphore, #tpu.memory_space<semaphore_mem>>) src(%dma_wait3A_328 : memref<500x8xf32, #tpu.memory_space<vmem_shared>>) dst(%dma_wait3A_323 : memref<128x8xf32, #tpu.memory_space<vmem>>)
    %dma_wait3A_329 = arith.constant 384 : i32
    %dma_wait3A_330 = arith.constant 0 : i32
    %dma_wait3A_331 = tpu.memref_slice %arg16[%dma_wait3A_329, %dma_wait3A_330] : memref<512x8xf32, #tpu.memory_space<vmem>> -> memref<128x8xf32, #tpu.memory_space<vmem>>
    %dma_wait3A_332 = arith.constant 384 : i32
    %dma_wait3A_333 = tpu.memref_slice %arg13[%dma_wait3A_332] : memref<512xi32, #tpu.memory_space<vmem>> -> memref<128xi32, #tpu.memory_space<vmem>>
    %dma_wait3A_334 = arith.constant 0 : i32
    %dma_wait3A_335 = arith.constant 0 : i32
    %dma_wait3A_336 = tpu.memref_slice %arg10[%dma_wait3A_334, %dma_wait3A_335] : memref<500x8xf32, #tpu.memory_space<vmem_shared>> -> memref<500x8xf32, #tpu.memory_space<vmem_shared>>
    tpu.wait_indirect_dma semaphore(%arg19 : memref<!tpu.dma_semaphore, #tpu.memory_space<semaphore_mem>>) src(%dma_wait3A_336 : memref<500x8xf32, #tpu.memory_space<vmem_shared>>) dst(%dma_wait3A_331 : memref<128x8xf32, #tpu.memory_space<vmem>>)
    %dma_start3A_337 = arith.constant 0 : i32
    %dma_start3A_338 = arith.constant 0 : i32
    %dma_start3A_339 = tpu.memref_slice %arg16[%dma_start3A_337, %dma_start3A_338] : memref<512x8xf32, #tpu.memory_space<vmem>> -> memref<32x8xf32, #tpu.memory_space<vmem>>
    %dma_start3A_340 = arith.constant 128 : i32
    %dma_start3A_341 = tpu.memref_slice %arg8[%mul3A_4, %dma_start3A_340] : memref<1024x384xf32, #tpu.memory_space<hbm>> -> memref<32x8xf32, #tpu.memory_space<hbm>>
    %dma_start3A_342 = arith.constant 128 : i32
    %dma_start3A_343 = tpu.memref_slice %arg8[%mul3A_4, %dma_start3A_342] : memref<1024x384xf32, #tpu.memory_space<hbm>> -> memref<32x8xf32, #tpu.memory_space<hbm>>
    %dma_start3A_344 = arith.constant 0 : i32
    %dma_start3A_345 = arith.constant 0 : i32
    %dma_start3A_346 = tpu.memref_slice %arg16[%dma_start3A_344, %dma_start3A_345] : memref<512x8xf32, #tpu.memory_space<vmem>> -> memref<32x8xf32, #tpu.memory_space<vmem>>
    tpu.enqueue_dma source(%dma_start3A_346 : memref<32x8xf32, #tpu.memory_space<vmem>>) target(%dma_start3A_343 : memref<32x8xf32, #tpu.memory_space<hbm>>) target_semaphore(%arg20 : memref<!tpu.dma_semaphore, #tpu.memory_space<semaphore_mem>>)
    %dma_start3A_347 = arith.constant 32 : i32
    %dma_start3A_348 = arith.constant 0 : i32
    %dma_start3A_349 = tpu.memref_slice %arg16[%dma_start3A_347, %dma_start3A_348] : memref<512x8xf32, #tpu.memory_space<vmem>> -> memref<32x8xf32, #tpu.memory_space<vmem>>
    %dma_start3A_350 = arith.constant 136 : i32
    %dma_start3A_351 = tpu.memref_slice %arg8[%mul3A_4, %dma_start3A_350] : memref<1024x384xf32, #tpu.memory_space<hbm>> -> memref<32x8xf32, #tpu.memory_space<hbm>>
    %dma_start3A_352 = arith.constant 136 : i32
    %dma_start3A_353 = tpu.memref_slice %arg8[%mul3A_4, %dma_start3A_352] : memref<1024x384xf32, #tpu.memory_space<hbm>> -> memref<32x8xf32, #tpu.memory_space<hbm>>
    %dma_start3A_354 = arith.constant 32 : i32
    %dma_start3A_355 = arith.constant 0 : i32
    %dma_start3A_356 = tpu.memref_slice %arg16[%dma_start3A_354, %dma_start3A_355] : memref<512x8xf32, #tpu.memory_space<vmem>> -> memref<32x8xf32, #tpu.memory_space<vmem>>
    tpu.enqueue_dma source(%dma_start3A_356 : memref<32x8xf32, #tpu.memory_space<vmem>>) target(%dma_start3A_353 : memref<32x8xf32, #tpu.memory_space<hbm>>) target_semaphore(%arg20 : memref<!tpu.dma_semaphore, #tpu.memory_space<semaphore_mem>>)
    %dma_start3A_357 = arith.constant 64 : i32
    %dma_start3A_358 = arith.constant 0 : i32
    %dma_start3A_359 = tpu.memref_slice %arg16[%dma_start3A_357, %dma_start3A_358] : memref<512x8xf32, #tpu.memory_space<vmem>> -> memref<32x8xf32, #tpu.memory_space<vmem>>
    %dma_start3A_360 = arith.constant 144 : i32
    %dma_start3A_361 = tpu.memref_slice %arg8[%mul3A_4, %dma_start3A_360] : memref<1024x384xf32, #tpu.memory_space<hbm>> -> memref<32x8xf32, #tpu.memory_space<hbm>>
    %dma_start3A_362 = arith.constant 144 : i32
    %dma_start3A_363 = tpu.memref_slice %arg8[%mul3A_4, %dma_start3A_362] : memref<1024x384xf32, #tpu.memory_space<hbm>> -> memref<32x8xf32, #tpu.memory_space<hbm>>
    %dma_start3A_364 = arith.constant 64 : i32
    %dma_start3A_365 = arith.constant 0 : i32
    %dma_start3A_366 = tpu.memref_slice %arg16[%dma_start3A_364, %dma_start3A_365] : memref<512x8xf32, #tpu.memory_space<vmem>> -> memref<32x8xf32, #tpu.memory_space<vmem>>
    tpu.enqueue_dma source(%dma_start3A_366 : memref<32x8xf32, #tpu.memory_space<vmem>>) target(%dma_start3A_363 : memref<32x8xf32, #tpu.memory_space<hbm>>) target_semaphore(%arg20 : memref<!tpu.dma_semaphore, #tpu.memory_space<semaphore_mem>>)
    %dma_start3A_367 = arith.constant 96 : i32
    %dma_start3A_368 = arith.constant 0 : i32
    %dma_start3A_369 = tpu.memref_slice %arg16[%dma_start3A_367, %dma_start3A_368] : memref<512x8xf32, #tpu.memory_space<vmem>> -> memref<32x8xf32, #tpu.memory_space<vmem>>
    %dma_start3A_370 = arith.constant 152 : i32
    %dma_start3A_371 = tpu.memref_slice %arg8[%mul3A_4, %dma_start3A_370] : memref<1024x384xf32, #tpu.memory_space<hbm>> -> memref<32x8xf32, #tpu.memory_space<hbm>>
    %dma_start3A_372 = arith.constant 152 : i32
    %dma_start3A_373 = tpu.memref_slice %arg8[%mul3A_4, %dma_start3A_372] : memref<1024x384xf32, #tpu.memory_space<hbm>> -> memref<32x8xf32, #tpu.memory_space<hbm>>
    %dma_start3A_374 = arith.constant 96 : i32
    %dma_start3A_375 = arith.constant 0 : i32
    %dma_start3A_376 = tpu.memref_slice %arg16[%dma_start3A_374, %dma_start3A_375] : memref<512x8xf32, #tpu.memory_space<vmem>> -> memref<32x8xf32, #tpu.memory_space<vmem>>
    tpu.enqueue_dma source(%dma_start3A_376 : memref<32x8xf32, #tpu.memory_space<vmem>>) target(%dma_start3A_373 : memref<32x8xf32, #tpu.memory_space<hbm>>) target_semaphore(%arg20 : memref<!tpu.dma_semaphore, #tpu.memory_space<semaphore_mem>>)
    %dma_start3A_377 = arith.constant 128 : i32
    %dma_start3A_378 = arith.constant 0 : i32
    %dma_start3A_379 = tpu.memref_slice %arg16[%dma_start3A_377, %dma_start3A_378] : memref<512x8xf32, #tpu.memory_space<vmem>> -> memref<32x8xf32, #tpu.memory_space<vmem>>
    %dma_start3A_380 = arith.constant 160 : i32
    %dma_start3A_381 = tpu.memref_slice %arg8[%mul3A_4, %dma_start3A_380] : memref<1024x384xf32, #tpu.memory_space<hbm>> -> memref<32x8xf32, #tpu.memory_space<hbm>>
    %dma_start3A_382 = arith.constant 160 : i32
    %dma_start3A_383 = tpu.memref_slice %arg8[%mul3A_4, %dma_start3A_382] : memref<1024x384xf32, #tpu.memory_space<hbm>> -> memref<32x8xf32, #tpu.memory_space<hbm>>
    %dma_start3A_384 = arith.constant 128 : i32
    %dma_start3A_385 = arith.constant 0 : i32
    %dma_start3A_386 = tpu.memref_slice %arg16[%dma_start3A_384, %dma_start3A_385] : memref<512x8xf32, #tpu.memory_space<vmem>> -> memref<32x8xf32, #tpu.memory_space<vmem>>
    tpu.enqueue_dma source(%dma_start3A_386 : memref<32x8xf32, #tpu.memory_space<vmem>>) target(%dma_start3A_383 : memref<32x8xf32, #tpu.memory_space<hbm>>) target_semaphore(%arg20 : memref<!tpu.dma_semaphore, #tpu.memory_space<semaphore_mem>>)
    %dma_start3A_387 = arith.constant 160 : i32
    %dma_start3A_388 = arith.constant 0 : i32
    %dma_start3A_389 = tpu.memref_slice %arg16[%dma_start3A_387, %dma_start3A_388] : memref<512x8xf32, #tpu.memory_space<vmem>> -> memref<32x8xf32, #tpu.memory_space<vmem>>
    %dma_start3A_390 = arith.constant 168 : i32
    %dma_start3A_391 = tpu.memref_slice %arg8[%mul3A_4, %dma_start3A_390] : memref<1024x384xf32, #tpu.memory_space<hbm>> -> memref<32x8xf32, #tpu.memory_space<hbm>>
    %dma_start3A_392 = arith.constant 168 : i32
    %dma_start3A_393 = tpu.memref_slice %arg8[%mul3A_4, %dma_start3A_392] : memref<1024x384xf32, #tpu.memory_space<hbm>> -> memref<32x8xf32, #tpu.memory_space<hbm>>
    %dma_start3A_394 = arith.constant 160 : i32
    %dma_start3A_395 = arith.constant 0 : i32
    %dma_start3A_396 = tpu.memref_slice %arg16[%dma_start3A_394, %dma_start3A_395] : memref<512x8xf32, #tpu.memory_space<vmem>> -> memref<32x8xf32, #tpu.memory_space<vmem>>
    tpu.enqueue_dma source(%dma_start3A_396 : memref<32x8xf32, #tpu.memory_space<vmem>>) target(%dma_start3A_393 : memref<32x8xf32, #tpu.memory_space<hbm>>) target_semaphore(%arg20 : memref<!tpu.dma_semaphore, #tpu.memory_space<semaphore_mem>>)
    %dma_start3A_397 = arith.constant 192 : i32
    %dma_start3A_398 = arith.constant 0 : i32
    %dma_start3A_399 = tpu.memref_slice %arg16[%dma_start3A_397, %dma_start3A_398] : memref<512x8xf32, #tpu.memory_space<vmem>> -> memref<32x8xf32, #tpu.memory_space<vmem>>
    %dma_start3A_400 = arith.constant 176 : i32
    %dma_start3A_401 = tpu.memref_slice %arg8[%mul3A_4, %dma_start3A_400] : memref<1024x384xf32, #tpu.memory_space<hbm>> -> memref<32x8xf32, #tpu.memory_space<hbm>>
    %dma_start3A_402 = arith.constant 176 : i32
    %dma_start3A_403 = tpu.memref_slice %arg8[%mul3A_4, %dma_start3A_402] : memref<1024x384xf32, #tpu.memory_space<hbm>> -> memref<32x8xf32, #tpu.memory_space<hbm>>
    %dma_start3A_404 = arith.constant 192 : i32
    %dma_start3A_405 = arith.constant 0 : i32
    %dma_start3A_406 = tpu.memref_slice %arg16[%dma_start3A_404, %dma_start3A_405] : memref<512x8xf32, #tpu.memory_space<vmem>> -> memref<32x8xf32, #tpu.memory_space<vmem>>
    tpu.enqueue_dma source(%dma_start3A_406 : memref<32x8xf32, #tpu.memory_space<vmem>>) target(%dma_start3A_403 : memref<32x8xf32, #tpu.memory_space<hbm>>) target_semaphore(%arg20 : memref<!tpu.dma_semaphore, #tpu.memory_space<semaphore_mem>>)
    %dma_start3A_407 = arith.constant 224 : i32
    %dma_start3A_408 = arith.constant 0 : i32
    %dma_start3A_409 = tpu.memref_slice %arg16[%dma_start3A_407, %dma_start3A_408] : memref<512x8xf32, #tpu.memory_space<vmem>> -> memref<32x8xf32, #tpu.memory_space<vmem>>
    %dma_start3A_410 = arith.constant 184 : i32
    %dma_start3A_411 = tpu.memref_slice %arg8[%mul3A_4, %dma_start3A_410] : memref<1024x384xf32, #tpu.memory_space<hbm>> -> memref<32x8xf32, #tpu.memory_space<hbm>>
    %dma_start3A_412 = arith.constant 184 : i32
    %dma_start3A_413 = tpu.memref_slice %arg8[%mul3A_4, %dma_start3A_412] : memref<1024x384xf32, #tpu.memory_space<hbm>> -> memref<32x8xf32, #tpu.memory_space<hbm>>
    %dma_start3A_414 = arith.constant 224 : i32
    %dma_start3A_415 = arith.constant 0 : i32
    %dma_start3A_416 = tpu.memref_slice %arg16[%dma_start3A_414, %dma_start3A_415] : memref<512x8xf32, #tpu.memory_space<vmem>> -> memref<32x8xf32, #tpu.memory_space<vmem>>
    tpu.enqueue_dma source(%dma_start3A_416 : memref<32x8xf32, #tpu.memory_space<vmem>>) target(%dma_start3A_413 : memref<32x8xf32, #tpu.memory_space<hbm>>) target_semaphore(%arg20 : memref<!tpu.dma_semaphore, #tpu.memory_space<semaphore_mem>>)
    %dma_start3A_417 = arith.constant 256 : i32
    %dma_start3A_418 = arith.constant 0 : i32
    %dma_start3A_419 = tpu.memref_slice %arg16[%dma_start3A_417, %dma_start3A_418] : memref<512x8xf32, #tpu.memory_space<vmem>> -> memref<32x8xf32, #tpu.memory_space<vmem>>
    %dma_start3A_420 = arith.constant 192 : i32
    %dma_start3A_421 = tpu.memref_slice %arg8[%mul3A_4, %dma_start3A_420] : memref<1024x384xf32, #tpu.memory_space<hbm>> -> memref<32x8xf32, #tpu.memory_space<hbm>>
    %dma_start3A_422 = arith.constant 192 : i32
    %dma_start3A_423 = tpu.memref_slice %arg8[%mul3A_4, %dma_start3A_422] : memref<1024x384xf32, #tpu.memory_space<hbm>> -> memref<32x8xf32, #tpu.memory_space<hbm>>
    %dma_start3A_424 = arith.constant 256 : i32
    %dma_start3A_425 = arith.constant 0 : i32
    %dma_start3A_426 = tpu.memref_slice %arg16[%dma_start3A_424, %dma_start3A_425] : memref<512x8xf32, #tpu.memory_space<vmem>> -> memref<32x8xf32, #tpu.memory_space<vmem>>
    tpu.enqueue_dma source(%dma_start3A_426 : memref<32x8xf32, #tpu.memory_space<vmem>>) target(%dma_start3A_423 : memref<32x8xf32, #tpu.memory_space<hbm>>) target_semaphore(%arg20 : memref<!tpu.dma_semaphore, #tpu.memory_space<semaphore_mem>>)
    %dma_start3A_427 = arith.constant 288 : i32
    %dma_start3A_428 = arith.constant 0 : i32
    %dma_start3A_429 = tpu.memref_slice %arg16[%dma_start3A_427, %dma_start3A_428] : memref<512x8xf32, #tpu.memory_space<vmem>> -> memref<32x8xf32, #tpu.memory_space<vmem>>
    %dma_start3A_430 = arith.constant 200 : i32
    %dma_start3A_431 = tpu.memref_slice %arg8[%mul3A_4, %dma_start3A_430] : memref<1024x384xf32, #tpu.memory_space<hbm>> -> memref<32x8xf32, #tpu.memory_space<hbm>>
    %dma_start3A_432 = arith.constant 200 : i32
    %dma_start3A_433 = tpu.memref_slice %arg8[%mul3A_4, %dma_start3A_432] : memref<1024x384xf32, #tpu.memory_space<hbm>> -> memref<32x8xf32, #tpu.memory_space<hbm>>
    %dma_start3A_434 = arith.constant 288 : i32
    %dma_start3A_435 = arith.constant 0 : i32
    %dma_start3A_436 = tpu.memref_slice %arg16[%dma_start3A_434, %dma_start3A_435] : memref<512x8xf32, #tpu.memory_space<vmem>> -> memref<32x8xf32, #tpu.memory_space<vmem>>
    tpu.enqueue_dma source(%dma_start3A_436 : memref<32x8xf32, #tpu.memory_space<vmem>>) target(%dma_start3A_433 : memref<32x8xf32, #tpu.memory_space<hbm>>) target_semaphore(%arg20 : memref<!tpu.dma_semaphore, #tpu.memory_space<semaphore_mem>>)
    %dma_start3A_437 = arith.constant 320 : i32
    %dma_start3A_438 = arith.constant 0 : i32
    %dma_start3A_439 = tpu.memref_slice %arg16[%dma_start3A_437, %dma_start3A_438] : memref<512x8xf32, #tpu.memory_space<vmem>> -> memref<32x8xf32, #tpu.memory_space<vmem>>
    %dma_start3A_440 = arith.constant 208 : i32
    %dma_start3A_441 = tpu.memref_slice %arg8[%mul3A_4, %dma_start3A_440] : memref<1024x384xf32, #tpu.memory_space<hbm>> -> memref<32x8xf32, #tpu.memory_space<hbm>>
    %dma_start3A_442 = arith.constant 208 : i32
    %dma_start3A_443 = tpu.memref_slice %arg8[%mul3A_4, %dma_start3A_442] : memref<1024x384xf32, #tpu.memory_space<hbm>> -> memref<32x8xf32, #tpu.memory_space<hbm>>
    %dma_start3A_444 = arith.constant 320 : i32
    %dma_start3A_445 = arith.constant 0 : i32
    %dma_start3A_446 = tpu.memref_slice %arg16[%dma_start3A_444, %dma_start3A_445] : memref<512x8xf32, #tpu.memory_space<vmem>> -> memref<32x8xf32, #tpu.memory_space<vmem>>
    tpu.enqueue_dma source(%dma_start3A_446 : memref<32x8xf32, #tpu.memory_space<vmem>>) target(%dma_start3A_443 : memref<32x8xf32, #tpu.memory_space<hbm>>) target_semaphore(%arg20 : memref<!tpu.dma_semaphore, #tpu.memory_space<semaphore_mem>>)
    %dma_start3A_447 = arith.constant 352 : i32
    %dma_start3A_448 = arith.constant 0 : i32
    %dma_start3A_449 = tpu.memref_slice %arg16[%dma_start3A_447, %dma_start3A_448] : memref<512x8xf32, #tpu.memory_space<vmem>> -> memref<32x8xf32, #tpu.memory_space<vmem>>
    %dma_start3A_450 = arith.constant 216 : i32
    %dma_start3A_451 = tpu.memref_slice %arg8[%mul3A_4, %dma_start3A_450] : memref<1024x384xf32, #tpu.memory_space<hbm>> -> memref<32x8xf32, #tpu.memory_space<hbm>>
    %dma_start3A_452 = arith.constant 216 : i32
    %dma_start3A_453 = tpu.memref_slice %arg8[%mul3A_4, %dma_start3A_452] : memref<1024x384xf32, #tpu.memory_space<hbm>> -> memref<32x8xf32, #tpu.memory_space<hbm>>
    %dma_start3A_454 = arith.constant 352 : i32
    %dma_start3A_455 = arith.constant 0 : i32
    %dma_start3A_456 = tpu.memref_slice %arg16[%dma_start3A_454, %dma_start3A_455] : memref<512x8xf32, #tpu.memory_space<vmem>> -> memref<32x8xf32, #tpu.memory_space<vmem>>
    tpu.enqueue_dma source(%dma_start3A_456 : memref<32x8xf32, #tpu.memory_space<vmem>>) target(%dma_start3A_453 : memref<32x8xf32, #tpu.memory_space<hbm>>) target_semaphore(%arg20 : memref<!tpu.dma_semaphore, #tpu.memory_space<semaphore_mem>>)
    %dma_start3A_457 = arith.constant 384 : i32
    %dma_start3A_458 = arith.constant 0 : i32
    %dma_start3A_459 = tpu.memref_slice %arg16[%dma_start3A_457, %dma_start3A_458] : memref<512x8xf32, #tpu.memory_space<vmem>> -> memref<32x8xf32, #tpu.memory_space<vmem>>
    %dma_start3A_460 = arith.constant 224 : i32
    %dma_start3A_461 = tpu.memref_slice %arg8[%mul3A_4, %dma_start3A_460] : memref<1024x384xf32, #tpu.memory_space<hbm>> -> memref<32x8xf32, #tpu.memory_space<hbm>>
    %dma_start3A_462 = arith.constant 224 : i32
    %dma_start3A_463 = tpu.memref_slice %arg8[%mul3A_4, %dma_start3A_462] : memref<1024x384xf32, #tpu.memory_space<hbm>> -> memref<32x8xf32, #tpu.memory_space<hbm>>
    %dma_start3A_464 = arith.constant 384 : i32
    %dma_start3A_465 = arith.constant 0 : i32
    %dma_start3A_466 = tpu.memref_slice %arg16[%dma_start3A_464, %dma_start3A_465] : memref<512x8xf32, #tpu.memory_space<vmem>> -> memref<32x8xf32, #tpu.memory_space<vmem>>
    tpu.enqueue_dma source(%dma_start3A_466 : memref<32x8xf32, #tpu.memory_space<vmem>>) target(%dma_start3A_463 : memref<32x8xf32, #tpu.memory_space<hbm>>) target_semaphore(%arg20 : memref<!tpu.dma_semaphore, #tpu.memory_space<semaphore_mem>>)
    %dma_start3A_467 = arith.constant 416 : i32
    %dma_start3A_468 = arith.constant 0 : i32
    %dma_start3A_469 = tpu.memref_slice %arg16[%dma_start3A_467, %dma_start3A_468] : memref<512x8xf32, #tpu.memory_space<vmem>> -> memref<32x8xf32, #tpu.memory_space<vmem>>
    %dma_start3A_470 = arith.constant 232 : i32
    %dma_start3A_471 = tpu.memref_slice %arg8[%mul3A_4, %dma_start3A_470] : memref<1024x384xf32, #tpu.memory_space<hbm>> -> memref<32x8xf32, #tpu.memory_space<hbm>>
    %dma_start3A_472 = arith.constant 232 : i32
    %dma_start3A_473 = tpu.memref_slice %arg8[%mul3A_4, %dma_start3A_472] : memref<1024x384xf32, #tpu.memory_space<hbm>> -> memref<32x8xf32, #tpu.memory_space<hbm>>
    %dma_start3A_474 = arith.constant 416 : i32
    %dma_start3A_475 = arith.constant 0 : i32
    %dma_start3A_476 = tpu.memref_slice %arg16[%dma_start3A_474, %dma_start3A_475] : memref<512x8xf32, #tpu.memory_space<vmem>> -> memref<32x8xf32, #tpu.memory_space<vmem>>
    tpu.enqueue_dma source(%dma_start3A_476 : memref<32x8xf32, #tpu.memory_space<vmem>>) target(%dma_start3A_473 : memref<32x8xf32, #tpu.memory_space<hbm>>) target_semaphore(%arg20 : memref<!tpu.dma_semaphore, #tpu.memory_space<semaphore_mem>>)
    %dma_start3A_477 = arith.constant 448 : i32
    %dma_start3A_478 = arith.constant 0 : i32
    %dma_start3A_479 = tpu.memref_slice %arg16[%dma_start3A_477, %dma_start3A_478] : memref<512x8xf32, #tpu.memory_space<vmem>> -> memref<32x8xf32, #tpu.memory_space<vmem>>
    %dma_start3A_480 = arith.constant 240 : i32
    %dma_start3A_481 = tpu.memref_slice %arg8[%mul3A_4, %dma_start3A_480] : memref<1024x384xf32, #tpu.memory_space<hbm>> -> memref<32x8xf32, #tpu.memory_space<hbm>>
    %dma_start3A_482 = arith.constant 240 : i32
    %dma_start3A_483 = tpu.memref_slice %arg8[%mul3A_4, %dma_start3A_482] : memref<1024x384xf32, #tpu.memory_space<hbm>> -> memref<32x8xf32, #tpu.memory_space<hbm>>
    %dma_start3A_484 = arith.constant 448 : i32
    %dma_start3A_485 = arith.constant 0 : i32
    %dma_start3A_486 = tpu.memref_slice %arg16[%dma_start3A_484, %dma_start3A_485] : memref<512x8xf32, #tpu.memory_space<vmem>> -> memref<32x8xf32, #tpu.memory_space<vmem>>
    tpu.enqueue_dma source(%dma_start3A_486 : memref<32x8xf32, #tpu.memory_space<vmem>>) target(%dma_start3A_483 : memref<32x8xf32, #tpu.memory_space<hbm>>) target_semaphore(%arg20 : memref<!tpu.dma_semaphore, #tpu.memory_space<semaphore_mem>>)
    %dma_start3A_487 = arith.constant 480 : i32
    %dma_start3A_488 = arith.constant 0 : i32
    %dma_start3A_489 = tpu.memref_slice %arg16[%dma_start3A_487, %dma_start3A_488] : memref<512x8xf32, #tpu.memory_space<vmem>> -> memref<32x8xf32, #tpu.memory_space<vmem>>
    %dma_start3A_490 = arith.constant 248 : i32
    %dma_start3A_491 = tpu.memref_slice %arg8[%mul3A_4, %dma_start3A_490] : memref<1024x384xf32, #tpu.memory_space<hbm>> -> memref<32x8xf32, #tpu.memory_space<hbm>>
    %dma_start3A_492 = arith.constant 248 : i32
    %dma_start3A_493 = tpu.memref_slice %arg8[%mul3A_4, %dma_start3A_492] : memref<1024x384xf32, #tpu.memory_space<hbm>> -> memref<32x8xf32, #tpu.memory_space<hbm>>
    %dma_start3A_494 = arith.constant 480 : i32
    %dma_start3A_495 = arith.constant 0 : i32
    %dma_start3A_496 = tpu.memref_slice %arg16[%dma_start3A_494, %dma_start3A_495] : memref<512x8xf32, #tpu.memory_space<vmem>> -> memref<32x8xf32, #tpu.memory_space<vmem>>
    tpu.enqueue_dma source(%dma_start3A_496 : memref<32x8xf32, #tpu.memory_space<vmem>>) target(%dma_start3A_493 : memref<32x8xf32, #tpu.memory_space<hbm>>) target_semaphore(%arg20 : memref<!tpu.dma_semaphore, #tpu.memory_space<semaphore_mem>>)
    %dma_wait3A_497 = arith.constant 0 : i32
    %dma_wait3A_498 = arith.constant 0 : i32
    %dma_wait3A_499 = tpu.memref_slice %arg17[%dma_wait3A_497, %dma_wait3A_498] : memref<512x8xf32, #tpu.memory_space<vmem>> -> memref<128x8xf32, #tpu.memory_space<vmem>>
    %dma_wait3A_500 = arith.constant 0 : i32
    %dma_wait3A_501 = tpu.memref_slice %arg14[%dma_wait3A_500] : memref<512xi32, #tpu.memory_space<vmem>> -> memref<128xi32, #tpu.memory_space<vmem>>
    %dma_wait3A_502 = arith.constant 0 : i32
    %dma_wait3A_503 = arith.constant 0 : i32
    %dma_wait3A_504 = tpu.memref_slice %arg11[%dma_wait3A_502, %dma_wait3A_503] : memref<10000x8xf32, #tpu.memory_space<vmem_shared>> -> memref<10000x8xf32, #tpu.memory_space<vmem_shared>>
    tpu.wait_indirect_dma semaphore(%arg19 : memref<!tpu.dma_semaphore, #tpu.memory_space<semaphore_mem>>) src(%dma_wait3A_504 : memref<10000x8xf32, #tpu.memory_space<vmem_shared>>) dst(%dma_wait3A_499 : memref<128x8xf32, #tpu.memory_space<vmem>>)
    %dma_wait3A_505 = arith.constant 128 : i32
    %dma_wait3A_506 = arith.constant 0 : i32
    %dma_wait3A_507 = tpu.memref_slice %arg17[%dma_wait3A_505, %dma_wait3A_506] : memref<512x8xf32, #tpu.memory_space<vmem>> -> memref<128x8xf32, #tpu.memory_space<vmem>>
    %dma_wait3A_508 = arith.constant 128 : i32
    %dma_wait3A_509 = tpu.memref_slice %arg14[%dma_wait3A_508] : memref<512xi32, #tpu.memory_space<vmem>> -> memref<128xi32, #tpu.memory_space<vmem>>
    %dma_wait3A_510 = arith.constant 0 : i32
    %dma_wait3A_511 = arith.constant 0 : i32
    %dma_wait3A_512 = tpu.memref_slice %arg11[%dma_wait3A_510, %dma_wait3A_511] : memref<10000x8xf32, #tpu.memory_space<vmem_shared>> -> memref<10000x8xf32, #tpu.memory_space<vmem_shared>>
    tpu.wait_indirect_dma semaphore(%arg19 : memref<!tpu.dma_semaphore, #tpu.memory_space<semaphore_mem>>) src(%dma_wait3A_512 : memref<10000x8xf32, #tpu.memory_space<vmem_shared>>) dst(%dma_wait3A_507 : memref<128x8xf32, #tpu.memory_space<vmem>>)
    %dma_wait3A_513 = arith.constant 256 : i32
    %dma_wait3A_514 = arith.constant 0 : i32
    %dma_wait3A_515 = tpu.memref_slice %arg17[%dma_wait3A_513, %dma_wait3A_514] : memref<512x8xf32, #tpu.memory_space<vmem>> -> memref<128x8xf32, #tpu.memory_space<vmem>>
    %dma_wait3A_516 = arith.constant 256 : i32
    %dma_wait3A_517 = tpu.memref_slice %arg14[%dma_wait3A_516] : memref<512xi32, #tpu.memory_space<vmem>> -> memref<128xi32, #tpu.memory_space<vmem>>
    %dma_wait3A_518 = arith.constant 0 : i32
    %dma_wait3A_519 = arith.constant 0 : i32
    %dma_wait3A_520 = tpu.memref_slice %arg11[%dma_wait3A_518, %dma_wait3A_519] : memref<10000x8xf32, #tpu.memory_space<vmem_shared>> -> memref<10000x8xf32, #tpu.memory_space<vmem_shared>>
    tpu.wait_indirect_dma semaphore(%arg19 : memref<!tpu.dma_semaphore, #tpu.memory_space<semaphore_mem>>) src(%dma_wait3A_520 : memref<10000x8xf32, #tpu.memory_space<vmem_shared>>) dst(%dma_wait3A_515 : memref<128x8xf32, #tpu.memory_space<vmem>>)
    %dma_wait3A_521 = arith.constant 384 : i32
    %dma_wait3A_522 = arith.constant 0 : i32
    %dma_wait3A_523 = tpu.memref_slice %arg17[%dma_wait3A_521, %dma_wait3A_522] : memref<512x8xf32, #tpu.memory_space<vmem>> -> memref<128x8xf32, #tpu.memory_space<vmem>>
    %dma_wait3A_524 = arith.constant 384 : i32
    %dma_wait3A_525 = tpu.memref_slice %arg14[%dma_wait3A_524] : memref<512xi32, #tpu.memory_space<vmem>> -> memref<128xi32, #tpu.memory_space<vmem>>
    %dma_wait3A_526 = arith.constant 0 : i32
    %dma_wait3A_527 = arith.constant 0 : i32
    %dma_wait3A_528 = tpu.memref_slice %arg11[%dma_wait3A_526, %dma_wait3A_527] : memref<10000x8xf32, #tpu.memory_space<vmem_shared>> -> memref<10000x8xf32, #tpu.memory_space<vmem_shared>>
    tpu.wait_indirect_dma semaphore(%arg19 : memref<!tpu.dma_semaphore, #tpu.memory_space<semaphore_mem>>) src(%dma_wait3A_528 : memref<10000x8xf32, #tpu.memory_space<vmem_shared>>) dst(%dma_wait3A_523 : memref<128x8xf32, #tpu.memory_space<vmem>>)
    %dma_start3A_529 = arith.constant 0 : i32
    %dma_start3A_530 = arith.constant 0 : i32
    %dma_start3A_531 = tpu.memref_slice %arg17[%dma_start3A_529, %dma_start3A_530] : memref<512x8xf32, #tpu.memory_space<vmem>> -> memref<32x8xf32, #tpu.memory_space<vmem>>
    %dma_start3A_532 = arith.constant 256 : i32
    %dma_start3A_533 = tpu.memref_slice %arg8[%mul3A_4, %dma_start3A_532] : memref<1024x384xf32, #tpu.memory_space<hbm>> -> memref<32x8xf32, #tpu.memory_space<hbm>>
    %dma_start3A_534 = arith.constant 256 : i32
    %dma_start3A_535 = tpu.memref_slice %arg8[%mul3A_4, %dma_start3A_534] : memref<1024x384xf32, #tpu.memory_space<hbm>> -> memref<32x8xf32, #tpu.memory_space<hbm>>
    %dma_start3A_536 = arith.constant 0 : i32
    %dma_start3A_537 = arith.constant 0 : i32
    %dma_start3A_538 = tpu.memref_slice %arg17[%dma_start3A_536, %dma_start3A_537] : memref<512x8xf32, #tpu.memory_space<vmem>> -> memref<32x8xf32, #tpu.memory_space<vmem>>
    tpu.enqueue_dma source(%dma_start3A_538 : memref<32x8xf32, #tpu.memory_space<vmem>>) target(%dma_start3A_535 : memref<32x8xf32, #tpu.memory_space<hbm>>) target_semaphore(%arg20 : memref<!tpu.dma_semaphore, #tpu.memory_space<semaphore_mem>>)
    %dma_start3A_539 = arith.constant 32 : i32
    %dma_start3A_540 = arith.constant 0 : i32
    %dma_start3A_541 = tpu.memref_slice %arg17[%dma_start3A_539, %dma_start3A_540] : memref<512x8xf32, #tpu.memory_space<vmem>> -> memref<32x8xf32, #tpu.memory_space<vmem>>
    %dma_start3A_542 = arith.constant 264 : i32
    %dma_start3A_543 = tpu.memref_slice %arg8[%mul3A_4, %dma_start3A_542] : memref<1024x384xf32, #tpu.memory_space<hbm>> -> memref<32x8xf32, #tpu.memory_space<hbm>>
    %dma_start3A_544 = arith.constant 264 : i32
    %dma_start3A_545 = tpu.memref_slice %arg8[%mul3A_4, %dma_start3A_544] : memref<1024x384xf32, #tpu.memory_space<hbm>> -> memref<32x8xf32, #tpu.memory_space<hbm>>
    %dma_start3A_546 = arith.constant 32 : i32
    %dma_start3A_547 = arith.constant 0 : i32
    %dma_start3A_548 = tpu.memref_slice %arg17[%dma_start3A_546, %dma_start3A_547] : memref<512x8xf32, #tpu.memory_space<vmem>> -> memref<32x8xf32, #tpu.memory_space<vmem>>
    tpu.enqueue_dma source(%dma_start3A_548 : memref<32x8xf32, #tpu.memory_space<vmem>>) target(%dma_start3A_545 : memref<32x8xf32, #tpu.memory_space<hbm>>) target_semaphore(%arg20 : memref<!tpu.dma_semaphore, #tpu.memory_space<semaphore_mem>>)
    %dma_start3A_549 = arith.constant 64 : i32
    %dma_start3A_550 = arith.constant 0 : i32
    %dma_start3A_551 = tpu.memref_slice %arg17[%dma_start3A_549, %dma_start3A_550] : memref<512x8xf32, #tpu.memory_space<vmem>> -> memref<32x8xf32, #tpu.memory_space<vmem>>
    %dma_start3A_552 = arith.constant 272 : i32
    %dma_start3A_553 = tpu.memref_slice %arg8[%mul3A_4, %dma_start3A_552] : memref<1024x384xf32, #tpu.memory_space<hbm>> -> memref<32x8xf32, #tpu.memory_space<hbm>>
    %dma_start3A_554 = arith.constant 272 : i32
    %dma_start3A_555 = tpu.memref_slice %arg8[%mul3A_4, %dma_start3A_554] : memref<1024x384xf32, #tpu.memory_space<hbm>> -> memref<32x8xf32, #tpu.memory_space<hbm>>
    %dma_start3A_556 = arith.constant 64 : i32
    %dma_start3A_557 = arith.constant 0 : i32
    %dma_start3A_558 = tpu.memref_slice %arg17[%dma_start3A_556, %dma_start3A_557] : memref<512x8xf32, #tpu.memory_space<vmem>> -> memref<32x8xf32, #tpu.memory_space<vmem>>
    tpu.enqueue_dma source(%dma_start3A_558 : memref<32x8xf32, #tpu.memory_space<vmem>>) target(%dma_start3A_555 : memref<32x8xf32, #tpu.memory_space<hbm>>) target_semaphore(%arg20 : memref<!tpu.dma_semaphore, #tpu.memory_space<semaphore_mem>>)
    %dma_start3A_559 = arith.constant 96 : i32
    %dma_start3A_560 = arith.constant 0 : i32
    %dma_start3A_561 = tpu.memref_slice %arg17[%dma_start3A_559, %dma_start3A_560] : memref<512x8xf32, #tpu.memory_space<vmem>> -> memref<32x8xf32, #tpu.memory_space<vmem>>
    %dma_start3A_562 = arith.constant 280 : i32
    %dma_start3A_563 = tpu.memref_slice %arg8[%mul3A_4, %dma_start3A_562] : memref<1024x384xf32, #tpu.memory_space<hbm>> -> memref<32x8xf32, #tpu.memory_space<hbm>>
    %dma_start3A_564 = arith.constant 280 : i32
    %dma_start3A_565 = tpu.memref_slice %arg8[%mul3A_4, %dma_start3A_564] : memref<1024x384xf32, #tpu.memory_space<hbm>> -> memref<32x8xf32, #tpu.memory_space<hbm>>
    %dma_start3A_566 = arith.constant 96 : i32
    %dma_start3A_567 = arith.constant 0 : i32
    %dma_start3A_568 = tpu.memref_slice %arg17[%dma_start3A_566, %dma_start3A_567] : memref<512x8xf32, #tpu.memory_space<vmem>> -> memref<32x8xf32, #tpu.memory_space<vmem>>
    tpu.enqueue_dma source(%dma_start3A_568 : memref<32x8xf32, #tpu.memory_space<vmem>>) target(%dma_start3A_565 : memref<32x8xf32, #tpu.memory_space<hbm>>) target_semaphore(%arg20 : memref<!tpu.dma_semaphore, #tpu.memory_space<semaphore_mem>>)
    %dma_start3A_569 = arith.constant 128 : i32
    %dma_start3A_570 = arith.constant 0 : i32
    %dma_start3A_571 = tpu.memref_slice %arg17[%dma_start3A_569, %dma_start3A_570] : memref<512x8xf32, #tpu.memory_space<vmem>> -> memref<32x8xf32, #tpu.memory_space<vmem>>
    %dma_start3A_572 = arith.constant 288 : i32
    %dma_start3A_573 = tpu.memref_slice %arg8[%mul3A_4, %dma_start3A_572] : memref<1024x384xf32, #tpu.memory_space<hbm>> -> memref<32x8xf32, #tpu.memory_space<hbm>>
    %dma_start3A_574 = arith.constant 288 : i32
    %dma_start3A_575 = tpu.memref_slice %arg8[%mul3A_4, %dma_start3A_574] : memref<1024x384xf32, #tpu.memory_space<hbm>> -> memref<32x8xf32, #tpu.memory_space<hbm>>
    %dma_start3A_576 = arith.constant 128 : i32
    %dma_start3A_577 = arith.constant 0 : i32
    %dma_start3A_578 = tpu.memref_slice %arg17[%dma_start3A_576, %dma_start3A_577] : memref<512x8xf32, #tpu.memory_space<vmem>> -> memref<32x8xf32, #tpu.memory_space<vmem>>
    tpu.enqueue_dma source(%dma_start3A_578 : memref<32x8xf32, #tpu.memory_space<vmem>>) target(%dma_start3A_575 : memref<32x8xf32, #tpu.memory_space<hbm>>) target_semaphore(%arg20 : memref<!tpu.dma_semaphore, #tpu.memory_space<semaphore_mem>>)
    %dma_start3A_579 = arith.constant 160 : i32
    %dma_start3A_580 = arith.constant 0 : i32
    %dma_start3A_581 = tpu.memref_slice %arg17[%dma_start3A_579, %dma_start3A_580] : memref<512x8xf32, #tpu.memory_space<vmem>> -> memref<32x8xf32, #tpu.memory_space<vmem>>
    %dma_start3A_582 = arith.constant 296 : i32
    %dma_start3A_583 = tpu.memref_slice %arg8[%mul3A_4, %dma_start3A_582] : memref<1024x384xf32, #tpu.memory_space<hbm>> -> memref<32x8xf32, #tpu.memory_space<hbm>>
    %dma_start3A_584 = arith.constant 296 : i32
    %dma_start3A_585 = tpu.memref_slice %arg8[%mul3A_4, %dma_start3A_584] : memref<1024x384xf32, #tpu.memory_space<hbm>> -> memref<32x8xf32, #tpu.memory_space<hbm>>
    %dma_start3A_586 = arith.constant 160 : i32
    %dma_start3A_587 = arith.constant 0 : i32
    %dma_start3A_588 = tpu.memref_slice %arg17[%dma_start3A_586, %dma_start3A_587] : memref<512x8xf32, #tpu.memory_space<vmem>> -> memref<32x8xf32, #tpu.memory_space<vmem>>
    tpu.enqueue_dma source(%dma_start3A_588 : memref<32x8xf32, #tpu.memory_space<vmem>>) target(%dma_start3A_585 : memref<32x8xf32, #tpu.memory_space<hbm>>) target_semaphore(%arg20 : memref<!tpu.dma_semaphore, #tpu.memory_space<semaphore_mem>>)
    %dma_start3A_589 = arith.constant 192 : i32
    %dma_start3A_590 = arith.constant 0 : i32
    %dma_start3A_591 = tpu.memref_slice %arg17[%dma_start3A_589, %dma_start3A_590] : memref<512x8xf32, #tpu.memory_space<vmem>> -> memref<32x8xf32, #tpu.memory_space<vmem>>
    %dma_start3A_592 = arith.constant 304 : i32
    %dma_start3A_593 = tpu.memref_slice %arg8[%mul3A_4, %dma_start3A_592] : memref<1024x384xf32, #tpu.memory_space<hbm>> -> memref<32x8xf32, #tpu.memory_space<hbm>>
    %dma_start3A_594 = arith.constant 304 : i32
    %dma_start3A_595 = tpu.memref_slice %arg8[%mul3A_4, %dma_start3A_594] : memref<1024x384xf32, #tpu.memory_space<hbm>> -> memref<32x8xf32, #tpu.memory_space<hbm>>
    %dma_start3A_596 = arith.constant 192 : i32
    %dma_start3A_597 = arith.constant 0 : i32
    %dma_start3A_598 = tpu.memref_slice %arg17[%dma_start3A_596, %dma_start3A_597] : memref<512x8xf32, #tpu.memory_space<vmem>> -> memref<32x8xf32, #tpu.memory_space<vmem>>
    tpu.enqueue_dma source(%dma_start3A_598 : memref<32x8xf32, #tpu.memory_space<vmem>>) target(%dma_start3A_595 : memref<32x8xf32, #tpu.memory_space<hbm>>) target_semaphore(%arg20 : memref<!tpu.dma_semaphore, #tpu.memory_space<semaphore_mem>>)
    %dma_start3A_599 = arith.constant 224 : i32
    %dma_start3A_600 = arith.constant 0 : i32
    %dma_start3A_601 = tpu.memref_slice %arg17[%dma_start3A_599, %dma_start3A_600] : memref<512x8xf32, #tpu.memory_space<vmem>> -> memref<32x8xf32, #tpu.memory_space<vmem>>
    %dma_start3A_602 = arith.constant 312 : i32
    %dma_start3A_603 = tpu.memref_slice %arg8[%mul3A_4, %dma_start3A_602] : memref<1024x384xf32, #tpu.memory_space<hbm>> -> memref<32x8xf32, #tpu.memory_space<hbm>>
    %dma_start3A_604 = arith.constant 312 : i32
    %dma_start3A_605 = tpu.memref_slice %arg8[%mul3A_4, %dma_start3A_604] : memref<1024x384xf32, #tpu.memory_space<hbm>> -> memref<32x8xf32, #tpu.memory_space<hbm>>
    %dma_start3A_606 = arith.constant 224 : i32
    %dma_start3A_607 = arith.constant 0 : i32
    %dma_start3A_608 = tpu.memref_slice %arg17[%dma_start3A_606, %dma_start3A_607] : memref<512x8xf32, #tpu.memory_space<vmem>> -> memref<32x8xf32, #tpu.memory_space<vmem>>
    tpu.enqueue_dma source(%dma_start3A_608 : memref<32x8xf32, #tpu.memory_space<vmem>>) target(%dma_start3A_605 : memref<32x8xf32, #tpu.memory_space<hbm>>) target_semaphore(%arg20 : memref<!tpu.dma_semaphore, #tpu.memory_space<semaphore_mem>>)
    %dma_start3A_609 = arith.constant 256 : i32
    %dma_start3A_610 = arith.constant 0 : i32
    %dma_start3A_611 = tpu.memref_slice %arg17[%dma_start3A_609, %dma_start3A_610] : memref<512x8xf32, #tpu.memory_space<vmem>> -> memref<32x8xf32, #tpu.memory_space<vmem>>
    %dma_start3A_612 = arith.constant 320 : i32
    %dma_start3A_613 = tpu.memref_slice %arg8[%mul3A_4, %dma_start3A_612] : memref<1024x384xf32, #tpu.memory_space<hbm>> -> memref<32x8xf32, #tpu.memory_space<hbm>>
    %dma_start3A_614 = arith.constant 320 : i32
    %dma_start3A_615 = tpu.memref_slice %arg8[%mul3A_4, %dma_start3A_614] : memref<1024x384xf32, #tpu.memory_space<hbm>> -> memref<32x8xf32, #tpu.memory_space<hbm>>
    %dma_start3A_616 = arith.constant 256 : i32
    %dma_start3A_617 = arith.constant 0 : i32
    %dma_start3A_618 = tpu.memref_slice %arg17[%dma_start3A_616, %dma_start3A_617] : memref<512x8xf32, #tpu.memory_space<vmem>> -> memref<32x8xf32, #tpu.memory_space<vmem>>
    tpu.enqueue_dma source(%dma_start3A_618 : memref<32x8xf32, #tpu.memory_space<vmem>>) target(%dma_start3A_615 : memref<32x8xf32, #tpu.memory_space<hbm>>) target_semaphore(%arg20 : memref<!tpu.dma_semaphore, #tpu.memory_space<semaphore_mem>>)
    %dma_start3A_619 = arith.constant 288 : i32
    %dma_start3A_620 = arith.constant 0 : i32
    %dma_start3A_621 = tpu.memref_slice %arg17[%dma_start3A_619, %dma_start3A_620] : memref<512x8xf32, #tpu.memory_space<vmem>> -> memref<32x8xf32, #tpu.memory_space<vmem>>
    %dma_start3A_622 = arith.constant 328 : i32
    %dma_start3A_623 = tpu.memref_slice %arg8[%mul3A_4, %dma_start3A_622] : memref<1024x384xf32, #tpu.memory_space<hbm>> -> memref<32x8xf32, #tpu.memory_space<hbm>>
    %dma_start3A_624 = arith.constant 328 : i32
    %dma_start3A_625 = tpu.memref_slice %arg8[%mul3A_4, %dma_start3A_624] : memref<1024x384xf32, #tpu.memory_space<hbm>> -> memref<32x8xf32, #tpu.memory_space<hbm>>
    %dma_start3A_626 = arith.constant 288 : i32
    %dma_start3A_627 = arith.constant 0 : i32
    %dma_start3A_628 = tpu.memref_slice %arg17[%dma_start3A_626, %dma_start3A_627] : memref<512x8xf32, #tpu.memory_space<vmem>> -> memref<32x8xf32, #tpu.memory_space<vmem>>
    tpu.enqueue_dma source(%dma_start3A_628 : memref<32x8xf32, #tpu.memory_space<vmem>>) target(%dma_start3A_625 : memref<32x8xf32, #tpu.memory_space<hbm>>) target_semaphore(%arg20 : memref<!tpu.dma_semaphore, #tpu.memory_space<semaphore_mem>>)
    %dma_start3A_629 = arith.constant 320 : i32
    %dma_start3A_630 = arith.constant 0 : i32
    %dma_start3A_631 = tpu.memref_slice %arg17[%dma_start3A_629, %dma_start3A_630] : memref<512x8xf32, #tpu.memory_space<vmem>> -> memref<32x8xf32, #tpu.memory_space<vmem>>
    %dma_start3A_632 = arith.constant 336 : i32
    %dma_start3A_633 = tpu.memref_slice %arg8[%mul3A_4, %dma_start3A_632] : memref<1024x384xf32, #tpu.memory_space<hbm>> -> memref<32x8xf32, #tpu.memory_space<hbm>>
    %dma_start3A_634 = arith.constant 336 : i32
    %dma_start3A_635 = tpu.memref_slice %arg8[%mul3A_4, %dma_start3A_634] : memref<1024x384xf32, #tpu.memory_space<hbm>> -> memref<32x8xf32, #tpu.memory_space<hbm>>
    %dma_start3A_636 = arith.constant 320 : i32
    %dma_start3A_637 = arith.constant 0 : i32
    %dma_start3A_638 = tpu.memref_slice %arg17[%dma_start3A_636, %dma_start3A_637] : memref<512x8xf32, #tpu.memory_space<vmem>> -> memref<32x8xf32, #tpu.memory_space<vmem>>
    tpu.enqueue_dma source(%dma_start3A_638 : memref<32x8xf32, #tpu.memory_space<vmem>>) target(%dma_start3A_635 : memref<32x8xf32, #tpu.memory_space<hbm>>) target_semaphore(%arg20 : memref<!tpu.dma_semaphore, #tpu.memory_space<semaphore_mem>>)
    %dma_start3A_639 = arith.constant 352 : i32
    %dma_start3A_640 = arith.constant 0 : i32
    %dma_start3A_641 = tpu.memref_slice %arg17[%dma_start3A_639, %dma_start3A_640] : memref<512x8xf32, #tpu.memory_space<vmem>> -> memref<32x8xf32, #tpu.memory_space<vmem>>
    %dma_start3A_642 = arith.constant 344 : i32
    %dma_start3A_643 = tpu.memref_slice %arg8[%mul3A_4, %dma_start3A_642] : memref<1024x384xf32, #tpu.memory_space<hbm>> -> memref<32x8xf32, #tpu.memory_space<hbm>>
    %dma_start3A_644 = arith.constant 344 : i32
    %dma_start3A_645 = tpu.memref_slice %arg8[%mul3A_4, %dma_start3A_644] : memref<1024x384xf32, #tpu.memory_space<hbm>> -> memref<32x8xf32, #tpu.memory_space<hbm>>
    %dma_start3A_646 = arith.constant 352 : i32
    %dma_start3A_647 = arith.constant 0 : i32
    %dma_start3A_648 = tpu.memref_slice %arg17[%dma_start3A_646, %dma_start3A_647] : memref<512x8xf32, #tpu.memory_space<vmem>> -> memref<32x8xf32, #tpu.memory_space<vmem>>
    tpu.enqueue_dma source(%dma_start3A_648 : memref<32x8xf32, #tpu.memory_space<vmem>>) target(%dma_start3A_645 : memref<32x8xf32, #tpu.memory_space<hbm>>) target_semaphore(%arg20 : memref<!tpu.dma_semaphore, #tpu.memory_space<semaphore_mem>>)
    %dma_start3A_649 = arith.constant 384 : i32
    %dma_start3A_650 = arith.constant 0 : i32
    %dma_start3A_651 = tpu.memref_slice %arg17[%dma_start3A_649, %dma_start3A_650] : memref<512x8xf32, #tpu.memory_space<vmem>> -> memref<32x8xf32, #tpu.memory_space<vmem>>
    %dma_start3A_652 = arith.constant 352 : i32
    %dma_start3A_653 = tpu.memref_slice %arg8[%mul3A_4, %dma_start3A_652] : memref<1024x384xf32, #tpu.memory_space<hbm>> -> memref<32x8xf32, #tpu.memory_space<hbm>>
    %dma_start3A_654 = arith.constant 352 : i32
    %dma_start3A_655 = tpu.memref_slice %arg8[%mul3A_4, %dma_start3A_654] : memref<1024x384xf32, #tpu.memory_space<hbm>> -> memref<32x8xf32, #tpu.memory_space<hbm>>
    %dma_start3A_656 = arith.constant 384 : i32
    %dma_start3A_657 = arith.constant 0 : i32
    %dma_start3A_658 = tpu.memref_slice %arg17[%dma_start3A_656, %dma_start3A_657] : memref<512x8xf32, #tpu.memory_space<vmem>> -> memref<32x8xf32, #tpu.memory_space<vmem>>
    tpu.enqueue_dma source(%dma_start3A_658 : memref<32x8xf32, #tpu.memory_space<vmem>>) target(%dma_start3A_655 : memref<32x8xf32, #tpu.memory_space<hbm>>) target_semaphore(%arg20 : memref<!tpu.dma_semaphore, #tpu.memory_space<semaphore_mem>>)
    %dma_start3A_659 = arith.constant 416 : i32
    %dma_start3A_660 = arith.constant 0 : i32
    %dma_start3A_661 = tpu.memref_slice %arg17[%dma_start3A_659, %dma_start3A_660] : memref<512x8xf32, #tpu.memory_space<vmem>> -> memref<32x8xf32, #tpu.memory_space<vmem>>
    %dma_start3A_662 = arith.constant 360 : i32
    %dma_start3A_663 = tpu.memref_slice %arg8[%mul3A_4, %dma_start3A_662] : memref<1024x384xf32, #tpu.memory_space<hbm>> -> memref<32x8xf32, #tpu.memory_space<hbm>>
    %dma_start3A_664 = arith.constant 360 : i32
    %dma_start3A_665 = tpu.memref_slice %arg8[%mul3A_4, %dma_start3A_664] : memref<1024x384xf32, #tpu.memory_space<hbm>> -> memref<32x8xf32, #tpu.memory_space<hbm>>
    %dma_start3A_666 = arith.constant 416 : i32
    %dma_start3A_667 = arith.constant 0 : i32
    %dma_start3A_668 = tpu.memref_slice %arg17[%dma_start3A_666, %dma_start3A_667] : memref<512x8xf32, #tpu.memory_space<vmem>> -> memref<32x8xf32, #tpu.memory_space<vmem>>
    tpu.enqueue_dma source(%dma_start3A_668 : memref<32x8xf32, #tpu.memory_space<vmem>>) target(%dma_start3A_665 : memref<32x8xf32, #tpu.memory_space<hbm>>) target_semaphore(%arg20 : memref<!tpu.dma_semaphore, #tpu.memory_space<semaphore_mem>>)
    %dma_start3A_669 = arith.constant 448 : i32
    %dma_start3A_670 = arith.constant 0 : i32
    %dma_start3A_671 = tpu.memref_slice %arg17[%dma_start3A_669, %dma_start3A_670] : memref<512x8xf32, #tpu.memory_space<vmem>> -> memref<32x8xf32, #tpu.memory_space<vmem>>
    %dma_start3A_672 = arith.constant 368 : i32
    %dma_start3A_673 = tpu.memref_slice %arg8[%mul3A_4, %dma_start3A_672] : memref<1024x384xf32, #tpu.memory_space<hbm>> -> memref<32x8xf32, #tpu.memory_space<hbm>>
    %dma_start3A_674 = arith.constant 368 : i32
    %dma_start3A_675 = tpu.memref_slice %arg8[%mul3A_4, %dma_start3A_674] : memref<1024x384xf32, #tpu.memory_space<hbm>> -> memref<32x8xf32, #tpu.memory_space<hbm>>
    %dma_start3A_676 = arith.constant 448 : i32
    %dma_start3A_677 = arith.constant 0 : i32
    %dma_start3A_678 = tpu.memref_slice %arg17[%dma_start3A_676, %dma_start3A_677] : memref<512x8xf32, #tpu.memory_space<vmem>> -> memref<32x8xf32, #tpu.memory_space<vmem>>
    tpu.enqueue_dma source(%dma_start3A_678 : memref<32x8xf32, #tpu.memory_space<vmem>>) target(%dma_start3A_675 : memref<32x8xf32, #tpu.memory_space<hbm>>) target_semaphore(%arg20 : memref<!tpu.dma_semaphore, #tpu.memory_space<semaphore_mem>>)
    %dma_start3A_679 = arith.constant 480 : i32
    %dma_start3A_680 = arith.constant 0 : i32
    %dma_start3A_681 = tpu.memref_slice %arg17[%dma_start3A_679, %dma_start3A_680] : memref<512x8xf32, #tpu.memory_space<vmem>> -> memref<32x8xf32, #tpu.memory_space<vmem>>
    %dma_start3A_682 = arith.constant 376 : i32
    %dma_start3A_683 = tpu.memref_slice %arg8[%mul3A_4, %dma_start3A_682] : memref<1024x384xf32, #tpu.memory_space<hbm>> -> memref<32x8xf32, #tpu.memory_space<hbm>>
    %dma_start3A_684 = arith.constant 376 : i32
    %dma_start3A_685 = tpu.memref_slice %arg8[%mul3A_4, %dma_start3A_684] : memref<1024x384xf32, #tpu.memory_space<hbm>> -> memref<32x8xf32, #tpu.memory_space<hbm>>
    %dma_start3A_686 = arith.constant 480 : i32
    %dma_start3A_687 = arith.constant 0 : i32
    %dma_start3A_688 = tpu.memref_slice %arg17[%dma_start3A_686, %dma_start3A_687] : memref<512x8xf32, #tpu.memory_space<vmem>> -> memref<32x8xf32, #tpu.memory_space<vmem>>
    tpu.enqueue_dma source(%dma_start3A_688 : memref<32x8xf32, #tpu.memory_space<vmem>>) target(%dma_start3A_685 : memref<32x8xf32, #tpu.memory_space<hbm>>) target_semaphore(%arg20 : memref<!tpu.dma_semaphore, #tpu.memory_space<semaphore_mem>>)
    %dma_wait3A_689 = arith.constant 0 : i32
    %dma_wait3A_690 = arith.constant 0 : i32
    %dma_wait3A_691 = tpu.memref_slice %arg15[%dma_wait3A_689, %dma_wait3A_690] : memref<512x8xf32, #tpu.memory_space<vmem>> -> memref<32x8xf32, #tpu.memory_space<vmem>>
    %dma_wait3A_692 = arith.constant 0 : i32
    %dma_wait3A_693 = tpu.memref_slice %arg8[%mul3A_4, %dma_wait3A_692] : memref<1024x384xf32, #tpu.memory_space<hbm>> -> memref<32x8xf32, #tpu.memory_space<hbm>>
    %dma_wait3A_694 = arith.constant 0 : i32
    %dma_wait3A_695 = tpu.memref_slice %arg8[%mul3A_4, %dma_wait3A_694] : memref<1024x384xf32, #tpu.memory_space<hbm>> -> memref<32x8xf32, #tpu.memory_space<hbm>>
    %dma_wait3A_696 = arith.constant 0 : i32
    %dma_wait3A_697 = arith.constant 0 : i32
    %dma_wait3A_698 = tpu.memref_slice %arg15[%dma_wait3A_696, %dma_wait3A_697] : memref<512x8xf32, #tpu.memory_space<vmem>> -> memref<32x8xf32, #tpu.memory_space<vmem>>
    tpu.wait_dma2 semaphore(%arg20 : memref<!tpu.dma_semaphore, #tpu.memory_space<semaphore_mem>>) src(%dma_wait3A_698 : memref<32x8xf32, #tpu.memory_space<vmem>>) dst(%dma_wait3A_695 : memref<32x8xf32, #tpu.memory_space<hbm>>)
    %dma_wait3A_699 = arith.constant 32 : i32
    %dma_wait3A_700 = arith.constant 0 : i32
    %dma_wait3A_701 = tpu.memref_slice %arg15[%dma_wait3A_699, %dma_wait3A_700] : memref<512x8xf32, #tpu.memory_space<vmem>> -> memref<32x8xf32, #tpu.memory_space<vmem>>
    %dma_wait3A_702 = arith.constant 8 : i32
    %dma_wait3A_703 = tpu.memref_slice %arg8[%mul3A_4, %dma_wait3A_702] : memref<1024x384xf32, #tpu.memory_space<hbm>> -> memref<32x8xf32, #tpu.memory_space<hbm>>
    %dma_wait3A_704 = arith.constant 8 : i32
    %dma_wait3A_705 = tpu.memref_slice %arg8[%mul3A_4, %dma_wait3A_704] : memref<1024x384xf32, #tpu.memory_space<hbm>> -> memref<32x8xf32, #tpu.memory_space<hbm>>
    %dma_wait3A_706 = arith.constant 32 : i32
    %dma_wait3A_707 = arith.constant 0 : i32
    %dma_wait3A_708 = tpu.memref_slice %arg15[%dma_wait3A_706, %dma_wait3A_707] : memref<512x8xf32, #tpu.memory_space<vmem>> -> memref<32x8xf32, #tpu.memory_space<vmem>>
    tpu.wait_dma2 semaphore(%arg20 : memref<!tpu.dma_semaphore, #tpu.memory_space<semaphore_mem>>) src(%dma_wait3A_708 : memref<32x8xf32, #tpu.memory_space<vmem>>) dst(%dma_wait3A_705 : memref<32x8xf32, #tpu.memory_space<hbm>>)
    %dma_wait3A_709 = arith.constant 64 : i32
    %dma_wait3A_710 = arith.constant 0 : i32
    %dma_wait3A_711 = tpu.memref_slice %arg15[%dma_wait3A_709, %dma_wait3A_710] : memref<512x8xf32, #tpu.memory_space<vmem>> -> memref<32x8xf32, #tpu.memory_space<vmem>>
    %dma_wait3A_712 = arith.constant 16 : i32
    %dma_wait3A_713 = tpu.memref_slice %arg8[%mul3A_4, %dma_wait3A_712] : memref<1024x384xf32, #tpu.memory_space<hbm>> -> memref<32x8xf32, #tpu.memory_space<hbm>>
    %dma_wait3A_714 = arith.constant 16 : i32
    %dma_wait3A_715 = tpu.memref_slice %arg8[%mul3A_4, %dma_wait3A_714] : memref<1024x384xf32, #tpu.memory_space<hbm>> -> memref<32x8xf32, #tpu.memory_space<hbm>>
    %dma_wait3A_716 = arith.constant 64 : i32
    %dma_wait3A_717 = arith.constant 0 : i32
    %dma_wait3A_718 = tpu.memref_slice %arg15[%dma_wait3A_716, %dma_wait3A_717] : memref<512x8xf32, #tpu.memory_space<vmem>> -> memref<32x8xf32, #tpu.memory_space<vmem>>
    tpu.wait_dma2 semaphore(%arg20 : memref<!tpu.dma_semaphore, #tpu.memory_space<semaphore_mem>>) src(%dma_wait3A_718 : memref<32x8xf32, #tpu.memory_space<vmem>>) dst(%dma_wait3A_715 : memref<32x8xf32, #tpu.memory_space<hbm>>)
    %dma_wait3A_719 = arith.constant 96 : i32
    %dma_wait3A_720 = arith.constant 0 : i32
    %dma_wait3A_721 = tpu.memref_slice %arg15[%dma_wait3A_719, %dma_wait3A_720] : memref<512x8xf32, #tpu.memory_space<vmem>> -> memref<32x8xf32, #tpu.memory_space<vmem>>
    %dma_wait3A_722 = arith.constant 24 : i32
    %dma_wait3A_723 = tpu.memref_slice %arg8[%mul3A_4, %dma_wait3A_722] : memref<1024x384xf32, #tpu.memory_space<hbm>> -> memref<32x8xf32, #tpu.memory_space<hbm>>
    %dma_wait3A_724 = arith.constant 24 : i32
    %dma_wait3A_725 = tpu.memref_slice %arg8[%mul3A_4, %dma_wait3A_724] : memref<1024x384xf32, #tpu.memory_space<hbm>> -> memref<32x8xf32, #tpu.memory_space<hbm>>
    %dma_wait3A_726 = arith.constant 96 : i32
    %dma_wait3A_727 = arith.constant 0 : i32
    %dma_wait3A_728 = tpu.memref_slice %arg15[%dma_wait3A_726, %dma_wait3A_727] : memref<512x8xf32, #tpu.memory_space<vmem>> -> memref<32x8xf32, #tpu.memory_space<vmem>>
    tpu.wait_dma2 semaphore(%arg20 : memref<!tpu.dma_semaphore, #tpu.memory_space<semaphore_mem>>) src(%dma_wait3A_728 : memref<32x8xf32, #tpu.memory_space<vmem>>) dst(%dma_wait3A_725 : memref<32x8xf32, #tpu.memory_space<hbm>>)
    %dma_wait3A_729 = arith.constant 128 : i32
    %dma_wait3A_730 = arith.constant 0 : i32
    %dma_wait3A_731 = tpu.memref_slice %arg15[%dma_wait3A_729, %dma_wait3A_730] : memref<512x8xf32, #tpu.memory_space<vmem>> -> memref<32x8xf32, #tpu.memory_space<vmem>>
    %dma_wait3A_732 = arith.constant 32 : i32
    %dma_wait3A_733 = tpu.memref_slice %arg8[%mul3A_4, %dma_wait3A_732] : memref<1024x384xf32, #tpu.memory_space<hbm>> -> memref<32x8xf32, #tpu.memory_space<hbm>>
    %dma_wait3A_734 = arith.constant 32 : i32
    %dma_wait3A_735 = tpu.memref_slice %arg8[%mul3A_4, %dma_wait3A_734] : memref<1024x384xf32, #tpu.memory_space<hbm>> -> memref<32x8xf32, #tpu.memory_space<hbm>>
    %dma_wait3A_736 = arith.constant 128 : i32
    %dma_wait3A_737 = arith.constant 0 : i32
    %dma_wait3A_738 = tpu.memref_slice %arg15[%dma_wait3A_736, %dma_wait3A_737] : memref<512x8xf32, #tpu.memory_space<vmem>> -> memref<32x8xf32, #tpu.memory_space<vmem>>
    tpu.wait_dma2 semaphore(%arg20 : memref<!tpu.dma_semaphore, #tpu.memory_space<semaphore_mem>>) src(%dma_wait3A_738 : memref<32x8xf32, #tpu.memory_space<vmem>>) dst(%dma_wait3A_735 : memref<32x8xf32, #tpu.memory_space<hbm>>)
    %dma_wait3A_739 = arith.constant 160 : i32
    %dma_wait3A_740 = arith.constant 0 : i32
    %dma_wait3A_741 = tpu.memref_slice %arg15[%dma_wait3A_739, %dma_wait3A_740] : memref<512x8xf32, #tpu.memory_space<vmem>> -> memref<32x8xf32, #tpu.memory_space<vmem>>
    %dma_wait3A_742 = arith.constant 40 : i32
    %dma_wait3A_743 = tpu.memref_slice %arg8[%mul3A_4, %dma_wait3A_742] : memref<1024x384xf32, #tpu.memory_space<hbm>> -> memref<32x8xf32, #tpu.memory_space<hbm>>
    %dma_wait3A_744 = arith.constant 40 : i32
    %dma_wait3A_745 = tpu.memref_slice %arg8[%mul3A_4, %dma_wait3A_744] : memref<1024x384xf32, #tpu.memory_space<hbm>> -> memref<32x8xf32, #tpu.memory_space<hbm>>
    %dma_wait3A_746 = arith.constant 160 : i32
    %dma_wait3A_747 = arith.constant 0 : i32
    %dma_wait3A_748 = tpu.memref_slice %arg15[%dma_wait3A_746, %dma_wait3A_747] : memref<512x8xf32, #tpu.memory_space<vmem>> -> memref<32x8xf32, #tpu.memory_space<vmem>>
    tpu.wait_dma2 semaphore(%arg20 : memref<!tpu.dma_semaphore, #tpu.memory_space<semaphore_mem>>) src(%dma_wait3A_748 : memref<32x8xf32, #tpu.memory_space<vmem>>) dst(%dma_wait3A_745 : memref<32x8xf32, #tpu.memory_space<hbm>>)
    %dma_wait3A_749 = arith.constant 192 : i32
    %dma_wait3A_750 = arith.constant 0 : i32
    %dma_wait3A_751 = tpu.memref_slice %arg15[%dma_wait3A_749, %dma_wait3A_750] : memref<512x8xf32, #tpu.memory_space<vmem>> -> memref<32x8xf32, #tpu.memory_space<vmem>>
    %dma_wait3A_752 = arith.constant 48 : i32
    %dma_wait3A_753 = tpu.memref_slice %arg8[%mul3A_4, %dma_wait3A_752] : memref<1024x384xf32, #tpu.memory_space<hbm>> -> memref<32x8xf32, #tpu.memory_space<hbm>>
    %dma_wait3A_754 = arith.constant 48 : i32
    %dma_wait3A_755 = tpu.memref_slice %arg8[%mul3A_4, %dma_wait3A_754] : memref<1024x384xf32, #tpu.memory_space<hbm>> -> memref<32x8xf32, #tpu.memory_space<hbm>>
    %dma_wait3A_756 = arith.constant 192 : i32
    %dma_wait3A_757 = arith.constant 0 : i32
    %dma_wait3A_758 = tpu.memref_slice %arg15[%dma_wait3A_756, %dma_wait3A_757] : memref<512x8xf32, #tpu.memory_space<vmem>> -> memref<32x8xf32, #tpu.memory_space<vmem>>
    tpu.wait_dma2 semaphore(%arg20 : memref<!tpu.dma_semaphore, #tpu.memory_space<semaphore_mem>>) src(%dma_wait3A_758 : memref<32x8xf32, #tpu.memory_space<vmem>>) dst(%dma_wait3A_755 : memref<32x8xf32, #tpu.memory_space<hbm>>)
    %dma_wait3A_759 = arith.constant 224 : i32
    %dma_wait3A_760 = arith.constant 0 : i32
    %dma_wait3A_761 = tpu.memref_slice %arg15[%dma_wait3A_759, %dma_wait3A_760] : memref<512x8xf32, #tpu.memory_space<vmem>> -> memref<32x8xf32, #tpu.memory_space<vmem>>
    %dma_wait3A_762 = arith.constant 56 : i32
    %dma_wait3A_763 = tpu.memref_slice %arg8[%mul3A_4, %dma_wait3A_762] : memref<1024x384xf32, #tpu.memory_space<hbm>> -> memref<32x8xf32, #tpu.memory_space<hbm>>
    %dma_wait3A_764 = arith.constant 56 : i32
    %dma_wait3A_765 = tpu.memref_slice %arg8[%mul3A_4, %dma_wait3A_764] : memref<1024x384xf32, #tpu.memory_space<hbm>> -> memref<32x8xf32, #tpu.memory_space<hbm>>
    %dma_wait3A_766 = arith.constant 224 : i32
    %dma_wait3A_767 = arith.constant 0 : i32
    %dma_wait3A_768 = tpu.memref_slice %arg15[%dma_wait3A_766, %dma_wait3A_767] : memref<512x8xf32, #tpu.memory_space<vmem>> -> memref<32x8xf32, #tpu.memory_space<vmem>>
    tpu.wait_dma2 semaphore(%arg20 : memref<!tpu.dma_semaphore, #tpu.memory_space<semaphore_mem>>) src(%dma_wait3A_768 : memref<32x8xf32, #tpu.memory_space<vmem>>) dst(%dma_wait3A_765 : memref<32x8xf32, #tpu.memory_space<hbm>>)
    %dma_wait3A_769 = arith.constant 256 : i32
    %dma_wait3A_770 = arith.constant 0 : i32
    %dma_wait3A_771 = tpu.memref_slice %arg15[%dma_wait3A_769, %dma_wait3A_770] : memref<512x8xf32, #tpu.memory_space<vmem>> -> memref<32x8xf32, #tpu.memory_space<vmem>>
    %dma_wait3A_772 = arith.constant 64 : i32
    %dma_wait3A_773 = tpu.memref_slice %arg8[%mul3A_4, %dma_wait3A_772] : memref<1024x384xf32, #tpu.memory_space<hbm>> -> memref<32x8xf32, #tpu.memory_space<hbm>>
    %dma_wait3A_774 = arith.constant 64 : i32
    %dma_wait3A_775 = tpu.memref_slice %arg8[%mul3A_4, %dma_wait3A_774] : memref<1024x384xf32, #tpu.memory_space<hbm>> -> memref<32x8xf32, #tpu.memory_space<hbm>>
    %dma_wait3A_776 = arith.constant 256 : i32
    %dma_wait3A_777 = arith.constant 0 : i32
    %dma_wait3A_778 = tpu.memref_slice %arg15[%dma_wait3A_776, %dma_wait3A_777] : memref<512x8xf32, #tpu.memory_space<vmem>> -> memref<32x8xf32, #tpu.memory_space<vmem>>
    tpu.wait_dma2 semaphore(%arg20 : memref<!tpu.dma_semaphore, #tpu.memory_space<semaphore_mem>>) src(%dma_wait3A_778 : memref<32x8xf32, #tpu.memory_space<vmem>>) dst(%dma_wait3A_775 : memref<32x8xf32, #tpu.memory_space<hbm>>)
    %dma_wait3A_779 = arith.constant 288 : i32
    %dma_wait3A_780 = arith.constant 0 : i32
    %dma_wait3A_781 = tpu.memref_slice %arg15[%dma_wait3A_779, %dma_wait3A_780] : memref<512x8xf32, #tpu.memory_space<vmem>> -> memref<32x8xf32, #tpu.memory_space<vmem>>
    %dma_wait3A_782 = arith.constant 72 : i32
    %dma_wait3A_783 = tpu.memref_slice %arg8[%mul3A_4, %dma_wait3A_782] : memref<1024x384xf32, #tpu.memory_space<hbm>> -> memref<32x8xf32, #tpu.memory_space<hbm>>
    %dma_wait3A_784 = arith.constant 72 : i32
    %dma_wait3A_785 = tpu.memref_slice %arg8[%mul3A_4, %dma_wait3A_784] : memref<1024x384xf32, #tpu.memory_space<hbm>> -> memref<32x8xf32, #tpu.memory_space<hbm>>
    %dma_wait3A_786 = arith.constant 288 : i32
    %dma_wait3A_787 = arith.constant 0 : i32
    %dma_wait3A_788 = tpu.memref_slice %arg15[%dma_wait3A_786, %dma_wait3A_787] : memref<512x8xf32, #tpu.memory_space<vmem>> -> memref<32x8xf32, #tpu.memory_space<vmem>>
    tpu.wait_dma2 semaphore(%arg20 : memref<!tpu.dma_semaphore, #tpu.memory_space<semaphore_mem>>) src(%dma_wait3A_788 : memref<32x8xf32, #tpu.memory_space<vmem>>) dst(%dma_wait3A_785 : memref<32x8xf32, #tpu.memory_space<hbm>>)
    %dma_wait3A_789 = arith.constant 320 : i32
    %dma_wait3A_790 = arith.constant 0 : i32
    %dma_wait3A_791 = tpu.memref_slice %arg15[%dma_wait3A_789, %dma_wait3A_790] : memref<512x8xf32, #tpu.memory_space<vmem>> -> memref<32x8xf32, #tpu.memory_space<vmem>>
    %dma_wait3A_792 = arith.constant 80 : i32
    %dma_wait3A_793 = tpu.memref_slice %arg8[%mul3A_4, %dma_wait3A_792] : memref<1024x384xf32, #tpu.memory_space<hbm>> -> memref<32x8xf32, #tpu.memory_space<hbm>>
    %dma_wait3A_794 = arith.constant 80 : i32
    %dma_wait3A_795 = tpu.memref_slice %arg8[%mul3A_4, %dma_wait3A_794] : memref<1024x384xf32, #tpu.memory_space<hbm>> -> memref<32x8xf32, #tpu.memory_space<hbm>>
    %dma_wait3A_796 = arith.constant 320 : i32
    %dma_wait3A_797 = arith.constant 0 : i32
    %dma_wait3A_798 = tpu.memref_slice %arg15[%dma_wait3A_796, %dma_wait3A_797] : memref<512x8xf32, #tpu.memory_space<vmem>> -> memref<32x8xf32, #tpu.memory_space<vmem>>
    tpu.wait_dma2 semaphore(%arg20 : memref<!tpu.dma_semaphore, #tpu.memory_space<semaphore_mem>>) src(%dma_wait3A_798 : memref<32x8xf32, #tpu.memory_space<vmem>>) dst(%dma_wait3A_795 : memref<32x8xf32, #tpu.memory_space<hbm>>)
    %dma_wait3A_799 = arith.constant 352 : i32
    %dma_wait3A_800 = arith.constant 0 : i32
    %dma_wait3A_801 = tpu.memref_slice %arg15[%dma_wait3A_799, %dma_wait3A_800] : memref<512x8xf32, #tpu.memory_space<vmem>> -> memref<32x8xf32, #tpu.memory_space<vmem>>
    %dma_wait3A_802 = arith.constant 88 : i32
    %dma_wait3A_803 = tpu.memref_slice %arg8[%mul3A_4, %dma_wait3A_802] : memref<1024x384xf32, #tpu.memory_space<hbm>> -> memref<32x8xf32, #tpu.memory_space<hbm>>
    %dma_wait3A_804 = arith.constant 88 : i32
    %dma_wait3A_805 = tpu.memref_slice %arg8[%mul3A_4, %dma_wait3A_804] : memref<1024x384xf32, #tpu.memory_space<hbm>> -> memref<32x8xf32, #tpu.memory_space<hbm>>
    %dma_wait3A_806 = arith.constant 352 : i32
    %dma_wait3A_807 = arith.constant 0 : i32
    %dma_wait3A_808 = tpu.memref_slice %arg15[%dma_wait3A_806, %dma_wait3A_807] : memref<512x8xf32, #tpu.memory_space<vmem>> -> memref<32x8xf32, #tpu.memory_space<vmem>>
    tpu.wait_dma2 semaphore(%arg20 : memref<!tpu.dma_semaphore, #tpu.memory_space<semaphore_mem>>) src(%dma_wait3A_808 : memref<32x8xf32, #tpu.memory_space<vmem>>) dst(%dma_wait3A_805 : memref<32x8xf32, #tpu.memory_space<hbm>>)
    %dma_wait3A_809 = arith.constant 384 : i32
    %dma_wait3A_810 = arith.constant 0 : i32
    %dma_wait3A_811 = tpu.memref_slice %arg15[%dma_wait3A_809, %dma_wait3A_810] : memref<512x8xf32, #tpu.memory_space<vmem>> -> memref<32x8xf32, #tpu.memory_space<vmem>>
    %dma_wait3A_812 = arith.constant 96 : i32
    %dma_wait3A_813 = tpu.memref_slice %arg8[%mul3A_4, %dma_wait3A_812] : memref<1024x384xf32, #tpu.memory_space<hbm>> -> memref<32x8xf32, #tpu.memory_space<hbm>>
    %dma_wait3A_814 = arith.constant 96 : i32
    %dma_wait3A_815 = tpu.memref_slice %arg8[%mul3A_4, %dma_wait3A_814] : memref<1024x384xf32, #tpu.memory_space<hbm>> -> memref<32x8xf32, #tpu.memory_space<hbm>>
    %dma_wait3A_816 = arith.constant 384 : i32
    %dma_wait3A_817 = arith.constant 0 : i32
    %dma_wait3A_818 = tpu.memref_slice %arg15[%dma_wait3A_816, %dma_wait3A_817] : memref<512x8xf32, #tpu.memory_space<vmem>> -> memref<32x8xf32, #tpu.memory_space<vmem>>
    tpu.wait_dma2 semaphore(%arg20 : memref<!tpu.dma_semaphore, #tpu.memory_space<semaphore_mem>>) src(%dma_wait3A_818 : memref<32x8xf32, #tpu.memory_space<vmem>>) dst(%dma_wait3A_815 : memref<32x8xf32, #tpu.memory_space<hbm>>)
    %dma_wait3A_819 = arith.constant 416 : i32
    %dma_wait3A_820 = arith.constant 0 : i32
    %dma_wait3A_821 = tpu.memref_slice %arg15[%dma_wait3A_819, %dma_wait3A_820] : memref<512x8xf32, #tpu.memory_space<vmem>> -> memref<32x8xf32, #tpu.memory_space<vmem>>
    %dma_wait3A_822 = arith.constant 104 : i32
    %dma_wait3A_823 = tpu.memref_slice %arg8[%mul3A_4, %dma_wait3A_822] : memref<1024x384xf32, #tpu.memory_space<hbm>> -> memref<32x8xf32, #tpu.memory_space<hbm>>
    %dma_wait3A_824 = arith.constant 104 : i32
    %dma_wait3A_825 = tpu.memref_slice %arg8[%mul3A_4, %dma_wait3A_824] : memref<1024x384xf32, #tpu.memory_space<hbm>> -> memref<32x8xf32, #tpu.memory_space<hbm>>
    %dma_wait3A_826 = arith.constant 416 : i32
    %dma_wait3A_827 = arith.constant 0 : i32
    %dma_wait3A_828 = tpu.memref_slice %arg15[%dma_wait3A_826, %dma_wait3A_827] : memref<512x8xf32, #tpu.memory_space<vmem>> -> memref<32x8xf32, #tpu.memory_space<vmem>>
    tpu.wait_dma2 semaphore(%arg20 : memref<!tpu.dma_semaphore, #tpu.memory_space<semaphore_mem>>) src(%dma_wait3A_828 : memref<32x8xf32, #tpu.memory_space<vmem>>) dst(%dma_wait3A_825 : memref<32x8xf32, #tpu.memory_space<hbm>>)
    %dma_wait3A_829 = arith.constant 448 : i32
    %dma_wait3A_830 = arith.constant 0 : i32
    %dma_wait3A_831 = tpu.memref_slice %arg15[%dma_wait3A_829, %dma_wait3A_830] : memref<512x8xf32, #tpu.memory_space<vmem>> -> memref<32x8xf32, #tpu.memory_space<vmem>>
    %dma_wait3A_832 = arith.constant 112 : i32
    %dma_wait3A_833 = tpu.memref_slice %arg8[%mul3A_4, %dma_wait3A_832] : memref<1024x384xf32, #tpu.memory_space<hbm>> -> memref<32x8xf32, #tpu.memory_space<hbm>>
    %dma_wait3A_834 = arith.constant 112 : i32
    %dma_wait3A_835 = tpu.memref_slice %arg8[%mul3A_4, %dma_wait3A_834] : memref<1024x384xf32, #tpu.memory_space<hbm>> -> memref<32x8xf32, #tpu.memory_space<hbm>>
    %dma_wait3A_836 = arith.constant 448 : i32
    %dma_wait3A_837 = arith.constant 0 : i32
    %dma_wait3A_838 = tpu.memref_slice %arg15[%dma_wait3A_836, %dma_wait3A_837] : memref<512x8xf32, #tpu.memory_space<vmem>> -> memref<32x8xf32, #tpu.memory_space<vmem>>
    tpu.wait_dma2 semaphore(%arg20 : memref<!tpu.dma_semaphore, #tpu.memory_space<semaphore_mem>>) src(%dma_wait3A_838 : memref<32x8xf32, #tpu.memory_space<vmem>>) dst(%dma_wait3A_835 : memref<32x8xf32, #tpu.memory_space<hbm>>)
    %dma_wait3A_839 = arith.constant 480 : i32
    %dma_wait3A_840 = arith.constant 0 : i32
    %dma_wait3A_841 = tpu.memref_slice %arg15[%dma_wait3A_839, %dma_wait3A_840] : memref<512x8xf32, #tpu.memory_space<vmem>> -> memref<32x8xf32, #tpu.memory_space<vmem>>
    %dma_wait3A_842 = arith.constant 120 : i32
    %dma_wait3A_843 = tpu.memref_slice %arg8[%mul3A_4, %dma_wait3A_842] : memref<1024x384xf32, #tpu.memory_space<hbm>> -> memref<32x8xf32, #tpu.memory_space<hbm>>
    %dma_wait3A_844 = arith.constant 120 : i32
    %dma_wait3A_845 = tpu.memref_slice %arg8[%mul3A_4, %dma_wait3A_844] : memref<1024x384xf32, #tpu.memory_space<hbm>> -> memref<32x8xf32, #tpu.memory_space<hbm>>
    %dma_wait3A_846 = arith.constant 480 : i32
    %dma_wait3A_847 = arith.constant 0 : i32
    %dma_wait3A_848 = tpu.memref_slice %arg15[%dma_wait3A_846, %dma_wait3A_847] : memref<512x8xf32, #tpu.memory_space<vmem>> -> memref<32x8xf32, #tpu.memory_space<vmem>>
    tpu.wait_dma2 semaphore(%arg20 : memref<!tpu.dma_semaphore, #tpu.memory_space<semaphore_mem>>) src(%dma_wait3A_848 : memref<32x8xf32, #tpu.memory_space<vmem>>) dst(%dma_wait3A_845 : memref<32x8xf32, #tpu.memory_space<hbm>>)
    %dma_wait3A_849 = arith.constant 0 : i32
    %dma_wait3A_850 = arith.constant 0 : i32
    %dma_wait3A_851 = tpu.memref_slice %arg16[%dma_wait3A_849, %dma_wait3A_850] : memref<512x8xf32, #tpu.memory_space<vmem>> -> memref<32x8xf32, #tpu.memory_space<vmem>>
    %dma_wait3A_852 = arith.constant 128 : i32
    %dma_wait3A_853 = tpu.memref_slice %arg8[%mul3A_4, %dma_wait3A_852] : memref<1024x384xf32, #tpu.memory_space<hbm>> -> memref<32x8xf32, #tpu.memory_space<hbm>>
    %dma_wait3A_854 = arith.constant 128 : i32
    %dma_wait3A_855 = tpu.memref_slice %arg8[%mul3A_4, %dma_wait3A_854] : memref<1024x384xf32, #tpu.memory_space<hbm>> -> memref<32x8xf32, #tpu.memory_space<hbm>>
    %dma_wait3A_856 = arith.constant 0 : i32
    %dma_wait3A_857 = arith.constant 0 : i32
    %dma_wait3A_858 = tpu.memref_slice %arg16[%dma_wait3A_856, %dma_wait3A_857] : memref<512x8xf32, #tpu.memory_space<vmem>> -> memref<32x8xf32, #tpu.memory_space<vmem>>
    tpu.wait_dma2 semaphore(%arg20 : memref<!tpu.dma_semaphore, #tpu.memory_space<semaphore_mem>>) src(%dma_wait3A_858 : memref<32x8xf32, #tpu.memory_space<vmem>>) dst(%dma_wait3A_855 : memref<32x8xf32, #tpu.memory_space<hbm>>)
    %dma_wait3A_859 = arith.constant 32 : i32
    %dma_wait3A_860 = arith.constant 0 : i32
    %dma_wait3A_861 = tpu.memref_slice %arg16[%dma_wait3A_859, %dma_wait3A_860] : memref<512x8xf32, #tpu.memory_space<vmem>> -> memref<32x8xf32, #tpu.memory_space<vmem>>
    %dma_wait3A_862 = arith.constant 136 : i32
    %dma_wait3A_863 = tpu.memref_slice %arg8[%mul3A_4, %dma_wait3A_862] : memref<1024x384xf32, #tpu.memory_space<hbm>> -> memref<32x8xf32, #tpu.memory_space<hbm>>
    %dma_wait3A_864 = arith.constant 136 : i32
    %dma_wait3A_865 = tpu.memref_slice %arg8[%mul3A_4, %dma_wait3A_864] : memref<1024x384xf32, #tpu.memory_space<hbm>> -> memref<32x8xf32, #tpu.memory_space<hbm>>
    %dma_wait3A_866 = arith.constant 32 : i32
    %dma_wait3A_867 = arith.constant 0 : i32
    %dma_wait3A_868 = tpu.memref_slice %arg16[%dma_wait3A_866, %dma_wait3A_867] : memref<512x8xf32, #tpu.memory_space<vmem>> -> memref<32x8xf32, #tpu.memory_space<vmem>>
    tpu.wait_dma2 semaphore(%arg20 : memref<!tpu.dma_semaphore, #tpu.memory_space<semaphore_mem>>) src(%dma_wait3A_868 : memref<32x8xf32, #tpu.memory_space<vmem>>) dst(%dma_wait3A_865 : memref<32x8xf32, #tpu.memory_space<hbm>>)
    %dma_wait3A_869 = arith.constant 64 : i32
    %dma_wait3A_870 = arith.constant 0 : i32
    %dma_wait3A_871 = tpu.memref_slice %arg16[%dma_wait3A_869, %dma_wait3A_870] : memref<512x8xf32, #tpu.memory_space<vmem>> -> memref<32x8xf32, #tpu.memory_space<vmem>>
    %dma_wait3A_872 = arith.constant 144 : i32
    %dma_wait3A_873 = tpu.memref_slice %arg8[%mul3A_4, %dma_wait3A_872] : memref<1024x384xf32, #tpu.memory_space<hbm>> -> memref<32x8xf32, #tpu.memory_space<hbm>>
    %dma_wait3A_874 = arith.constant 144 : i32
    %dma_wait3A_875 = tpu.memref_slice %arg8[%mul3A_4, %dma_wait3A_874] : memref<1024x384xf32, #tpu.memory_space<hbm>> -> memref<32x8xf32, #tpu.memory_space<hbm>>
    %dma_wait3A_876 = arith.constant 64 : i32
    %dma_wait3A_877 = arith.constant 0 : i32
    %dma_wait3A_878 = tpu.memref_slice %arg16[%dma_wait3A_876, %dma_wait3A_877] : memref<512x8xf32, #tpu.memory_space<vmem>> -> memref<32x8xf32, #tpu.memory_space<vmem>>
    tpu.wait_dma2 semaphore(%arg20 : memref<!tpu.dma_semaphore, #tpu.memory_space<semaphore_mem>>) src(%dma_wait3A_878 : memref<32x8xf32, #tpu.memory_space<vmem>>) dst(%dma_wait3A_875 : memref<32x8xf32, #tpu.memory_space<hbm>>)
    %dma_wait3A_879 = arith.constant 96 : i32
    %dma_wait3A_880 = arith.constant 0 : i32
    %dma_wait3A_881 = tpu.memref_slice %arg16[%dma_wait3A_879, %dma_wait3A_880] : memref<512x8xf32, #tpu.memory_space<vmem>> -> memref<32x8xf32, #tpu.memory_space<vmem>>
    %dma_wait3A_882 = arith.constant 152 : i32
    %dma_wait3A_883 = tpu.memref_slice %arg8[%mul3A_4, %dma_wait3A_882] : memref<1024x384xf32, #tpu.memory_space<hbm>> -> memref<32x8xf32, #tpu.memory_space<hbm>>
    %dma_wait3A_884 = arith.constant 152 : i32
    %dma_wait3A_885 = tpu.memref_slice %arg8[%mul3A_4, %dma_wait3A_884] : memref<1024x384xf32, #tpu.memory_space<hbm>> -> memref<32x8xf32, #tpu.memory_space<hbm>>
    %dma_wait3A_886 = arith.constant 96 : i32
    %dma_wait3A_887 = arith.constant 0 : i32
    %dma_wait3A_888 = tpu.memref_slice %arg16[%dma_wait3A_886, %dma_wait3A_887] : memref<512x8xf32, #tpu.memory_space<vmem>> -> memref<32x8xf32, #tpu.memory_space<vmem>>
    tpu.wait_dma2 semaphore(%arg20 : memref<!tpu.dma_semaphore, #tpu.memory_space<semaphore_mem>>) src(%dma_wait3A_888 : memref<32x8xf32, #tpu.memory_space<vmem>>) dst(%dma_wait3A_885 : memref<32x8xf32, #tpu.memory_space<hbm>>)
    %dma_wait3A_889 = arith.constant 128 : i32
    %dma_wait3A_890 = arith.constant 0 : i32
    %dma_wait3A_891 = tpu.memref_slice %arg16[%dma_wait3A_889, %dma_wait3A_890] : memref<512x8xf32, #tpu.memory_space<vmem>> -> memref<32x8xf32, #tpu.memory_space<vmem>>
    %dma_wait3A_892 = arith.constant 160 : i32
    %dma_wait3A_893 = tpu.memref_slice %arg8[%mul3A_4, %dma_wait3A_892] : memref<1024x384xf32, #tpu.memory_space<hbm>> -> memref<32x8xf32, #tpu.memory_space<hbm>>
    %dma_wait3A_894 = arith.constant 160 : i32
    %dma_wait3A_895 = tpu.memref_slice %arg8[%mul3A_4, %dma_wait3A_894] : memref<1024x384xf32, #tpu.memory_space<hbm>> -> memref<32x8xf32, #tpu.memory_space<hbm>>
    %dma_wait3A_896 = arith.constant 128 : i32
    %dma_wait3A_897 = arith.constant 0 : i32
    %dma_wait3A_898 = tpu.memref_slice %arg16[%dma_wait3A_896, %dma_wait3A_897] : memref<512x8xf32, #tpu.memory_space<vmem>> -> memref<32x8xf32, #tpu.memory_space<vmem>>
    tpu.wait_dma2 semaphore(%arg20 : memref<!tpu.dma_semaphore, #tpu.memory_space<semaphore_mem>>) src(%dma_wait3A_898 : memref<32x8xf32, #tpu.memory_space<vmem>>) dst(%dma_wait3A_895 : memref<32x8xf32, #tpu.memory_space<hbm>>)
    %dma_wait3A_899 = arith.constant 160 : i32
    %dma_wait3A_900 = arith.constant 0 : i32
    %dma_wait3A_901 = tpu.memref_slice %arg16[%dma_wait3A_899, %dma_wait3A_900] : memref<512x8xf32, #tpu.memory_space<vmem>> -> memref<32x8xf32, #tpu.memory_space<vmem>>
    %dma_wait3A_902 = arith.constant 168 : i32
    %dma_wait3A_903 = tpu.memref_slice %arg8[%mul3A_4, %dma_wait3A_902] : memref<1024x384xf32, #tpu.memory_space<hbm>> -> memref<32x8xf32, #tpu.memory_space<hbm>>
    %dma_wait3A_904 = arith.constant 168 : i32
    %dma_wait3A_905 = tpu.memref_slice %arg8[%mul3A_4, %dma_wait3A_904] : memref<1024x384xf32, #tpu.memory_space<hbm>> -> memref<32x8xf32, #tpu.memory_space<hbm>>
    %dma_wait3A_906 = arith.constant 160 : i32
    %dma_wait3A_907 = arith.constant 0 : i32
    %dma_wait3A_908 = tpu.memref_slice %arg16[%dma_wait3A_906, %dma_wait3A_907] : memref<512x8xf32, #tpu.memory_space<vmem>> -> memref<32x8xf32, #tpu.memory_space<vmem>>
    tpu.wait_dma2 semaphore(%arg20 : memref<!tpu.dma_semaphore, #tpu.memory_space<semaphore_mem>>) src(%dma_wait3A_908 : memref<32x8xf32, #tpu.memory_space<vmem>>) dst(%dma_wait3A_905 : memref<32x8xf32, #tpu.memory_space<hbm>>)
    %dma_wait3A_909 = arith.constant 192 : i32
    %dma_wait3A_910 = arith.constant 0 : i32
    %dma_wait3A_911 = tpu.memref_slice %arg16[%dma_wait3A_909, %dma_wait3A_910] : memref<512x8xf32, #tpu.memory_space<vmem>> -> memref<32x8xf32, #tpu.memory_space<vmem>>
    %dma_wait3A_912 = arith.constant 176 : i32
    %dma_wait3A_913 = tpu.memref_slice %arg8[%mul3A_4, %dma_wait3A_912] : memref<1024x384xf32, #tpu.memory_space<hbm>> -> memref<32x8xf32, #tpu.memory_space<hbm>>
    %dma_wait3A_914 = arith.constant 176 : i32
    %dma_wait3A_915 = tpu.memref_slice %arg8[%mul3A_4, %dma_wait3A_914] : memref<1024x384xf32, #tpu.memory_space<hbm>> -> memref<32x8xf32, #tpu.memory_space<hbm>>
    %dma_wait3A_916 = arith.constant 192 : i32
    %dma_wait3A_917 = arith.constant 0 : i32
    %dma_wait3A_918 = tpu.memref_slice %arg16[%dma_wait3A_916, %dma_wait3A_917] : memref<512x8xf32, #tpu.memory_space<vmem>> -> memref<32x8xf32, #tpu.memory_space<vmem>>
    tpu.wait_dma2 semaphore(%arg20 : memref<!tpu.dma_semaphore, #tpu.memory_space<semaphore_mem>>) src(%dma_wait3A_918 : memref<32x8xf32, #tpu.memory_space<vmem>>) dst(%dma_wait3A_915 : memref<32x8xf32, #tpu.memory_space<hbm>>)
    %dma_wait3A_919 = arith.constant 224 : i32
    %dma_wait3A_920 = arith.constant 0 : i32
    %dma_wait3A_921 = tpu.memref_slice %arg16[%dma_wait3A_919, %dma_wait3A_920] : memref<512x8xf32, #tpu.memory_space<vmem>> -> memref<32x8xf32, #tpu.memory_space<vmem>>
    %dma_wait3A_922 = arith.constant 184 : i32
    %dma_wait3A_923 = tpu.memref_slice %arg8[%mul3A_4, %dma_wait3A_922] : memref<1024x384xf32, #tpu.memory_space<hbm>> -> memref<32x8xf32, #tpu.memory_space<hbm>>
    %dma_wait3A_924 = arith.constant 184 : i32
    %dma_wait3A_925 = tpu.memref_slice %arg8[%mul3A_4, %dma_wait3A_924] : memref<1024x384xf32, #tpu.memory_space<hbm>> -> memref<32x8xf32, #tpu.memory_space<hbm>>
    %dma_wait3A_926 = arith.constant 224 : i32
    %dma_wait3A_927 = arith.constant 0 : i32
    %dma_wait3A_928 = tpu.memref_slice %arg16[%dma_wait3A_926, %dma_wait3A_927] : memref<512x8xf32, #tpu.memory_space<vmem>> -> memref<32x8xf32, #tpu.memory_space<vmem>>
    tpu.wait_dma2 semaphore(%arg20 : memref<!tpu.dma_semaphore, #tpu.memory_space<semaphore_mem>>) src(%dma_wait3A_928 : memref<32x8xf32, #tpu.memory_space<vmem>>) dst(%dma_wait3A_925 : memref<32x8xf32, #tpu.memory_space<hbm>>)
    %dma_wait3A_929 = arith.constant 256 : i32
    %dma_wait3A_930 = arith.constant 0 : i32
    %dma_wait3A_931 = tpu.memref_slice %arg16[%dma_wait3A_929, %dma_wait3A_930] : memref<512x8xf32, #tpu.memory_space<vmem>> -> memref<32x8xf32, #tpu.memory_space<vmem>>
    %dma_wait3A_932 = arith.constant 192 : i32
    %dma_wait3A_933 = tpu.memref_slice %arg8[%mul3A_4, %dma_wait3A_932] : memref<1024x384xf32, #tpu.memory_space<hbm>> -> memref<32x8xf32, #tpu.memory_space<hbm>>
    %dma_wait3A_934 = arith.constant 192 : i32
    %dma_wait3A_935 = tpu.memref_slice %arg8[%mul3A_4, %dma_wait3A_934] : memref<1024x384xf32, #tpu.memory_space<hbm>> -> memref<32x8xf32, #tpu.memory_space<hbm>>
    %dma_wait3A_936 = arith.constant 256 : i32
    %dma_wait3A_937 = arith.constant 0 : i32
    %dma_wait3A_938 = tpu.memref_slice %arg16[%dma_wait3A_936, %dma_wait3A_937] : memref<512x8xf32, #tpu.memory_space<vmem>> -> memref<32x8xf32, #tpu.memory_space<vmem>>
    tpu.wait_dma2 semaphore(%arg20 : memref<!tpu.dma_semaphore, #tpu.memory_space<semaphore_mem>>) src(%dma_wait3A_938 : memref<32x8xf32, #tpu.memory_space<vmem>>) dst(%dma_wait3A_935 : memref<32x8xf32, #tpu.memory_space<hbm>>)
    %dma_wait3A_939 = arith.constant 288 : i32
    %dma_wait3A_940 = arith.constant 0 : i32
    %dma_wait3A_941 = tpu.memref_slice %arg16[%dma_wait3A_939, %dma_wait3A_940] : memref<512x8xf32, #tpu.memory_space<vmem>> -> memref<32x8xf32, #tpu.memory_space<vmem>>
    %dma_wait3A_942 = arith.constant 200 : i32
    %dma_wait3A_943 = tpu.memref_slice %arg8[%mul3A_4, %dma_wait3A_942] : memref<1024x384xf32, #tpu.memory_space<hbm>> -> memref<32x8xf32, #tpu.memory_space<hbm>>
    %dma_wait3A_944 = arith.constant 200 : i32
    %dma_wait3A_945 = tpu.memref_slice %arg8[%mul3A_4, %dma_wait3A_944] : memref<1024x384xf32, #tpu.memory_space<hbm>> -> memref<32x8xf32, #tpu.memory_space<hbm>>
    %dma_wait3A_946 = arith.constant 288 : i32
    %dma_wait3A_947 = arith.constant 0 : i32
    %dma_wait3A_948 = tpu.memref_slice %arg16[%dma_wait3A_946, %dma_wait3A_947] : memref<512x8xf32, #tpu.memory_space<vmem>> -> memref<32x8xf32, #tpu.memory_space<vmem>>
    tpu.wait_dma2 semaphore(%arg20 : memref<!tpu.dma_semaphore, #tpu.memory_space<semaphore_mem>>) src(%dma_wait3A_948 : memref<32x8xf32, #tpu.memory_space<vmem>>) dst(%dma_wait3A_945 : memref<32x8xf32, #tpu.memory_space<hbm>>)
    %dma_wait3A_949 = arith.constant 320 : i32
    %dma_wait3A_950 = arith.constant 0 : i32
    %dma_wait3A_951 = tpu.memref_slice %arg16[%dma_wait3A_949, %dma_wait3A_950] : memref<512x8xf32, #tpu.memory_space<vmem>> -> memref<32x8xf32, #tpu.memory_space<vmem>>
    %dma_wait3A_952 = arith.constant 208 : i32
    %dma_wait3A_953 = tpu.memref_slice %arg8[%mul3A_4, %dma_wait3A_952] : memref<1024x384xf32, #tpu.memory_space<hbm>> -> memref<32x8xf32, #tpu.memory_space<hbm>>
    %dma_wait3A_954 = arith.constant 208 : i32
    %dma_wait3A_955 = tpu.memref_slice %arg8[%mul3A_4, %dma_wait3A_954] : memref<1024x384xf32, #tpu.memory_space<hbm>> -> memref<32x8xf32, #tpu.memory_space<hbm>>
    %dma_wait3A_956 = arith.constant 320 : i32
    %dma_wait3A_957 = arith.constant 0 : i32
    %dma_wait3A_958 = tpu.memref_slice %arg16[%dma_wait3A_956, %dma_wait3A_957] : memref<512x8xf32, #tpu.memory_space<vmem>> -> memref<32x8xf32, #tpu.memory_space<vmem>>
    tpu.wait_dma2 semaphore(%arg20 : memref<!tpu.dma_semaphore, #tpu.memory_space<semaphore_mem>>) src(%dma_wait3A_958 : memref<32x8xf32, #tpu.memory_space<vmem>>) dst(%dma_wait3A_955 : memref<32x8xf32, #tpu.memory_space<hbm>>)
    %dma_wait3A_959 = arith.constant 352 : i32
    %dma_wait3A_960 = arith.constant 0 : i32
    %dma_wait3A_961 = tpu.memref_slice %arg16[%dma_wait3A_959, %dma_wait3A_960] : memref<512x8xf32, #tpu.memory_space<vmem>> -> memref<32x8xf32, #tpu.memory_space<vmem>>
    %dma_wait3A_962 = arith.constant 216 : i32
    %dma_wait3A_963 = tpu.memref_slice %arg8[%mul3A_4, %dma_wait3A_962] : memref<1024x384xf32, #tpu.memory_space<hbm>> -> memref<32x8xf32, #tpu.memory_space<hbm>>
    %dma_wait3A_964 = arith.constant 216 : i32
    %dma_wait3A_965 = tpu.memref_slice %arg8[%mul3A_4, %dma_wait3A_964] : memref<1024x384xf32, #tpu.memory_space<hbm>> -> memref<32x8xf32, #tpu.memory_space<hbm>>
    %dma_wait3A_966 = arith.constant 352 : i32
    %dma_wait3A_967 = arith.constant 0 : i32
    %dma_wait3A_968 = tpu.memref_slice %arg16[%dma_wait3A_966, %dma_wait3A_967] : memref<512x8xf32, #tpu.memory_space<vmem>> -> memref<32x8xf32, #tpu.memory_space<vmem>>
    tpu.wait_dma2 semaphore(%arg20 : memref<!tpu.dma_semaphore, #tpu.memory_space<semaphore_mem>>) src(%dma_wait3A_968 : memref<32x8xf32, #tpu.memory_space<vmem>>) dst(%dma_wait3A_965 : memref<32x8xf32, #tpu.memory_space<hbm>>)
    %dma_wait3A_969 = arith.constant 384 : i32
    %dma_wait3A_970 = arith.constant 0 : i32
    %dma_wait3A_971 = tpu.memref_slice %arg16[%dma_wait3A_969, %dma_wait3A_970] : memref<512x8xf32, #tpu.memory_space<vmem>> -> memref<32x8xf32, #tpu.memory_space<vmem>>
    %dma_wait3A_972 = arith.constant 224 : i32
    %dma_wait3A_973 = tpu.memref_slice %arg8[%mul3A_4, %dma_wait3A_972] : memref<1024x384xf32, #tpu.memory_space<hbm>> -> memref<32x8xf32, #tpu.memory_space<hbm>>
    %dma_wait3A_974 = arith.constant 224 : i32
    %dma_wait3A_975 = tpu.memref_slice %arg8[%mul3A_4, %dma_wait3A_974] : memref<1024x384xf32, #tpu.memory_space<hbm>> -> memref<32x8xf32, #tpu.memory_space<hbm>>
    %dma_wait3A_976 = arith.constant 384 : i32
    %dma_wait3A_977 = arith.constant 0 : i32
    %dma_wait3A_978 = tpu.memref_slice %arg16[%dma_wait3A_976, %dma_wait3A_977] : memref<512x8xf32, #tpu.memory_space<vmem>> -> memref<32x8xf32, #tpu.memory_space<vmem>>
    tpu.wait_dma2 semaphore(%arg20 : memref<!tpu.dma_semaphore, #tpu.memory_space<semaphore_mem>>) src(%dma_wait3A_978 : memref<32x8xf32, #tpu.memory_space<vmem>>) dst(%dma_wait3A_975 : memref<32x8xf32, #tpu.memory_space<hbm>>)
    %dma_wait3A_979 = arith.constant 416 : i32
    %dma_wait3A_980 = arith.constant 0 : i32
    %dma_wait3A_981 = tpu.memref_slice %arg16[%dma_wait3A_979, %dma_wait3A_980] : memref<512x8xf32, #tpu.memory_space<vmem>> -> memref<32x8xf32, #tpu.memory_space<vmem>>
    %dma_wait3A_982 = arith.constant 232 : i32
    %dma_wait3A_983 = tpu.memref_slice %arg8[%mul3A_4, %dma_wait3A_982] : memref<1024x384xf32, #tpu.memory_space<hbm>> -> memref<32x8xf32, #tpu.memory_space<hbm>>
    %dma_wait3A_984 = arith.constant 232 : i32
    %dma_wait3A_985 = tpu.memref_slice %arg8[%mul3A_4, %dma_wait3A_984] : memref<1024x384xf32, #tpu.memory_space<hbm>> -> memref<32x8xf32, #tpu.memory_space<hbm>>
    %dma_wait3A_986 = arith.constant 416 : i32
    %dma_wait3A_987 = arith.constant 0 : i32
    %dma_wait3A_988 = tpu.memref_slice %arg16[%dma_wait3A_986, %dma_wait3A_987] : memref<512x8xf32, #tpu.memory_space<vmem>> -> memref<32x8xf32, #tpu.memory_space<vmem>>
    tpu.wait_dma2 semaphore(%arg20 : memref<!tpu.dma_semaphore, #tpu.memory_space<semaphore_mem>>) src(%dma_wait3A_988 : memref<32x8xf32, #tpu.memory_space<vmem>>) dst(%dma_wait3A_985 : memref<32x8xf32, #tpu.memory_space<hbm>>)
    %dma_wait3A_989 = arith.constant 448 : i32
    %dma_wait3A_990 = arith.constant 0 : i32
    %dma_wait3A_991 = tpu.memref_slice %arg16[%dma_wait3A_989, %dma_wait3A_990] : memref<512x8xf32, #tpu.memory_space<vmem>> -> memref<32x8xf32, #tpu.memory_space<vmem>>
    %dma_wait3A_992 = arith.constant 240 : i32
    %dma_wait3A_993 = tpu.memref_slice %arg8[%mul3A_4, %dma_wait3A_992] : memref<1024x384xf32, #tpu.memory_space<hbm>> -> memref<32x8xf32, #tpu.memory_space<hbm>>
    %dma_wait3A_994 = arith.constant 240 : i32
    %dma_wait3A_995 = tpu.memref_slice %arg8[%mul3A_4, %dma_wait3A_994] : memref<1024x384xf32, #tpu.memory_space<hbm>> -> memref<32x8xf32, #tpu.memory_space<hbm>>
    %dma_wait3A_996 = arith.constant 448 : i32
    %dma_wait3A_997 = arith.constant 0 : i32
    %dma_wait3A_998 = tpu.memref_slice %arg16[%dma_wait3A_996, %dma_wait3A_997] : memref<512x8xf32, #tpu.memory_space<vmem>> -> memref<32x8xf32, #tpu.memory_space<vmem>>
    tpu.wait_dma2 semaphore(%arg20 : memref<!tpu.dma_semaphore, #tpu.memory_space<semaphore_mem>>) src(%dma_wait3A_998 : memref<32x8xf32, #tpu.memory_space<vmem>>) dst(%dma_wait3A_995 : memref<32x8xf32, #tpu.memory_space<hbm>>)
    %dma_wait3A_999 = arith.constant 480 : i32
    %dma_wait3A_1000 = arith.constant 0 : i32
    %dma_wait3A_1001 = tpu.memref_slice %arg16[%dma_wait3A_999, %dma_wait3A_1000] : memref<512x8xf32, #tpu.memory_space<vmem>> -> memref<32x8xf32, #tpu.memory_space<vmem>>
    %dma_wait3A_1002 = arith.constant 248 : i32
    %dma_wait3A_1003 = tpu.memref_slice %arg8[%mul3A_4, %dma_wait3A_1002] : memref<1024x384xf32, #tpu.memory_space<hbm>> -> memref<32x8xf32, #tpu.memory_space<hbm>>
    %dma_wait3A_1004 = arith.constant 248 : i32
    %dma_wait3A_1005 = tpu.memref_slice %arg8[%mul3A_4, %dma_wait3A_1004] : memref<1024x384xf32, #tpu.memory_space<hbm>> -> memref<32x8xf32, #tpu.memory_space<hbm>>
    %dma_wait3A_1006 = arith.constant 480 : i32
    %dma_wait3A_1007 = arith.constant 0 : i32
    %dma_wait3A_1008 = tpu.memref_slice %arg16[%dma_wait3A_1006, %dma_wait3A_1007] : memref<512x8xf32, #tpu.memory_space<vmem>> -> memref<32x8xf32, #tpu.memory_space<vmem>>
    tpu.wait_dma2 semaphore(%arg20 : memref<!tpu.dma_semaphore, #tpu.memory_space<semaphore_mem>>) src(%dma_wait3A_1008 : memref<32x8xf32, #tpu.memory_space<vmem>>) dst(%dma_wait3A_1005 : memref<32x8xf32, #tpu.memory_space<hbm>>)
    %dma_wait3A_1009 = arith.constant 0 : i32
    %dma_wait3A_1010 = arith.constant 0 : i32
    %dma_wait3A_1011 = tpu.memref_slice %arg17[%dma_wait3A_1009, %dma_wait3A_1010] : memref<512x8xf32, #tpu.memory_space<vmem>> -> memref<32x8xf32, #tpu.memory_space<vmem>>
    %dma_wait3A_1012 = arith.constant 256 : i32
    %dma_wait3A_1013 = tpu.memref_slice %arg8[%mul3A_4, %dma_wait3A_1012] : memref<1024x384xf32, #tpu.memory_space<hbm>> -> memref<32x8xf32, #tpu.memory_space<hbm>>
    %dma_wait3A_1014 = arith.constant 256 : i32
    %dma_wait3A_1015 = tpu.memref_slice %arg8[%mul3A_4, %dma_wait3A_1014] : memref<1024x384xf32, #tpu.memory_space<hbm>> -> memref<32x8xf32, #tpu.memory_space<hbm>>
    %dma_wait3A_1016 = arith.constant 0 : i32
    %dma_wait3A_1017 = arith.constant 0 : i32
    %dma_wait3A_1018 = tpu.memref_slice %arg17[%dma_wait3A_1016, %dma_wait3A_1017] : memref<512x8xf32, #tpu.memory_space<vmem>> -> memref<32x8xf32, #tpu.memory_space<vmem>>
    tpu.wait_dma2 semaphore(%arg20 : memref<!tpu.dma_semaphore, #tpu.memory_space<semaphore_mem>>) src(%dma_wait3A_1018 : memref<32x8xf32, #tpu.memory_space<vmem>>) dst(%dma_wait3A_1015 : memref<32x8xf32, #tpu.memory_space<hbm>>)
    %dma_wait3A_1019 = arith.constant 32 : i32
    %dma_wait3A_1020 = arith.constant 0 : i32
    %dma_wait3A_1021 = tpu.memref_slice %arg17[%dma_wait3A_1019, %dma_wait3A_1020] : memref<512x8xf32, #tpu.memory_space<vmem>> -> memref<32x8xf32, #tpu.memory_space<vmem>>
    %dma_wait3A_1022 = arith.constant 264 : i32
    %dma_wait3A_1023 = tpu.memref_slice %arg8[%mul3A_4, %dma_wait3A_1022] : memref<1024x384xf32, #tpu.memory_space<hbm>> -> memref<32x8xf32, #tpu.memory_space<hbm>>
    %dma_wait3A_1024 = arith.constant 264 : i32
    %dma_wait3A_1025 = tpu.memref_slice %arg8[%mul3A_4, %dma_wait3A_1024] : memref<1024x384xf32, #tpu.memory_space<hbm>> -> memref<32x8xf32, #tpu.memory_space<hbm>>
    %dma_wait3A_1026 = arith.constant 32 : i32
    %dma_wait3A_1027 = arith.constant 0 : i32
    %dma_wait3A_1028 = tpu.memref_slice %arg17[%dma_wait3A_1026, %dma_wait3A_1027] : memref<512x8xf32, #tpu.memory_space<vmem>> -> memref<32x8xf32, #tpu.memory_space<vmem>>
    tpu.wait_dma2 semaphore(%arg20 : memref<!tpu.dma_semaphore, #tpu.memory_space<semaphore_mem>>) src(%dma_wait3A_1028 : memref<32x8xf32, #tpu.memory_space<vmem>>) dst(%dma_wait3A_1025 : memref<32x8xf32, #tpu.memory_space<hbm>>)
    %dma_wait3A_1029 = arith.constant 64 : i32
    %dma_wait3A_1030 = arith.constant 0 : i32
    %dma_wait3A_1031 = tpu.memref_slice %arg17[%dma_wait3A_1029, %dma_wait3A_1030] : memref<512x8xf32, #tpu.memory_space<vmem>> -> memref<32x8xf32, #tpu.memory_space<vmem>>
    %dma_wait3A_1032 = arith.constant 272 : i32
    %dma_wait3A_1033 = tpu.memref_slice %arg8[%mul3A_4, %dma_wait3A_1032] : memref<1024x384xf32, #tpu.memory_space<hbm>> -> memref<32x8xf32, #tpu.memory_space<hbm>>
    %dma_wait3A_1034 = arith.constant 272 : i32
    %dma_wait3A_1035 = tpu.memref_slice %arg8[%mul3A_4, %dma_wait3A_1034] : memref<1024x384xf32, #tpu.memory_space<hbm>> -> memref<32x8xf32, #tpu.memory_space<hbm>>
    %dma_wait3A_1036 = arith.constant 64 : i32
    %dma_wait3A_1037 = arith.constant 0 : i32
    %dma_wait3A_1038 = tpu.memref_slice %arg17[%dma_wait3A_1036, %dma_wait3A_1037] : memref<512x8xf32, #tpu.memory_space<vmem>> -> memref<32x8xf32, #tpu.memory_space<vmem>>
    tpu.wait_dma2 semaphore(%arg20 : memref<!tpu.dma_semaphore, #tpu.memory_space<semaphore_mem>>) src(%dma_wait3A_1038 : memref<32x8xf32, #tpu.memory_space<vmem>>) dst(%dma_wait3A_1035 : memref<32x8xf32, #tpu.memory_space<hbm>>)
    %dma_wait3A_1039 = arith.constant 96 : i32
    %dma_wait3A_1040 = arith.constant 0 : i32
    %dma_wait3A_1041 = tpu.memref_slice %arg17[%dma_wait3A_1039, %dma_wait3A_1040] : memref<512x8xf32, #tpu.memory_space<vmem>> -> memref<32x8xf32, #tpu.memory_space<vmem>>
    %dma_wait3A_1042 = arith.constant 280 : i32
    %dma_wait3A_1043 = tpu.memref_slice %arg8[%mul3A_4, %dma_wait3A_1042] : memref<1024x384xf32, #tpu.memory_space<hbm>> -> memref<32x8xf32, #tpu.memory_space<hbm>>
    %dma_wait3A_1044 = arith.constant 280 : i32
    %dma_wait3A_1045 = tpu.memref_slice %arg8[%mul3A_4, %dma_wait3A_1044] : memref<1024x384xf32, #tpu.memory_space<hbm>> -> memref<32x8xf32, #tpu.memory_space<hbm>>
    %dma_wait3A_1046 = arith.constant 96 : i32
    %dma_wait3A_1047 = arith.constant 0 : i32
    %dma_wait3A_1048 = tpu.memref_slice %arg17[%dma_wait3A_1046, %dma_wait3A_1047] : memref<512x8xf32, #tpu.memory_space<vmem>> -> memref<32x8xf32, #tpu.memory_space<vmem>>
    tpu.wait_dma2 semaphore(%arg20 : memref<!tpu.dma_semaphore, #tpu.memory_space<semaphore_mem>>) src(%dma_wait3A_1048 : memref<32x8xf32, #tpu.memory_space<vmem>>) dst(%dma_wait3A_1045 : memref<32x8xf32, #tpu.memory_space<hbm>>)
    %dma_wait3A_1049 = arith.constant 128 : i32
    %dma_wait3A_1050 = arith.constant 0 : i32
    %dma_wait3A_1051 = tpu.memref_slice %arg17[%dma_wait3A_1049, %dma_wait3A_1050] : memref<512x8xf32, #tpu.memory_space<vmem>> -> memref<32x8xf32, #tpu.memory_space<vmem>>
    %dma_wait3A_1052 = arith.constant 288 : i32
    %dma_wait3A_1053 = tpu.memref_slice %arg8[%mul3A_4, %dma_wait3A_1052] : memref<1024x384xf32, #tpu.memory_space<hbm>> -> memref<32x8xf32, #tpu.memory_space<hbm>>
    %dma_wait3A_1054 = arith.constant 288 : i32
    %dma_wait3A_1055 = tpu.memref_slice %arg8[%mul3A_4, %dma_wait3A_1054] : memref<1024x384xf32, #tpu.memory_space<hbm>> -> memref<32x8xf32, #tpu.memory_space<hbm>>
    %dma_wait3A_1056 = arith.constant 128 : i32
    %dma_wait3A_1057 = arith.constant 0 : i32
    %dma_wait3A_1058 = tpu.memref_slice %arg17[%dma_wait3A_1056, %dma_wait3A_1057] : memref<512x8xf32, #tpu.memory_space<vmem>> -> memref<32x8xf32, #tpu.memory_space<vmem>>
    tpu.wait_dma2 semaphore(%arg20 : memref<!tpu.dma_semaphore, #tpu.memory_space<semaphore_mem>>) src(%dma_wait3A_1058 : memref<32x8xf32, #tpu.memory_space<vmem>>) dst(%dma_wait3A_1055 : memref<32x8xf32, #tpu.memory_space<hbm>>)
    %dma_wait3A_1059 = arith.constant 160 : i32
    %dma_wait3A_1060 = arith.constant 0 : i32
    %dma_wait3A_1061 = tpu.memref_slice %arg17[%dma_wait3A_1059, %dma_wait3A_1060] : memref<512x8xf32, #tpu.memory_space<vmem>> -> memref<32x8xf32, #tpu.memory_space<vmem>>
    %dma_wait3A_1062 = arith.constant 296 : i32
    %dma_wait3A_1063 = tpu.memref_slice %arg8[%mul3A_4, %dma_wait3A_1062] : memref<1024x384xf32, #tpu.memory_space<hbm>> -> memref<32x8xf32, #tpu.memory_space<hbm>>
    %dma_wait3A_1064 = arith.constant 296 : i32
    %dma_wait3A_1065 = tpu.memref_slice %arg8[%mul3A_4, %dma_wait3A_1064] : memref<1024x384xf32, #tpu.memory_space<hbm>> -> memref<32x8xf32, #tpu.memory_space<hbm>>
    %dma_wait3A_1066 = arith.constant 160 : i32
    %dma_wait3A_1067 = arith.constant 0 : i32
    %dma_wait3A_1068 = tpu.memref_slice %arg17[%dma_wait3A_1066, %dma_wait3A_1067] : memref<512x8xf32, #tpu.memory_space<vmem>> -> memref<32x8xf32, #tpu.memory_space<vmem>>
    tpu.wait_dma2 semaphore(%arg20 : memref<!tpu.dma_semaphore, #tpu.memory_space<semaphore_mem>>) src(%dma_wait3A_1068 : memref<32x8xf32, #tpu.memory_space<vmem>>) dst(%dma_wait3A_1065 : memref<32x8xf32, #tpu.memory_space<hbm>>)
    %dma_wait3A_1069 = arith.constant 192 : i32
    %dma_wait3A_1070 = arith.constant 0 : i32
    %dma_wait3A_1071 = tpu.memref_slice %arg17[%dma_wait3A_1069, %dma_wait3A_1070] : memref<512x8xf32, #tpu.memory_space<vmem>> -> memref<32x8xf32, #tpu.memory_space<vmem>>
    %dma_wait3A_1072 = arith.constant 304 : i32
    %dma_wait3A_1073 = tpu.memref_slice %arg8[%mul3A_4, %dma_wait3A_1072] : memref<1024x384xf32, #tpu.memory_space<hbm>> -> memref<32x8xf32, #tpu.memory_space<hbm>>
    %dma_wait3A_1074 = arith.constant 304 : i32
    %dma_wait3A_1075 = tpu.memref_slice %arg8[%mul3A_4, %dma_wait3A_1074] : memref<1024x384xf32, #tpu.memory_space<hbm>> -> memref<32x8xf32, #tpu.memory_space<hbm>>
    %dma_wait3A_1076 = arith.constant 192 : i32
    %dma_wait3A_1077 = arith.constant 0 : i32
    %dma_wait3A_1078 = tpu.memref_slice %arg17[%dma_wait3A_1076, %dma_wait3A_1077] : memref<512x8xf32, #tpu.memory_space<vmem>> -> memref<32x8xf32, #tpu.memory_space<vmem>>
    tpu.wait_dma2 semaphore(%arg20 : memref<!tpu.dma_semaphore, #tpu.memory_space<semaphore_mem>>) src(%dma_wait3A_1078 : memref<32x8xf32, #tpu.memory_space<vmem>>) dst(%dma_wait3A_1075 : memref<32x8xf32, #tpu.memory_space<hbm>>)
    %dma_wait3A_1079 = arith.constant 224 : i32
    %dma_wait3A_1080 = arith.constant 0 : i32
    %dma_wait3A_1081 = tpu.memref_slice %arg17[%dma_wait3A_1079, %dma_wait3A_1080] : memref<512x8xf32, #tpu.memory_space<vmem>> -> memref<32x8xf32, #tpu.memory_space<vmem>>
    %dma_wait3A_1082 = arith.constant 312 : i32
    %dma_wait3A_1083 = tpu.memref_slice %arg8[%mul3A_4, %dma_wait3A_1082] : memref<1024x384xf32, #tpu.memory_space<hbm>> -> memref<32x8xf32, #tpu.memory_space<hbm>>
    %dma_wait3A_1084 = arith.constant 312 : i32
    %dma_wait3A_1085 = tpu.memref_slice %arg8[%mul3A_4, %dma_wait3A_1084] : memref<1024x384xf32, #tpu.memory_space<hbm>> -> memref<32x8xf32, #tpu.memory_space<hbm>>
    %dma_wait3A_1086 = arith.constant 224 : i32
    %dma_wait3A_1087 = arith.constant 0 : i32
    %dma_wait3A_1088 = tpu.memref_slice %arg17[%dma_wait3A_1086, %dma_wait3A_1087] : memref<512x8xf32, #tpu.memory_space<vmem>> -> memref<32x8xf32, #tpu.memory_space<vmem>>
    tpu.wait_dma2 semaphore(%arg20 : memref<!tpu.dma_semaphore, #tpu.memory_space<semaphore_mem>>) src(%dma_wait3A_1088 : memref<32x8xf32, #tpu.memory_space<vmem>>) dst(%dma_wait3A_1085 : memref<32x8xf32, #tpu.memory_space<hbm>>)
    %dma_wait3A_1089 = arith.constant 256 : i32
    %dma_wait3A_1090 = arith.constant 0 : i32
    %dma_wait3A_1091 = tpu.memref_slice %arg17[%dma_wait3A_1089, %dma_wait3A_1090] : memref<512x8xf32, #tpu.memory_space<vmem>> -> memref<32x8xf32, #tpu.memory_space<vmem>>
    %dma_wait3A_1092 = arith.constant 320 : i32
    %dma_wait3A_1093 = tpu.memref_slice %arg8[%mul3A_4, %dma_wait3A_1092] : memref<1024x384xf32, #tpu.memory_space<hbm>> -> memref<32x8xf32, #tpu.memory_space<hbm>>
    %dma_wait3A_1094 = arith.constant 320 : i32
    %dma_wait3A_1095 = tpu.memref_slice %arg8[%mul3A_4, %dma_wait3A_1094] : memref<1024x384xf32, #tpu.memory_space<hbm>> -> memref<32x8xf32, #tpu.memory_space<hbm>>
    %dma_wait3A_1096 = arith.constant 256 : i32
    %dma_wait3A_1097 = arith.constant 0 : i32
    %dma_wait3A_1098 = tpu.memref_slice %arg17[%dma_wait3A_1096, %dma_wait3A_1097] : memref<512x8xf32, #tpu.memory_space<vmem>> -> memref<32x8xf32, #tpu.memory_space<vmem>>
    tpu.wait_dma2 semaphore(%arg20 : memref<!tpu.dma_semaphore, #tpu.memory_space<semaphore_mem>>) src(%dma_wait3A_1098 : memref<32x8xf32, #tpu.memory_space<vmem>>) dst(%dma_wait3A_1095 : memref<32x8xf32, #tpu.memory_space<hbm>>)
    %dma_wait3A_1099 = arith.constant 288 : i32
    %dma_wait3A_1100 = arith.constant 0 : i32
    %dma_wait3A_1101 = tpu.memref_slice %arg17[%dma_wait3A_1099, %dma_wait3A_1100] : memref<512x8xf32, #tpu.memory_space<vmem>> -> memref<32x8xf32, #tpu.memory_space<vmem>>
    %dma_wait3A_1102 = arith.constant 328 : i32
    %dma_wait3A_1103 = tpu.memref_slice %arg8[%mul3A_4, %dma_wait3A_1102] : memref<1024x384xf32, #tpu.memory_space<hbm>> -> memref<32x8xf32, #tpu.memory_space<hbm>>
    %dma_wait3A_1104 = arith.constant 328 : i32
    %dma_wait3A_1105 = tpu.memref_slice %arg8[%mul3A_4, %dma_wait3A_1104] : memref<1024x384xf32, #tpu.memory_space<hbm>> -> memref<32x8xf32, #tpu.memory_space<hbm>>
    %dma_wait3A_1106 = arith.constant 288 : i32
    %dma_wait3A_1107 = arith.constant 0 : i32
    %dma_wait3A_1108 = tpu.memref_slice %arg17[%dma_wait3A_1106, %dma_wait3A_1107] : memref<512x8xf32, #tpu.memory_space<vmem>> -> memref<32x8xf32, #tpu.memory_space<vmem>>
    tpu.wait_dma2 semaphore(%arg20 : memref<!tpu.dma_semaphore, #tpu.memory_space<semaphore_mem>>) src(%dma_wait3A_1108 : memref<32x8xf32, #tpu.memory_space<vmem>>) dst(%dma_wait3A_1105 : memref<32x8xf32, #tpu.memory_space<hbm>>)
    %dma_wait3A_1109 = arith.constant 320 : i32
    %dma_wait3A_1110 = arith.constant 0 : i32
    %dma_wait3A_1111 = tpu.memref_slice %arg17[%dma_wait3A_1109, %dma_wait3A_1110] : memref<512x8xf32, #tpu.memory_space<vmem>> -> memref<32x8xf32, #tpu.memory_space<vmem>>
    %dma_wait3A_1112 = arith.constant 336 : i32
    %dma_wait3A_1113 = tpu.memref_slice %arg8[%mul3A_4, %dma_wait3A_1112] : memref<1024x384xf32, #tpu.memory_space<hbm>> -> memref<32x8xf32, #tpu.memory_space<hbm>>
    %dma_wait3A_1114 = arith.constant 336 : i32
    %dma_wait3A_1115 = tpu.memref_slice %arg8[%mul3A_4, %dma_wait3A_1114] : memref<1024x384xf32, #tpu.memory_space<hbm>> -> memref<32x8xf32, #tpu.memory_space<hbm>>
    %dma_wait3A_1116 = arith.constant 320 : i32
    %dma_wait3A_1117 = arith.constant 0 : i32
    %dma_wait3A_1118 = tpu.memref_slice %arg17[%dma_wait3A_1116, %dma_wait3A_1117] : memref<512x8xf32, #tpu.memory_space<vmem>> -> memref<32x8xf32, #tpu.memory_space<vmem>>
    tpu.wait_dma2 semaphore(%arg20 : memref<!tpu.dma_semaphore, #tpu.memory_space<semaphore_mem>>) src(%dma_wait3A_1118 : memref<32x8xf32, #tpu.memory_space<vmem>>) dst(%dma_wait3A_1115 : memref<32x8xf32, #tpu.memory_space<hbm>>)
    %dma_wait3A_1119 = arith.constant 352 : i32
    %dma_wait3A_1120 = arith.constant 0 : i32
    %dma_wait3A_1121 = tpu.memref_slice %arg17[%dma_wait3A_1119, %dma_wait3A_1120] : memref<512x8xf32, #tpu.memory_space<vmem>> -> memref<32x8xf32, #tpu.memory_space<vmem>>
    %dma_wait3A_1122 = arith.constant 344 : i32
    %dma_wait3A_1123 = tpu.memref_slice %arg8[%mul3A_4, %dma_wait3A_1122] : memref<1024x384xf32, #tpu.memory_space<hbm>> -> memref<32x8xf32, #tpu.memory_space<hbm>>
    %dma_wait3A_1124 = arith.constant 344 : i32
    %dma_wait3A_1125 = tpu.memref_slice %arg8[%mul3A_4, %dma_wait3A_1124] : memref<1024x384xf32, #tpu.memory_space<hbm>> -> memref<32x8xf32, #tpu.memory_space<hbm>>
    %dma_wait3A_1126 = arith.constant 352 : i32
    %dma_wait3A_1127 = arith.constant 0 : i32
    %dma_wait3A_1128 = tpu.memref_slice %arg17[%dma_wait3A_1126, %dma_wait3A_1127] : memref<512x8xf32, #tpu.memory_space<vmem>> -> memref<32x8xf32, #tpu.memory_space<vmem>>
    tpu.wait_dma2 semaphore(%arg20 : memref<!tpu.dma_semaphore, #tpu.memory_space<semaphore_mem>>) src(%dma_wait3A_1128 : memref<32x8xf32, #tpu.memory_space<vmem>>) dst(%dma_wait3A_1125 : memref<32x8xf32, #tpu.memory_space<hbm>>)
    %dma_wait3A_1129 = arith.constant 384 : i32
    %dma_wait3A_1130 = arith.constant 0 : i32
    %dma_wait3A_1131 = tpu.memref_slice %arg17[%dma_wait3A_1129, %dma_wait3A_1130] : memref<512x8xf32, #tpu.memory_space<vmem>> -> memref<32x8xf32, #tpu.memory_space<vmem>>
    %dma_wait3A_1132 = arith.constant 352 : i32
    %dma_wait3A_1133 = tpu.memref_slice %arg8[%mul3A_4, %dma_wait3A_1132] : memref<1024x384xf32, #tpu.memory_space<hbm>> -> memref<32x8xf32, #tpu.memory_space<hbm>>
    %dma_wait3A_1134 = arith.constant 352 : i32
    %dma_wait3A_1135 = tpu.memref_slice %arg8[%mul3A_4, %dma_wait3A_1134] : memref<1024x384xf32, #tpu.memory_space<hbm>> -> memref<32x8xf32, #tpu.memory_space<hbm>>
    %dma_wait3A_1136 = arith.constant 384 : i32
    %dma_wait3A_1137 = arith.constant 0 : i32
    %dma_wait3A_1138 = tpu.memref_slice %arg17[%dma_wait3A_1136, %dma_wait3A_1137] : memref<512x8xf32, #tpu.memory_space<vmem>> -> memref<32x8xf32, #tpu.memory_space<vmem>>
    tpu.wait_dma2 semaphore(%arg20 : memref<!tpu.dma_semaphore, #tpu.memory_space<semaphore_mem>>) src(%dma_wait3A_1138 : memref<32x8xf32, #tpu.memory_space<vmem>>) dst(%dma_wait3A_1135 : memref<32x8xf32, #tpu.memory_space<hbm>>)
    %dma_wait3A_1139 = arith.constant 416 : i32
    %dma_wait3A_1140 = arith.constant 0 : i32
    %dma_wait3A_1141 = tpu.memref_slice %arg17[%dma_wait3A_1139, %dma_wait3A_1140] : memref<512x8xf32, #tpu.memory_space<vmem>> -> memref<32x8xf32, #tpu.memory_space<vmem>>
    %dma_wait3A_1142 = arith.constant 360 : i32
    %dma_wait3A_1143 = tpu.memref_slice %arg8[%mul3A_4, %dma_wait3A_1142] : memref<1024x384xf32, #tpu.memory_space<hbm>> -> memref<32x8xf32, #tpu.memory_space<hbm>>
    %dma_wait3A_1144 = arith.constant 360 : i32
    %dma_wait3A_1145 = tpu.memref_slice %arg8[%mul3A_4, %dma_wait3A_1144] : memref<1024x384xf32, #tpu.memory_space<hbm>> -> memref<32x8xf32, #tpu.memory_space<hbm>>
    %dma_wait3A_1146 = arith.constant 416 : i32
    %dma_wait3A_1147 = arith.constant 0 : i32
    %dma_wait3A_1148 = tpu.memref_slice %arg17[%dma_wait3A_1146, %dma_wait3A_1147] : memref<512x8xf32, #tpu.memory_space<vmem>> -> memref<32x8xf32, #tpu.memory_space<vmem>>
    tpu.wait_dma2 semaphore(%arg20 : memref<!tpu.dma_semaphore, #tpu.memory_space<semaphore_mem>>) src(%dma_wait3A_1148 : memref<32x8xf32, #tpu.memory_space<vmem>>) dst(%dma_wait3A_1145 : memref<32x8xf32, #tpu.memory_space<hbm>>)
    %dma_wait3A_1149 = arith.constant 448 : i32
    %dma_wait3A_1150 = arith.constant 0 : i32
    %dma_wait3A_1151 = tpu.memref_slice %arg17[%dma_wait3A_1149, %dma_wait3A_1150] : memref<512x8xf32, #tpu.memory_space<vmem>> -> memref<32x8xf32, #tpu.memory_space<vmem>>
    %dma_wait3A_1152 = arith.constant 368 : i32
    %dma_wait3A_1153 = tpu.memref_slice %arg8[%mul3A_4, %dma_wait3A_1152] : memref<1024x384xf32, #tpu.memory_space<hbm>> -> memref<32x8xf32, #tpu.memory_space<hbm>>
    %dma_wait3A_1154 = arith.constant 368 : i32
    %dma_wait3A_1155 = tpu.memref_slice %arg8[%mul3A_4, %dma_wait3A_1154] : memref<1024x384xf32, #tpu.memory_space<hbm>> -> memref<32x8xf32, #tpu.memory_space<hbm>>
    %dma_wait3A_1156 = arith.constant 448 : i32
    %dma_wait3A_1157 = arith.constant 0 : i32
    %dma_wait3A_1158 = tpu.memref_slice %arg17[%dma_wait3A_1156, %dma_wait3A_1157] : memref<512x8xf32, #tpu.memory_space<vmem>> -> memref<32x8xf32, #tpu.memory_space<vmem>>
    tpu.wait_dma2 semaphore(%arg20 : memref<!tpu.dma_semaphore, #tpu.memory_space<semaphore_mem>>) src(%dma_wait3A_1158 : memref<32x8xf32, #tpu.memory_space<vmem>>) dst(%dma_wait3A_1155 : memref<32x8xf32, #tpu.memory_space<hbm>>)
    %dma_wait3A_1159 = arith.constant 480 : i32
    %dma_wait3A_1160 = arith.constant 0 : i32
    %dma_wait3A_1161 = tpu.memref_slice %arg17[%dma_wait3A_1159, %dma_wait3A_1160] : memref<512x8xf32, #tpu.memory_space<vmem>> -> memref<32x8xf32, #tpu.memory_space<vmem>>
    %dma_wait3A_1162 = arith.constant 376 : i32
    %dma_wait3A_1163 = tpu.memref_slice %arg8[%mul3A_4, %dma_wait3A_1162] : memref<1024x384xf32, #tpu.memory_space<hbm>> -> memref<32x8xf32, #tpu.memory_space<hbm>>
    %dma_wait3A_1164 = arith.constant 376 : i32
    %dma_wait3A_1165 = tpu.memref_slice %arg8[%mul3A_4, %dma_wait3A_1164] : memref<1024x384xf32, #tpu.memory_space<hbm>> -> memref<32x8xf32, #tpu.memory_space<hbm>>
    %dma_wait3A_1166 = arith.constant 480 : i32
    %dma_wait3A_1167 = arith.constant 0 : i32
    %dma_wait3A_1168 = tpu.memref_slice %arg17[%dma_wait3A_1166, %dma_wait3A_1167] : memref<512x8xf32, #tpu.memory_space<vmem>> -> memref<32x8xf32, #tpu.memory_space<vmem>>
    tpu.wait_dma2 semaphore(%arg20 : memref<!tpu.dma_semaphore, #tpu.memory_space<semaphore_mem>>) src(%dma_wait3A_1168 : memref<32x8xf32, #tpu.memory_space<vmem>>) dst(%dma_wait3A_1165 : memref<32x8xf32, #tpu.memory_space<hbm>>)
    return
  }
}

module attributes {stable_mosaic.version = 14 : i64} {
  func.func @_tc_mlp_body(%arg0: memref<1024x384xf32, #tpu.memory_space<vmem>>, %arg1: memref<1024x48xf32, #tpu.memory_space<vmem>>, %arg2: memref<27x64xf32, #tpu.memory_space<vmem>>, %arg3: memref<27x64xf32, #tpu.memory_space<vmem>>, %arg4: memref<64x1xf32, #tpu.memory_space<vmem>>, %arg5: memref<64x1xf32, #tpu.memory_space<vmem>>, %arg6: memref<1024x128xf32, #tpu.memory_space<vmem>>) attributes {dimension_semantics = [], scalar_prefetch = 0 : i64, scratch_operands = 0 : i64, tpu.core_type = #tpu.core_type<tc>} {
    %get3A = arith.constant 0 : index
    %get3A_0 = arith.constant 0 : index
    %get3A_1 = vector.load %arg2[%get3A, %get3A_0] : memref<27x64xf32, #tpu.memory_space<vmem>>, vector<27x64xf32>
    %get3A_2 = arith.constant 0 : index
    %get3A_3 = arith.constant 0 : index
    %get3A_4 = vector.load %arg3[%get3A_2, %get3A_3] : memref<27x64xf32, #tpu.memory_space<vmem>>, vector<27x64xf32>
    %concatenate3A = tpu.concatenate %get3A_1, %get3A_4 in 1 : vector<27x64xf32>, vector<27x64xf32> -> vector<27x128xf32>
    %iota3A = tpu.iota {dimensions = array<i32: 0>} : vector<128x2048xi32>
    %iota3A_5 = tpu.iota {dimensions = array<i32: 1>} : vector<128x2048xi32>
    %jit3A = arith.constant 8 : i32
    %div3A = vector.broadcast %jit3A : i32 to vector<128x2048xi32>
    %div3A_6 = arith.divsi %iota3A, %div3A : vector<128x2048xi32>
    %sign3A = arith.constant 0 : i32
    %sign3A_7 = vector.broadcast %sign3A : i32 to vector<128x2048xi32>
    %sign3A_8 = arith.cmpi sgt, %iota3A, %sign3A_7 : vector<128x2048xi32>
    %sign3A_9 = arith.extui %sign3A_8 : vector<128x2048xi1> to vector<128x2048xi32>
    %sign3A_10 = arith.constant 0 : i32
    %sign3A_11 = vector.broadcast %sign3A_10 : i32 to vector<128x2048xi32>
    %sign3A_12 = arith.cmpi slt, %iota3A, %sign3A_11 : vector<128x2048xi32>
    %sign3A_13 = arith.extui %sign3A_12 : vector<128x2048xi1> to vector<128x2048xi32>
    %sign3A_14 = arith.subi %sign3A_9, %sign3A_13 : vector<128x2048xi32>
    %sign3A_15 = arith.constant 0 : i32
    %sign3A_16 = arith.cmpi sgt, %jit3A, %sign3A_15 : i32
    %sign3A_17 = arith.extui %sign3A_16 : i1 to i32
    %sign3A_18 = arith.constant 0 : i32
    %sign3A_19 = arith.cmpi slt, %jit3A, %sign3A_18 : i32
    %sign3A_20 = arith.extui %sign3A_19 : i1 to i32
    %sign3A_21 = arith.subi %sign3A_17, %sign3A_20 : i32
    %ne3A = vector.broadcast %sign3A_21 : i32 to vector<128x2048xi32>
    %ne3A_22 = arith.cmpi ne, %sign3A_14, %ne3A : vector<128x2048xi32>
    %rem3A = vector.broadcast %jit3A : i32 to vector<128x2048xi32>
    %rem3A_23 = arith.remsi %iota3A, %rem3A : vector<128x2048xi32>
    %ne3A_24 = arith.constant 0 : i32
    %ne3A_25 = vector.broadcast %ne3A_24 : i32 to vector<128x2048xi32>
    %ne3A_26 = arith.cmpi ne, %rem3A_23, %ne3A_25 : vector<128x2048xi32>
    %and3A = arith.andi %ne3A_22, %ne3A_26 : vector<128x2048xi1>
    %sub3A = arith.constant 1 : i32
    %sub3A_27 = vector.broadcast %sub3A : i32 to vector<128x2048xi32>
    %sub3A_28 = arith.subi %div3A_6, %sub3A_27 : vector<128x2048xi32>
    %select_n3A = arith.select %and3A, %sub3A_28, %div3A_6 : vector<128x2048xi1>, vector<128x2048xi32>
    %jit3A_29 = arith.constant 128 : i32
    %div3A_30 = vector.broadcast %jit3A_29 : i32 to vector<128x2048xi32>
    %div3A_31 = arith.divsi %iota3A_5, %div3A_30 : vector<128x2048xi32>
    %sign3A_32 = arith.constant 0 : i32
    %sign3A_33 = vector.broadcast %sign3A_32 : i32 to vector<128x2048xi32>
    %sign3A_34 = arith.cmpi sgt, %iota3A_5, %sign3A_33 : vector<128x2048xi32>
    %sign3A_35 = arith.extui %sign3A_34 : vector<128x2048xi1> to vector<128x2048xi32>
    %sign3A_36 = arith.constant 0 : i32
    %sign3A_37 = vector.broadcast %sign3A_36 : i32 to vector<128x2048xi32>
    %sign3A_38 = arith.cmpi slt, %iota3A_5, %sign3A_37 : vector<128x2048xi32>
    %sign3A_39 = arith.extui %sign3A_38 : vector<128x2048xi1> to vector<128x2048xi32>
    %sign3A_40 = arith.subi %sign3A_35, %sign3A_39 : vector<128x2048xi32>
    %sign3A_41 = arith.constant 0 : i32
    %sign3A_42 = arith.cmpi sgt, %jit3A_29, %sign3A_41 : i32
    %sign3A_43 = arith.extui %sign3A_42 : i1 to i32
    %sign3A_44 = arith.constant 0 : i32
    %sign3A_45 = arith.cmpi slt, %jit3A_29, %sign3A_44 : i32
    %sign3A_46 = arith.extui %sign3A_45 : i1 to i32
    %sign3A_47 = arith.subi %sign3A_43, %sign3A_46 : i32
    %ne3A_48 = vector.broadcast %sign3A_47 : i32 to vector<128x2048xi32>
    %ne3A_49 = arith.cmpi ne, %sign3A_40, %ne3A_48 : vector<128x2048xi32>
    %rem3A_50 = vector.broadcast %jit3A_29 : i32 to vector<128x2048xi32>
    %rem3A_51 = arith.remsi %iota3A_5, %rem3A_50 : vector<128x2048xi32>
    %ne3A_52 = arith.constant 0 : i32
    %ne3A_53 = vector.broadcast %ne3A_52 : i32 to vector<128x2048xi32>
    %ne3A_54 = arith.cmpi ne, %rem3A_51, %ne3A_53 : vector<128x2048xi32>
    %and3A_55 = arith.andi %ne3A_49, %ne3A_54 : vector<128x2048xi1>
    %sub3A_56 = arith.constant 1 : i32
    %sub3A_57 = vector.broadcast %sub3A_56 : i32 to vector<128x2048xi32>
    %sub3A_58 = arith.subi %div3A_31, %sub3A_57 : vector<128x2048xi32>
    %select_n3A_59 = arith.select %and3A_55, %sub3A_58, %div3A_31 : vector<128x2048xi1>, vector<128x2048xi32>
    %eq3A = arith.cmpi eq, %select_n3A, %select_n3A_59 : vector<128x2048xi32>
    %slice3A = vector.extract_strided_slice %concatenate3A {offsets = [0, 0], sizes = [8, 128], strides = [1, 1]} : vector<27x128xf32> to vector<8x128xf32>
    %concatenate3A_60 = tpu.concatenate %slice3A, %slice3A, %slice3A, %slice3A, %slice3A, %slice3A, %slice3A, %slice3A, %slice3A, %slice3A, %slice3A, %slice3A, %slice3A, %slice3A, %slice3A, %slice3A in 0 : vector<8x128xf32>, vector<8x128xf32>, vector<8x128xf32>, vector<8x128xf32>, vector<8x128xf32>, vector<8x128xf32>, vector<8x128xf32>, vector<8x128xf32>, vector<8x128xf32>, vector<8x128xf32>, vector<8x128xf32>, vector<8x128xf32>, vector<8x128xf32>, vector<8x128xf32>, vector<8x128xf32>, vector<8x128xf32> -> vector<128x128xf32>
    %concatenate3A_61 = tpu.concatenate %concatenate3A_60, %concatenate3A_60, %concatenate3A_60, %concatenate3A_60, %concatenate3A_60, %concatenate3A_60, %concatenate3A_60, %concatenate3A_60, %concatenate3A_60, %concatenate3A_60, %concatenate3A_60, %concatenate3A_60, %concatenate3A_60, %concatenate3A_60, %concatenate3A_60, %concatenate3A_60 in 1 : vector<128x128xf32>, vector<128x128xf32>, vector<128x128xf32>, vector<128x128xf32>, vector<128x128xf32>, vector<128x128xf32>, vector<128x128xf32>, vector<128x128xf32>, vector<128x128xf32>, vector<128x128xf32>, vector<128x128xf32>, vector<128x128xf32>, vector<128x128xf32>, vector<128x128xf32>, vector<128x128xf32>, vector<128x128xf32> -> vector<128x2048xf32>
    %jit3A_62 = arith.constant 0.000000e+00 : f32
    %broadcast_in_dim3A = vector.broadcast %jit3A_62 : f32 to vector<128x2048xf32>
    %select_n3A_63 = arith.select %eq3A, %concatenate3A_61, %broadcast_in_dim3A : vector<128x2048xi1>, vector<128x2048xf32>
    %get3A_64 = arith.constant 0 : index
    %get3A_65 = arith.constant 0 : index
    %get3A_66 = vector.load %arg0[%get3A_64, %get3A_65] : memref<1024x384xf32, #tpu.memory_space<vmem>>, vector<1024x128xf32>
    %dot_general3A = arith.constant dense<0.000000e+00> : vector<1024x2048xf32>
    %dot_general3A_67 = tpu.matmul %get3A_66, %select_n3A_63, %dot_general3A {dimension_numbers = #tpu.dot_dimension_numbers<[1], [0], [0], [1], [0, 0, 1, 1], [], []>, transpose_lhs_hint = false} : vector<1024x128xf32>, vector<128x2048xf32>, vector<1024x2048xf32> -> vector<1024x2048xf32>
    %slice3A_68 = vector.extract_strided_slice %concatenate3A {offsets = [8, 0], sizes = [8, 128], strides = [1, 1]} : vector<27x128xf32> to vector<8x128xf32>
    %concatenate3A_69 = tpu.concatenate %slice3A_68, %slice3A_68, %slice3A_68, %slice3A_68, %slice3A_68, %slice3A_68, %slice3A_68, %slice3A_68, %slice3A_68, %slice3A_68, %slice3A_68, %slice3A_68, %slice3A_68, %slice3A_68, %slice3A_68, %slice3A_68 in 0 : vector<8x128xf32>, vector<8x128xf32>, vector<8x128xf32>, vector<8x128xf32>, vector<8x128xf32>, vector<8x128xf32>, vector<8x128xf32>, vector<8x128xf32>, vector<8x128xf32>, vector<8x128xf32>, vector<8x128xf32>, vector<8x128xf32>, vector<8x128xf32>, vector<8x128xf32>, vector<8x128xf32>, vector<8x128xf32> -> vector<128x128xf32>
    %concatenate3A_70 = tpu.concatenate %concatenate3A_69, %concatenate3A_69, %concatenate3A_69, %concatenate3A_69, %concatenate3A_69, %concatenate3A_69, %concatenate3A_69, %concatenate3A_69, %concatenate3A_69, %concatenate3A_69, %concatenate3A_69, %concatenate3A_69, %concatenate3A_69, %concatenate3A_69, %concatenate3A_69, %concatenate3A_69 in 1 : vector<128x128xf32>, vector<128x128xf32>, vector<128x128xf32>, vector<128x128xf32>, vector<128x128xf32>, vector<128x128xf32>, vector<128x128xf32>, vector<128x128xf32>, vector<128x128xf32>, vector<128x128xf32>, vector<128x128xf32>, vector<128x128xf32>, vector<128x128xf32>, vector<128x128xf32>, vector<128x128xf32>, vector<128x128xf32> -> vector<128x2048xf32>
    %jit3A_71 = arith.constant 0.000000e+00 : f32
    %broadcast_in_dim3A_72 = vector.broadcast %jit3A_71 : f32 to vector<128x2048xf32>
    %select_n3A_73 = arith.select %eq3A, %concatenate3A_70, %broadcast_in_dim3A_72 : vector<128x2048xi1>, vector<128x2048xf32>
    %get3A_74 = arith.constant 0 : index
    %get3A_75 = arith.constant 128 : index
    %get3A_76 = vector.load %arg0[%get3A_74, %get3A_75] : memref<1024x384xf32, #tpu.memory_space<vmem>>, vector<1024x128xf32>
    %dot_general3A_77 = arith.constant dense<0.000000e+00> : vector<1024x2048xf32>
    %dot_general3A_78 = tpu.matmul %get3A_76, %select_n3A_73, %dot_general3A_77 {dimension_numbers = #tpu.dot_dimension_numbers<[1], [0], [0], [1], [0, 0, 1, 1], [], []>, transpose_lhs_hint = false} : vector<1024x128xf32>, vector<128x2048xf32>, vector<1024x2048xf32> -> vector<1024x2048xf32>
    %add3A = arith.addf %dot_general3A_67, %dot_general3A_78 : vector<1024x2048xf32>
    %slice3A_79 = vector.extract_strided_slice %concatenate3A {offsets = [16, 0], sizes = [8, 128], strides = [1, 1]} : vector<27x128xf32> to vector<8x128xf32>
    %concatenate3A_80 = tpu.concatenate %slice3A_79, %slice3A_79, %slice3A_79, %slice3A_79, %slice3A_79, %slice3A_79, %slice3A_79, %slice3A_79, %slice3A_79, %slice3A_79, %slice3A_79, %slice3A_79, %slice3A_79, %slice3A_79, %slice3A_79, %slice3A_79 in 0 : vector<8x128xf32>, vector<8x128xf32>, vector<8x128xf32>, vector<8x128xf32>, vector<8x128xf32>, vector<8x128xf32>, vector<8x128xf32>, vector<8x128xf32>, vector<8x128xf32>, vector<8x128xf32>, vector<8x128xf32>, vector<8x128xf32>, vector<8x128xf32>, vector<8x128xf32>, vector<8x128xf32>, vector<8x128xf32> -> vector<128x128xf32>
    %concatenate3A_81 = tpu.concatenate %concatenate3A_80, %concatenate3A_80, %concatenate3A_80, %concatenate3A_80, %concatenate3A_80, %concatenate3A_80, %concatenate3A_80, %concatenate3A_80, %concatenate3A_80, %concatenate3A_80, %concatenate3A_80, %concatenate3A_80, %concatenate3A_80, %concatenate3A_80, %concatenate3A_80, %concatenate3A_80 in 1 : vector<128x128xf32>, vector<128x128xf32>, vector<128x128xf32>, vector<128x128xf32>, vector<128x128xf32>, vector<128x128xf32>, vector<128x128xf32>, vector<128x128xf32>, vector<128x128xf32>, vector<128x128xf32>, vector<128x128xf32>, vector<128x128xf32>, vector<128x128xf32>, vector<128x128xf32>, vector<128x128xf32>, vector<128x128xf32> -> vector<128x2048xf32>
    %jit3A_82 = arith.constant 0.000000e+00 : f32
    %broadcast_in_dim3A_83 = vector.broadcast %jit3A_82 : f32 to vector<128x2048xf32>
    %select_n3A_84 = arith.select %eq3A, %concatenate3A_81, %broadcast_in_dim3A_83 : vector<128x2048xi1>, vector<128x2048xf32>
    %get3A_85 = arith.constant 0 : index
    %get3A_86 = arith.constant 256 : index
    %get3A_87 = vector.load %arg0[%get3A_85, %get3A_86] : memref<1024x384xf32, #tpu.memory_space<vmem>>, vector<1024x128xf32>
    %dot_general3A_88 = arith.constant dense<0.000000e+00> : vector<1024x2048xf32>
    %dot_general3A_89 = tpu.matmul %get3A_87, %select_n3A_84, %dot_general3A_88 {dimension_numbers = #tpu.dot_dimension_numbers<[1], [0], [0], [1], [0, 0, 1, 1], [], []>, transpose_lhs_hint = false} : vector<1024x128xf32>, vector<128x2048xf32>, vector<1024x2048xf32> -> vector<1024x2048xf32>
    %add3A_90 = arith.addf %add3A, %dot_general3A_89 : vector<1024x2048xf32>
    %iota3A_91 = tpu.iota {dimensions = array<i32: 0>} : vector<48x2048xi32>
    %iota3A_92 = tpu.iota {dimensions = array<i32: 1>} : vector<48x2048xi32>
    %jit3A_93 = arith.constant 16 : i32
    %eq3A_94 = arith.constant 0 : i32
    %eq3A_95 = arith.cmpi eq, %jit3A_93, %eq3A_94 : i32
    %jit3A_96 = arith.constant 1 : i32
    %select_n3A_97 = arith.select %eq3A_95, %jit3A_96, %jit3A_93 : i32
    %rem3A_98 = vector.broadcast %select_n3A_97 : i32 to vector<48x2048xi32>
    %rem3A_99 = arith.remsi %iota3A_91, %rem3A_98 : vector<48x2048xi32>
    %ne3A_100 = arith.constant 0 : i32
    %ne3A_101 = vector.broadcast %ne3A_100 : i32 to vector<48x2048xi32>
    %ne3A_102 = arith.cmpi ne, %rem3A_99, %ne3A_101 : vector<48x2048xi32>
    %lt3A = arith.constant 0 : i32
    %lt3A_103 = vector.broadcast %lt3A : i32 to vector<48x2048xi32>
    %lt3A_104 = arith.cmpi slt, %rem3A_99, %lt3A_103 : vector<48x2048xi32>
    %lt3A_105 = arith.constant 0 : i32
    %lt3A_106 = arith.cmpi slt, %select_n3A_97, %lt3A_105 : i32
    %ne3A_107 = vector.broadcast %lt3A_106 : i1 to vector<48x2048xi1>
    %ne3A_108 = vector.broadcast %ne3A_107 : vector<48x2048xi1> to vector<48x2048xi1>
    %ne3A_109 = arith.xori %lt3A_104, %ne3A_108 : vector<48x2048xi1>
    %and3A_110 = arith.andi %ne3A_109, %ne3A_102 : vector<48x2048xi1>
    %add3A_111 = vector.broadcast %select_n3A_97 : i32 to vector<48x2048xi32>
    %add3A_112 = arith.addi %rem3A_99, %add3A_111 : vector<48x2048xi32>
    %select_n3A_113 = arith.select %and3A_110, %add3A_112, %rem3A_99 : vector<48x2048xi1>, vector<48x2048xi32>
    %jit3A_114 = arith.constant 128 : i32
    %div3A_115 = vector.broadcast %jit3A_114 : i32 to vector<48x2048xi32>
    %div3A_116 = arith.divsi %iota3A_92, %div3A_115 : vector<48x2048xi32>
    %sign3A_117 = arith.constant 0 : i32
    %sign3A_118 = vector.broadcast %sign3A_117 : i32 to vector<48x2048xi32>
    %sign3A_119 = arith.cmpi sgt, %iota3A_92, %sign3A_118 : vector<48x2048xi32>
    %sign3A_120 = arith.extui %sign3A_119 : vector<48x2048xi1> to vector<48x2048xi32>
    %sign3A_121 = arith.constant 0 : i32
    %sign3A_122 = vector.broadcast %sign3A_121 : i32 to vector<48x2048xi32>
    %sign3A_123 = arith.cmpi slt, %iota3A_92, %sign3A_122 : vector<48x2048xi32>
    %sign3A_124 = arith.extui %sign3A_123 : vector<48x2048xi1> to vector<48x2048xi32>
    %sign3A_125 = arith.subi %sign3A_120, %sign3A_124 : vector<48x2048xi32>
    %sign3A_126 = arith.constant 0 : i32
    %sign3A_127 = arith.cmpi sgt, %jit3A_114, %sign3A_126 : i32
    %sign3A_128 = arith.extui %sign3A_127 : i1 to i32
    %sign3A_129 = arith.constant 0 : i32
    %sign3A_130 = arith.cmpi slt, %jit3A_114, %sign3A_129 : i32
    %sign3A_131 = arith.extui %sign3A_130 : i1 to i32
    %sign3A_132 = arith.subi %sign3A_128, %sign3A_131 : i32
    %ne3A_133 = vector.broadcast %sign3A_132 : i32 to vector<48x2048xi32>
    %ne3A_134 = arith.cmpi ne, %sign3A_125, %ne3A_133 : vector<48x2048xi32>
    %rem3A_135 = vector.broadcast %jit3A_114 : i32 to vector<48x2048xi32>
    %rem3A_136 = arith.remsi %iota3A_92, %rem3A_135 : vector<48x2048xi32>
    %ne3A_137 = arith.constant 0 : i32
    %ne3A_138 = vector.broadcast %ne3A_137 : i32 to vector<48x2048xi32>
    %ne3A_139 = arith.cmpi ne, %rem3A_136, %ne3A_138 : vector<48x2048xi32>
    %and3A_140 = arith.andi %ne3A_134, %ne3A_139 : vector<48x2048xi1>
    %sub3A_141 = arith.constant 1 : i32
    %sub3A_142 = vector.broadcast %sub3A_141 : i32 to vector<48x2048xi32>
    %sub3A_143 = arith.subi %div3A_116, %sub3A_142 : vector<48x2048xi32>
    %select_n3A_144 = arith.select %and3A_140, %sub3A_143, %div3A_116 : vector<48x2048xi1>, vector<48x2048xi32>
    %eq3A_145 = arith.cmpi eq, %select_n3A_113, %select_n3A_144 : vector<48x2048xi32>
    %slice3A_146 = vector.extract_strided_slice %concatenate3A {offsets = [24, 0], sizes = [1, 128], strides = [1, 1]} : vector<27x128xf32> to vector<1x128xf32>
    %concatenate3A_147 = tpu.concatenate %slice3A_146, %slice3A_146, %slice3A_146, %slice3A_146, %slice3A_146, %slice3A_146, %slice3A_146, %slice3A_146, %slice3A_146, %slice3A_146, %slice3A_146, %slice3A_146, %slice3A_146, %slice3A_146, %slice3A_146, %slice3A_146 in 0 : vector<1x128xf32>, vector<1x128xf32>, vector<1x128xf32>, vector<1x128xf32>, vector<1x128xf32>, vector<1x128xf32>, vector<1x128xf32>, vector<1x128xf32>, vector<1x128xf32>, vector<1x128xf32>, vector<1x128xf32>, vector<1x128xf32>, vector<1x128xf32>, vector<1x128xf32>, vector<1x128xf32>, vector<1x128xf32> -> vector<16x128xf32>
    %slice3A_148 = vector.extract_strided_slice %concatenate3A {offsets = [25, 0], sizes = [1, 128], strides = [1, 1]} : vector<27x128xf32> to vector<1x128xf32>
    %concatenate3A_149 = tpu.concatenate %slice3A_148, %slice3A_148, %slice3A_148, %slice3A_148, %slice3A_148, %slice3A_148, %slice3A_148, %slice3A_148, %slice3A_148, %slice3A_148, %slice3A_148, %slice3A_148, %slice3A_148, %slice3A_148, %slice3A_148, %slice3A_148 in 0 : vector<1x128xf32>, vector<1x128xf32>, vector<1x128xf32>, vector<1x128xf32>, vector<1x128xf32>, vector<1x128xf32>, vector<1x128xf32>, vector<1x128xf32>, vector<1x128xf32>, vector<1x128xf32>, vector<1x128xf32>, vector<1x128xf32>, vector<1x128xf32>, vector<1x128xf32>, vector<1x128xf32>, vector<1x128xf32> -> vector<16x128xf32>
    %slice3A_150 = vector.extract_strided_slice %concatenate3A {offsets = [26, 0], sizes = [1, 128], strides = [1, 1]} : vector<27x128xf32> to vector<1x128xf32>
    %concatenate3A_151 = tpu.concatenate %slice3A_150, %slice3A_150, %slice3A_150, %slice3A_150, %slice3A_150, %slice3A_150, %slice3A_150, %slice3A_150, %slice3A_150, %slice3A_150, %slice3A_150, %slice3A_150, %slice3A_150, %slice3A_150, %slice3A_150, %slice3A_150 in 0 : vector<1x128xf32>, vector<1x128xf32>, vector<1x128xf32>, vector<1x128xf32>, vector<1x128xf32>, vector<1x128xf32>, vector<1x128xf32>, vector<1x128xf32>, vector<1x128xf32>, vector<1x128xf32>, vector<1x128xf32>, vector<1x128xf32>, vector<1x128xf32>, vector<1x128xf32>, vector<1x128xf32>, vector<1x128xf32> -> vector<16x128xf32>
    %concatenate3A_152 = tpu.concatenate %concatenate3A_147, %concatenate3A_149, %concatenate3A_151 in 0 : vector<16x128xf32>, vector<16x128xf32>, vector<16x128xf32> -> vector<48x128xf32>
    %concatenate3A_153 = tpu.concatenate %concatenate3A_152, %concatenate3A_152, %concatenate3A_152, %concatenate3A_152, %concatenate3A_152, %concatenate3A_152, %concatenate3A_152, %concatenate3A_152, %concatenate3A_152, %concatenate3A_152, %concatenate3A_152, %concatenate3A_152, %concatenate3A_152, %concatenate3A_152, %concatenate3A_152, %concatenate3A_152 in 1 : vector<48x128xf32>, vector<48x128xf32>, vector<48x128xf32>, vector<48x128xf32>, vector<48x128xf32>, vector<48x128xf32>, vector<48x128xf32>, vector<48x128xf32>, vector<48x128xf32>, vector<48x128xf32>, vector<48x128xf32>, vector<48x128xf32>, vector<48x128xf32>, vector<48x128xf32>, vector<48x128xf32>, vector<48x128xf32> -> vector<48x2048xf32>
    %jit3A_154 = arith.constant 0.000000e+00 : f32
    %broadcast_in_dim3A_155 = vector.broadcast %jit3A_154 : f32 to vector<48x2048xf32>
    %select_n3A_156 = arith.select %eq3A_145, %concatenate3A_153, %broadcast_in_dim3A_155 : vector<48x2048xi1>, vector<48x2048xf32>
    %get3A_157 = arith.constant 0 : index
    %get3A_158 = arith.constant 0 : index
    %get3A_159 = vector.load %arg1[%get3A_157, %get3A_158] : memref<1024x48xf32, #tpu.memory_space<vmem>>, vector<1024x48xf32>
    %dot_general3A_160 = arith.constant dense<0.000000e+00> : vector<1024x2048xf32>
    %dot_general3A_161 = tpu.matmul %get3A_159, %select_n3A_156, %dot_general3A_160 {dimension_numbers = #tpu.dot_dimension_numbers<[1], [0], [0], [1], [0, 0, 1, 1], [], []>, transpose_lhs_hint = false} : vector<1024x48xf32>, vector<48x2048xf32>, vector<1024x2048xf32> -> vector<1024x2048xf32>
    %add3A_162 = arith.addf %add3A_90, %dot_general3A_161 : vector<1024x2048xf32>
    %max3A = arith.constant 0.000000e+00 : f32
    %max3A_163 = vector.broadcast %max3A : f32 to vector<1024x2048xf32>
    %max3A_164 = arith.maximumf %add3A_162, %max3A_163 : vector<1024x2048xf32>
    %get3A_165 = arith.constant 0 : index
    %get3A_166 = arith.constant 0 : index
    %get3A_167 = vector.load %arg4[%get3A_165, %get3A_166] : memref<64x1xf32, #tpu.memory_space<vmem>>, vector<64x1xf32>
    %get3A_168 = arith.constant 0 : index
    %get3A_169 = arith.constant 0 : index
    %get3A_170 = vector.load %arg5[%get3A_168, %get3A_169] : memref<64x1xf32, #tpu.memory_space<vmem>>, vector<64x1xf32>
    %concatenate3A_171 = tpu.concatenate %get3A_167, %get3A_170 in 0 : vector<64x1xf32>, vector<64x1xf32> -> vector<128x1xf32>
    %concatenate3A_172 = tpu.concatenate %concatenate3A_171, %concatenate3A_171, %concatenate3A_171, %concatenate3A_171, %concatenate3A_171, %concatenate3A_171, %concatenate3A_171, %concatenate3A_171, %concatenate3A_171, %concatenate3A_171, %concatenate3A_171, %concatenate3A_171, %concatenate3A_171, %concatenate3A_171, %concatenate3A_171, %concatenate3A_171 in 0 : vector<128x1xf32>, vector<128x1xf32>, vector<128x1xf32>, vector<128x1xf32>, vector<128x1xf32>, vector<128x1xf32>, vector<128x1xf32>, vector<128x1xf32>, vector<128x1xf32>, vector<128x1xf32>, vector<128x1xf32>, vector<128x1xf32>, vector<128x1xf32>, vector<128x1xf32>, vector<128x1xf32>, vector<128x1xf32> -> vector<2048x1xf32>
    %iota3A_173 = tpu.iota {dimensions = array<i32: 0>} : vector<2048x128xi32>
    %iota3A_174 = tpu.iota {dimensions = array<i32: 1>} : vector<2048x128xi32>
    %jit3A_175 = arith.constant 128 : i32
    %div3A_176 = vector.broadcast %jit3A_175 : i32 to vector<2048x128xi32>
    %div3A_177 = arith.divsi %iota3A_173, %div3A_176 : vector<2048x128xi32>
    %sign3A_178 = arith.constant 0 : i32
    %sign3A_179 = vector.broadcast %sign3A_178 : i32 to vector<2048x128xi32>
    %sign3A_180 = arith.cmpi sgt, %iota3A_173, %sign3A_179 : vector<2048x128xi32>
    %sign3A_181 = arith.extui %sign3A_180 : vector<2048x128xi1> to vector<2048x128xi32>
    %sign3A_182 = arith.constant 0 : i32
    %sign3A_183 = vector.broadcast %sign3A_182 : i32 to vector<2048x128xi32>
    %sign3A_184 = arith.cmpi slt, %iota3A_173, %sign3A_183 : vector<2048x128xi32>
    %sign3A_185 = arith.extui %sign3A_184 : vector<2048x128xi1> to vector<2048x128xi32>
    %sign3A_186 = arith.subi %sign3A_181, %sign3A_185 : vector<2048x128xi32>
    %sign3A_187 = arith.constant 0 : i32
    %sign3A_188 = arith.cmpi sgt, %jit3A_175, %sign3A_187 : i32
    %sign3A_189 = arith.extui %sign3A_188 : i1 to i32
    %sign3A_190 = arith.constant 0 : i32
    %sign3A_191 = arith.cmpi slt, %jit3A_175, %sign3A_190 : i32
    %sign3A_192 = arith.extui %sign3A_191 : i1 to i32
    %sign3A_193 = arith.subi %sign3A_189, %sign3A_192 : i32
    %ne3A_194 = vector.broadcast %sign3A_193 : i32 to vector<2048x128xi32>
    %ne3A_195 = arith.cmpi ne, %sign3A_186, %ne3A_194 : vector<2048x128xi32>
    %rem3A_196 = vector.broadcast %jit3A_175 : i32 to vector<2048x128xi32>
    %rem3A_197 = arith.remsi %iota3A_173, %rem3A_196 : vector<2048x128xi32>
    %ne3A_198 = arith.constant 0 : i32
    %ne3A_199 = vector.broadcast %ne3A_198 : i32 to vector<2048x128xi32>
    %ne3A_200 = arith.cmpi ne, %rem3A_197, %ne3A_199 : vector<2048x128xi32>
    %and3A_201 = arith.andi %ne3A_195, %ne3A_200 : vector<2048x128xi1>
    %sub3A_202 = arith.constant 1 : i32
    %sub3A_203 = vector.broadcast %sub3A_202 : i32 to vector<2048x128xi32>
    %sub3A_204 = arith.subi %div3A_177, %sub3A_203 : vector<2048x128xi32>
    %select_n3A_205 = arith.select %and3A_201, %sub3A_204, %div3A_177 : vector<2048x128xi1>, vector<2048x128xi32>
    %jit3A_206 = arith.constant 16 : i32
    %eq3A_207 = arith.constant 0 : i32
    %eq3A_208 = arith.cmpi eq, %jit3A_206, %eq3A_207 : i32
    %jit3A_209 = arith.constant 1 : i32
    %select_n3A_210 = arith.select %eq3A_208, %jit3A_209, %jit3A_206 : i32
    %rem3A_211 = vector.broadcast %select_n3A_210 : i32 to vector<2048x128xi32>
    %rem3A_212 = arith.remsi %iota3A_174, %rem3A_211 : vector<2048x128xi32>
    %ne3A_213 = arith.constant 0 : i32
    %ne3A_214 = vector.broadcast %ne3A_213 : i32 to vector<2048x128xi32>
    %ne3A_215 = arith.cmpi ne, %rem3A_212, %ne3A_214 : vector<2048x128xi32>
    %lt3A_216 = arith.constant 0 : i32
    %lt3A_217 = vector.broadcast %lt3A_216 : i32 to vector<2048x128xi32>
    %lt3A_218 = arith.cmpi slt, %rem3A_212, %lt3A_217 : vector<2048x128xi32>
    %lt3A_219 = arith.constant 0 : i32
    %lt3A_220 = arith.cmpi slt, %select_n3A_210, %lt3A_219 : i32
    %ne3A_221 = vector.broadcast %lt3A_220 : i1 to vector<2048x128xi1>
    %ne3A_222 = vector.broadcast %ne3A_221 : vector<2048x128xi1> to vector<2048x128xi1>
    %ne3A_223 = arith.xori %lt3A_218, %ne3A_222 : vector<2048x128xi1>
    %and3A_224 = arith.andi %ne3A_223, %ne3A_215 : vector<2048x128xi1>
    %add3A_225 = vector.broadcast %select_n3A_210 : i32 to vector<2048x128xi32>
    %add3A_226 = arith.addi %rem3A_212, %add3A_225 : vector<2048x128xi32>
    %select_n3A_227 = arith.select %and3A_224, %add3A_226, %rem3A_212 : vector<2048x128xi1>, vector<2048x128xi32>
    %eq3A_228 = arith.cmpi eq, %select_n3A_205, %select_n3A_227 : vector<2048x128xi32>
    %jit3A_229 = arith.constant 128 : i32
    %eq3A_230 = arith.constant 0 : i32
    %eq3A_231 = arith.cmpi eq, %jit3A_229, %eq3A_230 : i32
    %jit3A_232 = arith.constant 1 : i32
    %select_n3A_233 = arith.select %eq3A_231, %jit3A_232, %jit3A_229 : i32
    %rem3A_234 = vector.broadcast %select_n3A_233 : i32 to vector<2048x128xi32>
    %rem3A_235 = arith.remsi %iota3A_173, %rem3A_234 : vector<2048x128xi32>
    %ne3A_236 = arith.constant 0 : i32
    %ne3A_237 = vector.broadcast %ne3A_236 : i32 to vector<2048x128xi32>
    %ne3A_238 = arith.cmpi ne, %rem3A_235, %ne3A_237 : vector<2048x128xi32>
    %lt3A_239 = arith.constant 0 : i32
    %lt3A_240 = vector.broadcast %lt3A_239 : i32 to vector<2048x128xi32>
    %lt3A_241 = arith.cmpi slt, %rem3A_235, %lt3A_240 : vector<2048x128xi32>
    %lt3A_242 = arith.constant 0 : i32
    %lt3A_243 = arith.cmpi slt, %select_n3A_233, %lt3A_242 : i32
    %ne3A_244 = vector.broadcast %lt3A_243 : i1 to vector<2048x128xi1>
    %ne3A_245 = vector.broadcast %ne3A_244 : vector<2048x128xi1> to vector<2048x128xi1>
    %ne3A_246 = arith.xori %lt3A_241, %ne3A_245 : vector<2048x128xi1>
    %and3A_247 = arith.andi %ne3A_246, %ne3A_238 : vector<2048x128xi1>
    %add3A_248 = vector.broadcast %select_n3A_233 : i32 to vector<2048x128xi32>
    %add3A_249 = arith.addi %rem3A_235, %add3A_248 : vector<2048x128xi32>
    %select_n3A_250 = arith.select %and3A_247, %add3A_249, %rem3A_235 : vector<2048x128xi1>, vector<2048x128xi32>
    %lt3A_251 = arith.constant 64 : i32
    %lt3A_252 = vector.broadcast %lt3A_251 : i32 to vector<2048x128xi32>
    %lt3A_253 = arith.cmpi slt, %select_n3A_250, %lt3A_252 : vector<2048x128xi32>
    %lt3A_254 = arith.constant 16 : i32
    %lt3A_255 = vector.broadcast %lt3A_254 : i32 to vector<2048x128xi32>
    %lt3A_256 = arith.cmpi slt, %iota3A_174, %lt3A_255 : vector<2048x128xi32>
    %eq3A_257 = arith.xori %lt3A_253, %lt3A_256 : vector<2048x128xi1>
    %eq3A_258 = arith.constant dense<true> : vector<2048x128xi1>
    %eq3A_259 = arith.xori %eq3A_257, %eq3A_258 : vector<2048x128xi1>
    %and3A_260 = arith.andi %eq3A_228, %eq3A_259 : vector<2048x128xi1>
    %lt3A_261 = arith.constant 32 : i32
    %lt3A_262 = vector.broadcast %lt3A_261 : i32 to vector<2048x128xi32>
    %lt3A_263 = arith.cmpi slt, %iota3A_174, %lt3A_262 : vector<2048x128xi32>
    %and3A_264 = arith.andi %and3A_260, %lt3A_263 : vector<2048x128xi1>
    %jit3A_265 = arith.constant 0.000000e+00 : f32
    %broadcast_in_dim3A_266 = vector.shape_cast %concatenate3A_172 : vector<2048x1xf32> to vector<2048x1xf32>
    %broadcast_in_dim3A_267 = vector.broadcast %broadcast_in_dim3A_266 : vector<2048x1xf32> to vector<2048x128xf32>
    %broadcast_in_dim3A_268 = vector.broadcast %jit3A_265 : f32 to vector<2048x128xf32>
    %select_n3A_269 = arith.select %and3A_264, %broadcast_in_dim3A_267, %broadcast_in_dim3A_268 : vector<2048x128xi1>, vector<2048x128xf32>
    %dot_general3A_270 = arith.constant dense<0.000000e+00> : vector<1024x128xf32>
    %dot_general3A_271 = tpu.matmul %max3A_164, %select_n3A_269, %dot_general3A_270 {dimension_numbers = #tpu.dot_dimension_numbers<[1], [0], [0], [1], [0, 0, 1, 1], [], []>, transpose_lhs_hint = false} : vector<1024x2048xf32>, vector<2048x128xf32>, vector<1024x128xf32> -> vector<1024x128xf32>
    %neg3A = arith.constant 0.000000e+00 : f32
    %neg3A_272 = vector.broadcast %neg3A : f32 to vector<1024x128xf32>
    %neg3A_273 = arith.subf %neg3A_272, %dot_general3A_271 : vector<1024x128xf32>
    %exp3A = math.exp %neg3A_273 : vector<1024x128xf32>
    %add3A_274 = arith.constant 1.000000e+00 : f32
    %add3A_275 = vector.broadcast %add3A_274 : f32 to vector<1024x128xf32>
    %add3A_276 = arith.addf %add3A_275, %exp3A : vector<1024x128xf32>
    %div3A_277 = arith.constant 1.000000e+00 : f32
    %div3A_278 = vector.broadcast %div3A_277 : f32 to vector<1024x128xf32>
    %div3A_279 = arith.divf %div3A_278, %add3A_276 : vector<1024x128xf32>
    %swap3A = arith.constant 0 : index
    %swap3A_280 = arith.constant 0 : index
    %swap3A_281 = vector.load %arg6[%swap3A, %swap3A_280] : memref<1024x128xf32, #tpu.memory_space<vmem>>, vector<1024x128xf32>
    tpu.vector_store %arg6[%swap3A, %swap3A_280], %div3A_279 {strides = array<i32>} : memref<1024x128xf32, #tpu.memory_space<vmem>>, vector<1024x128xf32>,
    return
  }
}

</mosaic_0001>

<sc_bundles>
// kernel: kernel.4.cloned.1.call-start
scs
__scs_entry_jumppad:
0x0: {  	(pc) =	sbr.rel $0x88, $3  }
0x1: {  	(tag) =	ssettag $0x0;
	lr =	simm.s32 $0x1  }
0x2: {  	[smem:$0x3F94] =	sst lr;
	_ =	strace $0xD0000000  }
0x3: {  	_ = 	snop  }
0x4: {  	_ = 	snop  }
0x5: {  	_ = 	snop  }
0x6: {  	_ = 	snop  }
0x7: {  	_ = 	snop  }
__scs_overlays_trampoline_lowered:
0x8: {  	[smem:$0x3FA3] =	sst s0  }
0x9: {  	[smem:$0x3FA4] =	sst s1  }
0xa: {  	[smem:$0x3FA5] =	sst s2  }
0xb: {  	[smem:$0x3FA6] =	sst s3  }
0xc: {  	[smem:$0x3FA7] =	sst s4  }
0xd: {  	[smem:$0x3FA8] =	sst s5  }
0xe: {  	[smem:$0x3FA9] =	sst s6  }
0xf: {  	[smem:$0x3FAA] =	sst s7  }
0x10: {  	[smem:$0x3FAB] =	sst s8  }
0x11: {  	[smem:$0x3FAC] =	sst s9;
	s0 =	simm.s32 @!p0 $0x0  }
0x12: {  	s1 =	sld [smem:$0x3F92];
	s0 =	simm.s32 @p0 $0x1  }
0x13: {  	[smem:$0x3FAD] =	sst s0;
	s0 =	simm.s32 @!p1 $0x0  }
0x14: {  	s2 =	sld [smem:$0x3F91];
	s0 =	simm.s32 @p1 $0x1  }
0x15: {  	[smem:$0x3FAE] =	sst s0;
	s0 =	simm.s32 @!p2 $0x0  }
0x16: {  	s3 =	sld [smem:$0x3FDB];
	s0 =	simm.s32 @p2 $0x1  }
0x17: {  	s4 =	simm.s32 $0x1BF5;
	[smem:$0x3FB0] =	sst s0  }
0x18: {  	s0 =	sld [smem:$0x3F93];
	_ =	swait.ge [sflag:s4], $0x0  }
0x19: {  	s7 =	sld [smem:$0x3F94]  }
0x1a: {  	s8 =	sadd.s32 $0xFFFFE003, lr  }
0x1b: {  	s9 =	sadd.s32 $0xFFFFFEF7, lr;
	s5 =	simm.s32 $0xFFFFFFFF;
	p2 =	slt.u32 s8, $0xFFFFF086  }
0x1c: {  	p1 =	slt.u32 s9, $0xF7A;
	s5 =	simm.s32 @!p2 $0x0  }
0x1d: {  	s5 =	simm.s32 @p1 $0x1;
	p0 =	seq.s32 s7, s2  }
0x1e: {  	s7 =	smul.u32 @!p0 $0xF7A, s2;
	p2 =	seq.s32 @!p0 s5, $0x0  }
0x1f: {  	s9 =	smul.u32 $0xF7A, s1;
	s8 =	simm.s32 @!p0 $0x1BF5;
	p2 =	por !p2, p0  }
0x20: {  	[sflag:s8] =	ssyncset.s32 @!p0 $0xFFFFF086;
	s6 =	sadd.s32 @!p0 s3, s7;
	s7 =	simm.s32 @!p0 $0x108  }
0x21: {  	s3 =	sadd.s32 s3, s9;
	s6 =	sadd.s32 @!p0 $0x88, s6;
	s7 =	simm.s32 @p2 $0x1082  }
0x22: {  	[simem:s7], [sflag:s8] =	dma.local @!p0 [hbm:s6], $0xF7A  }
0x23: {  	s9 =	sor.u32 $0xD0000000, s2;
	s6 =	simm.s32 $0x108;
	_ =	swait.ge @!p0 [sflag:s8], $0x0  }
0x24: {  	s3 =	sadd.s32 $0x88, s3;
	s6 =	simm.s32 @!p1 $0x1082;
	[sflag:s4] =	ssyncset.s32 $0xFFFFF086  }
0x25: {  	[simem:s6], [sflag:s4] =	dma.local [hbm:s3], $0xF7A  }
0x26: {  	[smem:$0x3F94] =	sst s1;
	(tag) =	ssettag s2;
	_ =	strace s9  }
0x27: {  	s1 =	sld [smem:$0x3FA4]  }
0x28: {  	s2 =	sld [smem:$0x3FA5]  }
0x29: {  	s4 =	sld [smem:$0x3FA7]  }
0x2a: {  	p0 =	seq.s32 s5, $0x0;
	s5 =	sld [smem:$0x3FA8]  }
0x2b: {  	s6 =	sld [smem:$0x3FA9]  }
0x2c: {  	s7 =	sld [smem:$0x3FAA]  }
0x2d: {  	s3 =	simm.s32 $0x108;
	s8 =	sld [smem:$0x3FAB]  }
0x2e: {  	s3 =	simm.s32 @!p0 $0x1082;
	s9 =	sld [smem:$0x3FAC]  }
0x2f: {  	lr =	sadd.s32 s0, s3;
	s0 =	sld [smem:$0x3FA3]  }
0x30: {  	s3 =	sld [smem:$0x3FA6]  }
0x31: {  	[smem:$0x3FAF] =	sst s10  }
0x32: {  	s10 =	sld [smem:$0x3FAD];
	_ =	sdelay $0x3  }
0x33: {  	p0 =	seq.s32 s10, $0x1;
	s10 =	sld [smem:$0x3FAF];
	_ =	sdelay $0x3  }
0x34: {  	[smem:$0x3FAF] =	sst s10  }
0x35: {  	s10 =	sld [smem:$0x3FAE];
	_ =	sdelay $0x3  }
0x36: {  	p1 =	seq.s32 s10, $0x1;
	s10 =	sld [smem:$0x3FAF];
	_ =	sdelay $0x3  }
0x37: {  	[smem:$0x3FAF] =	sst s10  }
0x38: {  	s10 =	sld [smem:$0x3FB0]  }
0x39: {  	_ = 	snop;
	(pc) =	sbr.ind lr, $3  }
0x3a: {  	_ = 	snop  }
0x3b: {  	_ = 	snop  }
0x3c: {  	p2 =	seq.s32 s10, $0x1;
	s10 =	sld [smem:$0x3FAF]  }
0x3d: {  	_ =	shalt  }
0x3e: {  	_ =	shalt  }
0x3f: {  	_ =	shalt  }
0x40: {  	_ =	shalt  }
0x41: {  	_ =	shalt  }
0x42: {  	_ =	shalt  }
0x43: {  	_ =	shalt  }
0x44: {  	_ =	shalt  }
0x45: {  	_ =	shalt  }
0x46: {  	_ =	shalt  }
0x47: {  	_ =	shalt  }
0x48: {  	_ =	shalt  }
0x49: {  	_ =	shalt  }
0x4a: {  	_ =	shalt  }
0x4b: {  	_ =	shalt  }
0x4c: {  	_ =	shalt  }
0x4d: {  	_ =	shalt  }
0x4e: {  	_ =	shalt  }
0x4f: {  	_ =	shalt  }
0x50: {  	_ =	shalt  }
0x51: {  	_ =	shalt  }
0x52: {  	_ =	shalt  }
0x53: {  	_ =	shalt  }
0x54: {  	_ =	shalt  }
0x55: {  	_ =	shalt  }
0x56: {  	_ =	shalt  }
0x57: {  	_ =	shalt  }
0x58: {  	_ =	shalt  }
0x59: {  	_ =	shalt  }
0x5a: {  	_ =	shalt  }
0x5b: {  	_ =	shalt  }
0x5c: {  	_ =	shalt  }
0x5d: {  	_ =	shalt  }
0x5e: {  	_ =	shalt  }
0x5f: {  	_ =	shalt  }
0x60: {  	_ =	shalt  }
0x61: {  	_ =	shalt  }
0x62: {  	_ =	shalt  }
0x63: {  	_ =	shalt  }
0x64: {  	_ =	shalt  }
0x65: {  	_ =	shalt  }
0x66: {  	_ =	shalt  }
0x67: {  	_ =	shalt  }
0x68: {  	_ =	shalt  }
0x69: {  	_ =	shalt  }
0x6a: {  	_ =	shalt  }
0x6b: {  	_ =	shalt  }
0x6c: {  	_ =	shalt  }
0x6d: {  	_ =	shalt  }
0x6e: {  	_ =	shalt  }
0x6f: {  	_ =	shalt  }
0x70: {  	_ =	shalt  }
0x71: {  	_ =	shalt  }
0x72: {  	_ =	shalt  }
0x73: {  	_ =	shalt  }
0x74: {  	_ =	shalt  }
0x75: {  	_ =	shalt  }
0x76: {  	_ =	shalt  }
0x77: {  	_ =	shalt  }
0x78: {  	_ =	shalt  }
0x79: {  	_ =	shalt  }
0x7a: {  	_ =	shalt  }
0x7b: {  	_ =	shalt  }
0x7c: {  	_ =	shalt  }
0x7d: {  	_ =	shalt  }
0x7e: {  	_ =	shalt  }
0x7f: {  	_ =	shalt  }
0x80: {  	_ =	shalt  }
0x81: {  	_ =	shalt  }
0x82: {  	_ =	shalt  }
0x83: {  	_ =	shalt  }
0x84: {  	_ =	shalt  }
0x85: {  	_ =	shalt  }
0x86: {  	_ =	shalt  }
0x87: {  	_ =	shalt  }
.Lfunc_end0:
.L_simem_size_0:
called_computation_lowered:
.L_overlay_start_0:
0x88: {  	s2 =	sld [smem:$0x3FD9]  }
0x89: {  	s3 =	sld [smem:$0x3FFE];
	_ =	sdelay $0x1  }
0x8a: {  	s1 =	srdreg.scid  }
0x8b: {  	s0 =	sand.u32 $0x1, s1  }
0x8c: {  	s14 =	sshll.u32 s0, $0xA;
	s2 =	sadd.s32 s3, s2  }
0x8d: {  	s2 =	sadd.s32 s2, s14  }
0x8e: {  	[smem:$0x3FBB] =	sst s2  }
0x8f: {  	_ = 	snop  }
0x90: {  	s2 =	sld [smem:$0x3FD0];
	_ =	sdelay $0x2  }
0x91: {  	s15 =	simm.s32 $0xA;
	s4 =	simm.s32 $0x10  }
0x92: {  	[smem:s4], [sflag:s15] =	dma.local [hbm:s2], $0x1  }
0x93: {  	_ =	swait.eq [sflag:s15], $0x1  }
0x94: {  	[sflag:s15] =	ssyncset.done $0x0  }
0x95: {  	s16 =	sld [smem:$0x10];
	[sflag:s15] =	ssyncadd.s32 $0xFFFFFFFF  }
0x96: {  	s17 =	sld [smem:$0x11];
	(tm) =	ssettm $0x1  }
0x97: {  	s18 =	sld [smem:$0x3FFB];
	_ =	sdelay $0x3  }
0x98: {  	_ =	strace s18  }
0x99: {  	s4 =	sld [smem:$0x3FFC];
	_ =	sdelay $0x3  }
0x9a: {  	_ =	strace s4  }
0x9b: {  	s4 =	sld [smem:$0x3FFD];
	_ =	sdelay $0x3  }
0x9c: {  	_ =	strace s4  }
0x9d: {  	_ =	strace $0x8FFFFFFF  }
0x9e: {  	s19 =	sld [smem:$0x3FDB];
	_ =	sdelay $0x1  }
0x9f: {  	s5 =	simm.s32 $_scs_section_size  }
0xa0: {  	s6 =	simm.s32 $_size__tile_overlayer_lowered;
	s7 =	simm.s32 $_tile_overlayer_lowered  }
0xa1: {  	s22 =	simm.s32 $0x1BFF;
	s21 =	sshll.u32 s7, $0x1;
	s4 =	sadd.s32 s5, s19  }
0xa2: {  	s8 =	simm.s32 $0x0;
	s20 =	sshll.u32 s6, $0x1;
	s6 =	sadd.s32 s21, s4  }
0xa3: {  	[timem:s8], [sflag:s22] =	dma.local [hbm:s6], s20  }
0xa4: {  	_ =	swait.ge [sflag:s22], s20  }
0xa5: {  	s5 =	ssub.s32 $0x0, s20;
	[sflag:s22] =	ssyncset.done $0x0  }
0xa6: {  	[sflag:s22] =	ssyncadd.s32 s5;
	_ =	sdelay $0x1  }
0xa7: {  	s23 =	simm.s32 $0x1B8B  }
0xa8: {  	_ =	swait.ge [sflag:s23], $0x1  }
0xa9: {  	[sflag:s23] =	ssyncset.done $0x0  }
0xaa: {  	s25 =	simm.s32 $0x1B8E;
	s24 =	sld [smem:$0x3FFE];
	[sflag:s23] =	ssyncadd.s32 $0xFFFFFFFF  }
0xab: {  	s26 =	simm.s32 $execute0_lowered;
	[smem:$0x3FD2] =	sst s25  }
0xac: {  	s6 =	sshll.u32 s26, $0x1;
	_ =	strace $0x80000046;
	[dreg:$0x1] =	wrdreg $0xFFFFFFFF  }
0xad: {  	s28 =	simm.s32 $_size_execute0_lowered;
	s4 =	sadd.s32 s4, s6;
	[dreg:$0x0] =	wrdreg $0x0  }
0xae: {  	s6 =	sshll.u32 s28, $0x1;
	[dreg:$0x2] =	wrdreg s4  }
0xaf: {  	[dreg:$0x3] =	wrdreg s6  }
0xb0: {  	[dreg:$0x4] =	wrdreg $0xC0  }
0xb1: {  	_ =	task [dreg:s8], $0x5FFFF  }
0xb2: {  	[dreg:$0x1] =	wrdreg $0xFFFFFFFF  }
0xb3: {  	[dreg:$0x0] =	wrdreg $0x60  }
0xb4: {  	[dreg:$0x2] =	wrdreg s17  }
0xb5: {  	[dreg:$0x3] =	wrdreg s16  }
0xb6: {  	[dreg:$0x4] =	wrdreg s24  }
0xb7: {  	[dreg:$0x5] =	wrdreg $0x0  }
0xb8: {  	[dreg:$0x6] =	wrdreg $0x1F80  }
0xb9: {  	[dreg:$0x7] =	wrdreg $0x2F80  }
0xba: {  	[dreg:$0x8] =	wrdreg $0x9  }
0xbb: {  	_ =	task.clear_ibuf [dreg:s8], $0x9FFFF;
	_ =	strace $0x90000046  }
0xbc: {  	s29 =	simm.s32 $0x9;
	_ =	strace $0x80000048  }
0xbd: {  	_ =	swait.ge [sflag:s29], $0x1  }
0xbe: {  	[sflag:s29] =	ssyncadd.s32 $0xFFFFFFFF  }
0xbf: {  	_ =	strace $0x90000048  }
0xc0: {  	_ =	sfence  }
0xc1: {  	s30 =	sld [smem:$0x0];
	_ =	sdelay $0x2  }
0xc2: {  	s31 =	sshll.u32 s1, $0xD;
	s1 =	sshrl.u32 s1, $0x2  }
0xc3: {  	s3 =	sand.u32 $0x4000, s31;
	s1 =	sadd.s32 s1, s30  }
0xc4: {  	s0 =	sor.u32 s3, s0;
	s1 =	sshll.u32 s1, $0x11  }
0xc5: {  	s0 =	sor.u32 s1, s0  }
0xc6: {  	s0 =	sadd.s32 $0x8F2B, s0  }
0xc7: {  	[sflag:s0] =	ssyncadd.remote.s32 $0x1  }
0xc8: {  	_ =	sfence.sel $0xFFFF  }
0xc9: {  	[dreg:$0x0] =	wrdreg $0xFFFFFFFF;
	(pc) =	sbr.abs _section_cstart, $3  }
0xca: {  	[dreg:$0x1] =	wrdreg $0xFFFFFFFF  }
0xcb: {  	_ =	task.clear_ibuf [dreg:s8], $0x2FFFF;
	_ =	strace $0x9FFFFFFF  }
0xcc: {  	(tm) =	ssettm $0x7FFFFFFF  }
0xcd: {  	_ =	shalt  }
tec
execute0_lowered:
.L_overlay_start_1:
0x0: {  	(tag) =	ssettag $0x1  }
0x1: {  	s7 =	rddreg [dreg:$0x0]  }
0x2: {  	s8 =	rddreg [dreg:$0x1]  }
0x3: {  	s9 =	rddreg [dreg:$0x2]  }
0x4: {  	s1 =	rddreg [dreg:$0x3]  }
0x5: {  	s2 =	rddreg [dreg:$0x4]  }
0x6: {  	s3 =	rddreg [dreg:$0x5]  }
0x7: {  	s0 =	rddreg [dreg:$0x6];
	s4 =	simm.s32 $0x0;
	s5 =	srdreg.scid  }
0x8: {  	s6 =	stileid.u32;
	[smem:$0x7FF] =	sst s4;
	s5 =	sand.u32 $0x1, s5  }
0x9: {  	s10 =	sshll.u32 s6, $0x1;
	s11 =	sadd.s32 $0x4E00, s9;
	s14 =	sadd.s32 $0x5200, s9  }
0xa: {  	_ =	strace $0x80000047;
	s10 =	sor.u32 s5, s10;
	[dreg:$0x7] =	wrdreg s11  }
0xb: {  	s15 =	sadd.s32 $0x1E00, s9;
	[dreg:$0x8] =	wrdreg s14;
	s12 =	sshll.u32 s10, $0x6  }
0xc: {  	[dreg:$0x9] =	wrdreg s15;
	s10 =	smul.u32 $0x600, s10;
	s7 =	sadd.s32 s7, s12  }
0xd: {  	s16 =	sadd.s32 s12, s9;
	s8 =	sadd.s32 s8, s12;
	[dreg:$0xa] =	wrdreg s7  }
0xe: {  	[dreg:$0xb] =	wrdreg s8;
	s17 =	sadd.s32 $0x4600, s16  }
0xf: {  	s7 =	sadd.s32 s10, s9;
	s8 =	simm.s32 $0x1E80;
	[dreg:$0xc] =	wrdreg s17  }
0x10: {  	s18 =	sadd.s32 $0x5400, s7;
	[smem:$0x7DB] =	sst s8  }
0x11: {  	s19 =	sadd.s32 $0x5401, s7;
	[dreg:$0xd] =	wrdreg s18  }
0x12: {  	s20 =	sadd.s32 $0x5402, s7;
	[dreg:$0xe] =	wrdreg s19  }
0x13: {  	s21 =	sadd.s32 $0x5403, s7;
	[dreg:$0xf] =	wrdreg s20  }
0x14: {  	s22 =	sadd.s32 $0x5404, s7;
	[dreg:$0x10] =	wrdreg s21  }
0x15: {  	s23 =	sadd.s32 $0x5405, s7;
	[dreg:$0x11] =	wrdreg s22  }
0x16: {  	s24 =	sadd.s32 $0x5406, s7;
	[dreg:$0x12] =	wrdreg s23  }
0x17: {  	s25 =	sadd.s32 $0x5407, s7;
	[dreg:$0x13] =	wrdreg s24  }
0x18: {  	s26 =	sadd.s32 $0x5408, s7;
	[dreg:$0x14] =	wrdreg s25  }
0x19: {  	s28 =	sadd.s32 $0x5409, s7;
	[dreg:$0x15] =	wrdreg s26  }
0x1a: {  	s29 =	sadd.s32 $0x540A, s7;
	[dreg:$0x16] =	wrdreg s28  }
0x1b: {  	s30 =	sadd.s32 $0x540B, s7;
	[dreg:$0x17] =	wrdreg s29  }
0x1c: {  	s31 =	sadd.s32 $0x540C, s7;
	[dreg:$0x18] =	wrdreg s30  }
0x1d: {  	s9 =	sadd.s32 $0x540D, s7;
	[dreg:$0x19] =	wrdreg s31  }
0x1e: {  	s10 =	sadd.s32 $0x540E, s7;
	[dreg:$0x1a] =	wrdreg s9  }
0x1f: {  	s11 =	sadd.s32 $0x540F, s7;
	[dreg:$0x1b] =	wrdreg s10  }
0x20: {  	s12 =	sadd.s32 $0x5410, s7;
	[dreg:$0x1c] =	wrdreg s11  }
0x21: {  	s13 =	sadd.s32 $0x5411, s7;
	[dreg:$0x1d] =	wrdreg s12  }
0x22: {  	s14 =	sadd.s32 $0x5412, s7;
	[dreg:$0x1e] =	wrdreg s13  }
0x23: {  	s15 =	sadd.s32 $0x5413, s7;
	[dreg:$0x1f] =	wrdreg s14  }
0x24: {  	s16 =	sadd.s32 $0x5414, s7;
	[smem:$0x7B4] =	sst s15  }
0x25: {  	s17 =	sadd.s32 $0x5415, s7;
	[smem:$0x7B5] =	sst s16  }
0x26: {  	[smem:$0x7B6] =	sst s17;
	s18 =	sadd.s32 $0x5416, s7  }
0x27: {  	s19 =	sadd.s32 $0x5417, s7;
	[smem:$0x7B7] =	sst s18  }
0x28: {  	s20 =	sadd.s32 $0x5418, s7;
	[smem:$0x7B8] =	sst s19  }
0x29: {  	s21 =	sadd.s32 $0x5419, s7;
	[smem:$0x7B9] =	sst s20  }
0x2a: {  	s22 =	sadd.s32 $0x541A, s7;
	[smem:$0x7BA] =	sst s21  }
0x2b: {  	s23 =	sadd.s32 $0x541B, s7;
	[smem:$0x7BB] =	sst s22  }
0x2c: {  	s24 =	sadd.s32 $0x541C, s7;
	[smem:$0x7BC] =	sst s23  }
0x2d: {  	s25 =	sadd.s32 $0x541D, s7;
	[smem:$0x7BD] =	sst s24  }
0x2e: {  	s26 =	sadd.s32 $0x541E, s7;
	[smem:$0x7BE] =	sst s25  }
0x2f: {  	s28 =	sadd.s32 $0x541F, s7;
	[smem:$0x7BF] =	sst s26  }
0x30: {  	s29 =	sadd.s32 $0x5420, s7;
	[smem:$0x7C0] =	sst s28  }
0x31: {  	s30 =	sadd.s32 $0x5421, s7;
	[smem:$0x7C1] =	sst s29  }
0x32: {  	s31 =	sadd.s32 $0x5422, s7;
	[smem:$0x7C2] =	sst s30  }
0x33: {  	s9 =	sadd.s32 $0x5423, s7;
	[smem:$0x7C3] =	sst s31  }
0x34: {  	s10 =	sadd.s32 $0x5424, s7;
	[smem:$0x7C4] =	sst s9  }
0x35: {  	s11 =	sadd.s32 $0x5425, s7;
	[smem:$0x7C5] =	sst s10  }
0x36: {  	s12 =	sadd.s32 $0x5426, s7;
	[smem:$0x7C6] =	sst s11  }
0x37: {  	s13 =	sadd.s32 $0x5427, s7;
	[smem:$0x7C7] =	sst s12  }
0x38: {  	s14 =	sadd.s32 $0x5428, s7;
	[smem:$0x7C8] =	sst s13  }
0x39: {  	s15 =	sadd.s32 $0x5429, s7;
	[smem:$0x7C9] =	sst s14  }
0x3a: {  	s16 =	sadd.s32 $0x542A, s7;
	[smem:$0x7CA] =	sst s15  }
0x3b: {  	s17 =	sadd.s32 $0x542B, s7;
	[smem:$0x7CB] =	sst s16  }
0x3c: {  	[smem:$0x7CC] =	sst s17;
	s18 =	sadd.s32 $0x542C, s7  }
0x3d: {  	s19 =	sadd.s32 $0x542D, s7;
	[smem:$0x7CD] =	sst s18  }
0x3e: {  	s20 =	sadd.s32 $0x542E, s7;
	[smem:$0x7CE] =	sst s19  }
0x3f: {  	s7 =	sadd.s32 $0x542F, s7;
	[smem:$0x7CF] =	sst s20  }
0x40: {  	s21 =	simm.s32 $0x1700;
	[smem:$0x7D0] =	sst s7  }
0x41: {  	s22 =	simm.s32 $0x1780;
	[smem:$0x7D1] =	sst s21  }
0x42: {  	s23 =	simm.s32 $0x1800;
	[smem:$0x7D2] =	sst s22  }
0x43: {  	s24 =	simm.s32 $0x1900;
	[smem:$0x7D3] =	sst s23  }
0x44: {  	s25 =	simm.s32 $0x1980;
	[smem:$0x7D4] =	sst s24  }
0x45: {  	s26 =	simm.s32 $0x1A00;
	[smem:$0x7D5] =	sst s25  }
0x46: {  	s28 =	simm.s32 $0x1B00;
	[smem:$0x7D6] =	sst s26  }
0x47: {  	s29 =	simm.s32 $0x1B80;
	[smem:$0x7D7] =	sst s28  }
0x48: {  	s30 =	simm.s32 $0x1C00;
	[smem:$0x7D8] =	sst s29  }
0x49: {  	s31 =	simm.s32 $0x1D80;
	[smem:$0x7D9] =	sst s30  }
0x4a: {  	s9 =	simm.s32 $0x1F80;
	[smem:$0x7DA] =	sst s31  }
0x4b: {  	s10 =	simm.s32 $0x2180;
	[smem:$0x7DC] =	sst s9  }
0x4c: {  	s11 =	simm.s32 $0x2280;
	[smem:$0x7DD] =	sst s10  }
0x4d: {  	s12 =	simm.s32 $0x2380;
	[smem:$0x7DE] =	sst s11  }
0x4e: {  	s13 =	simm.s32 $0x2580;
	[smem:$0x7DF] =	sst s12  }
0x4f: {  	s14 =	simm.s32 $0x2680;
	[smem:$0x7E0] =	sst s13  }
0x50: {  	s15 =	simm.s32 $0x2780;
	[smem:$0x7E1] =	sst s14  }
0x51: {  	s16 =	simm.s32 $0x2980;
	[smem:$0x7E2] =	sst s15  }
0x52: {  	s17 =	simm.s32 $0x2A80;
	[smem:$0x7E3] =	sst s16  }
0x53: {  	[smem:$0x7E4] =	sst s17;
	s18 =	simm.s32 $0x2B80  }
0x54: {  	p0 =	sne.s32 s6, $0x0;
	s19 =	simm.s32 $0x2D80;
	[smem:$0x7E5] =	sst s18  }
0x55: {  	s6 =	simm.s32 $0x1680;
	s21 =	simm.s32 $0x2E80;
	[smem:$0x7E6] =	sst s19  }
0x56: {  	s5 =	ssub.s32 $0x2, s5;
	s22 =	simm.s32 $0x2F80;
	[smem:$0x7E7] =	sst s21  }
0x57: {  	s8 =	simm.s32 $0x1A80;
	s23 =	simm.s32 $0x3180;
	[smem:$0x7E8] =	sst s22  }
0x58: {  	s20 =	sshrl.u32 s5, $0x1;
	s24 =	simm.s32 $0x3280;
	[smem:$0x7E9] =	sst s23  }
0x59: {  	s25 =	simm.s32 $0x3380;
	s7 =	simm.s32 $0x1880;
	[smem:$0x7EA] =	sst s24  }
0x5a: {  	s26 =	simm.s32 $0x3580;
	s28 =	simm.s32 $0x3680;
	[smem:$0x7EB] =	sst s25  }
0x5b: {  	s9 =	simm.s32 $0x1;
	s29 =	simm.s32 $0x3780;
	[smem:$0x7EC] =	sst s26  }
0x5c: {  	s10 =	simm.s32 $0x80;
	s30 =	simm.s32 $0x3980;
	[smem:$0x7ED] =	sst s28  }
0x5d: {  	s11 =	simm.s32 $0x1C80;
	s13 =	simm.s32 $0x3A80;
	[smem:$0x7EE] =	sst s29  }
0x5e: {  	s12 =	simm.s32 $0x2080;
	s14 =	simm.s32 $0x3B80;
	[smem:$0x7EF] =	sst s30  }
0x5f: {  	s15 =	simm.s32 $0x3D80;
	s16 =	simm.s32 $0x3E80;
	[smem:$0x7F0] =	sst s13  }
0x60: {  	s17 =	simm.s32 $0x3F80;
	s31 =	simm.s32 $0x4B80;
	[smem:$0x7F1] =	sst s14  }
0x61: {  	s5 =	ssub.s32 s5, s20;
	s13 =	simm.s32 $0x2480;
	[smem:$0x7F2] =	sst s15  }
0x62: {  	s14 =	simm.s32 $0x2880;
	s15 =	simm.s32 $0x2C80;
	[smem:$0x7F3] =	sst s16  }
0x63: {  	s16 =	simm.s32 $0x3080;
	[smem:$0x7F4] =	sst s17;
	s18 =	simm.s32 $0x4180  }
0x64: {  	s17 =	simm.s32 $0x3480;
	s19 =	simm.s32 $0x4280;
	[smem:$0x7FD] =	sst s31  }
0x65: {  	s20 =	simm.s32 $0x4380;
	s21 =	simm.s32 $0x4580;
	[smem:$0x7F5] =	sst s18  }
0x66: {  	s22 =	simm.s32 $0x4680;
	s23 =	simm.s32 $0x4780;
	[smem:$0x7F6] =	sst s19  }
0x67: {  	s24 =	simm.s32 $0x4980;
	s25 =	simm.s32 $0x4A80;
	[smem:$0x7F7] =	sst s20  }
0x68: {  	s26 =	simm.s32 $0x3;
	s5 =	smax.u32 s5, $0x1;
	[smem:$0x7F8] =	sst s21  }
0x69: {  	s18 =	simm.s32 $0x3880;
	s19 =	simm.s32 $0x3C80;
	[smem:$0x7F9] =	sst s22  }
0x6a: {  	s20 =	simm.s32 $0x4080;
	s21 =	simm.s32 $0x4480;
	[smem:$0x7FA] =	sst s23  }
0x6b: {  	s22 =	simm.s32 $0x4880;
	s23 =	simm.s32 $0x2;
	[smem:$0x7FB] =	sst s24  }
0x6c: {  	s24 =	simm.s32 $0x8;
	[smem:$0x7FC] =	sst s25;
	s25 =	simm.s32 $0x180  }
.LBB2_1:
0x6d: {  	s28 =	rddreg [dreg:$0x7];
	s29 =	sshrl.u32 @!p0 s1, $0x3;
	s30 =	simm.s32 @!p0 $0x1C04  }
0x6e: {  	[spmem:s29], [sflag:s30] =	dma.local @!p0 [hbm:s28], $0x3E8  }
0x6f: {  	s29 =	sshrl.u32 @!p0 s2, $0x3;
	s28 =	rddreg [dreg:$0x8]  }
0x70: {  	[spmem:s29], [sflag:s30] =	dma.local @!p0 [hbm:s28], $0x1F4  }
0x71: {  	s29 =	sshrl.u32 @!p0 s3, $0x3;
	s28 =	rddreg [dreg:$0x9]  }
0x72: {  	[spmem:s29], [sflag:s30] =	dma.local @!p0 [hbm:s28], $0x2710  }
0x73: {  	s28 =	simm.s32 @!p0 $0x4  }
0x74: {  	_ =	swait.ge @!p0 [sflag:s28], $0x3E8  }
0x75: {  	[sflag:s28] =	ssyncset.done @!p0 $0x0  }
0x76: {  	[sflag:s28] =	ssyncadd.s32 @!p0 $0xFFFFFC18  }
0x77: {  	_ =	swait.ge @!p0 [sflag:s28], $0x1F4  }
0x78: {  	[sflag:s28] =	ssyncset.done @!p0 $0x0  }
0x79: {  	[sflag:s28] =	ssyncadd.s32 @!p0 $0xFFFFFE0C  }
0x7a: {  	_ =	swait.ge @!p0 [sflag:s28], $0x2710  }
0x7b: {  	[sflag:s28] =	ssyncset.done @!p0 $0x0  }
0x7c: {  	s31 =	rddreg [dreg:$0xa];
	[sflag:s28] =	ssyncadd.s32 @!p0 $0xFFFFD8F0  }
0x7d: {  	[tilespmem:s6], [sflag:$0x1] =	stream.linear.gather [hbm4b:s31+s4], $0x200, $0x38;
	[tilespmem:$0x4C80] =	vst v63  }
0x7e: {  	s30 =	rddreg [dreg:$0xb]  }
0x7f: {  	[tilespmem:s7], [sflag:$0x1] =	stream.linear.gather [hbm4b:s30+s4], $0x200, $0x38;
	[tilespmem:$0x4C80] =	vst v63  }
0x80: {  	s31 =	rddreg [dreg:$0xc]  }
0x81: {  	[tilespmem:s8], [sflag:$0x1] =	stream.linear.gather [hbm4b:s31+s4], $0x200, $0x38;
	[tilespmem:$0x4C80] =	vst v63  }
0x82: {  	[bflag:$0x0] =	sbarrier.arrive $0xFFFF  }
0x83: {  	_ =	swait.ge [sflag:s9], $0x200  }
0x84: {  	[sflag:s9] =	ssyncset.done $0x0  }
0x85: {  	s30 =	sld [smem:$0x7D1];
	[sflag:s9] =	ssyncadd.s32 $0xFFFFFE00  }
0x86: {  	[tilespmem:s11], [sflag:$0x2] =	stream.indirect.gather [spmem:s1], $0x8, s6, s10, $0xb8;
	[tilespmem:$0x4C80] =	vst v63  }
0x87: {  	s31 =	sld [smem:$0x7D2]  }
0x88: {  	[tilespmem:s12], [sflag:$0x2] =	stream.indirect.gather [spmem:s1], $0x8, s30, s10, $0xb8;
	[tilespmem:$0x4C80] =	vst v63  }
0x89: {  	s30 =	sld [smem:$0x7D3]  }
0x8a: {  	[tilespmem:s13], [sflag:$0x2] =	stream.indirect.gather [spmem:s1], $0x8, s31, s10, $0xb8;
	[tilespmem:$0x4C80] =	vst v63  }
0x8b: {  	_ = 	snop  }
0x8c: {  	[tilespmem:s14], [sflag:$0x2] =	stream.indirect.gather [spmem:s1], $0x8, s30, s10, $0xb8;
	[tilespmem:$0x4C80] =	vst v63  }
0x8d: {  	_ =	swait.ge [sflag:s9], $0x200  }
0x8e: {  	[sflag:s9] =	ssyncset.done $0x0  }
0x8f: {  	s31 =	sld [smem:$0x7D4];
	[sflag:s9] =	ssyncadd.s32 $0xFFFFFE00  }
0x90: {  	[tilespmem:s15], [sflag:$0x2] =	stream.indirect.gather [spmem:s2], $0x8, s7, s10, $0xb8;
	[tilespmem:$0x4C80] =	vst v63  }
0x91: {  	s30 =	sld [smem:$0x7D5]  }
0x92: {  	[tilespmem:s16], [sflag:$0x2] =	stream.indirect.gather [spmem:s2], $0x8, s31, s10, $0xb8;
	[tilespmem:$0x4C80] =	vst v63  }
0x93: {  	s31 =	sld [smem:$0x7D6]  }
0x94: {  	[tilespmem:s17], [sflag:$0x2] =	stream.indirect.gather [spmem:s2], $0x8, s30, s10, $0xb8;
	[tilespmem:$0x4C80] =	vst v63  }
0x95: {  	_ = 	snop  }
0x96: {  	[tilespmem:s18], [sflag:$0x2] =	stream.indirect.gather [spmem:s2], $0x8, s31, s10, $0xb8;
	[tilespmem:$0x4C80] =	vst v63  }
0x97: {  	_ =	swait.ge [sflag:s9], $0x200  }
0x98: {  	[sflag:s9] =	ssyncset.done $0x0  }
0x99: {  	s30 =	sld [smem:$0x7D7];
	[sflag:s9] =	ssyncadd.s32 $0xFFFFFE00  }
0x9a: {  	[tilespmem:s19], [sflag:$0x2] =	stream.indirect.gather [spmem:s3], $0x8, s8, s10, $0xb8;
	[tilespmem:$0x4C80] =	vst v63  }
0x9b: {  	s31 =	sld [smem:$0x7D8]  }
0x9c: {  	[tilespmem:s20], [sflag:$0x2] =	stream.indirect.gather [spmem:s3], $0x8, s30, s10, $0xb8;
	[tilespmem:$0x4C80] =	vst v63  }
0x9d: {  	s30 =	sld [smem:$0x7D9]  }
0x9e: {  	[tilespmem:s21], [sflag:$0x2] =	stream.indirect.gather [spmem:s3], $0x8, s31, s10, $0xb8;
	[tilespmem:$0x4C80] =	vst v63  }
0x9f: {  	_ = 	snop  }
0xa0: {  	[tilespmem:s22], [sflag:$0x2] =	stream.indirect.gather [spmem:s3], $0x8, s30, s10, $0xb8;
	[tilespmem:$0x4C80] =	vst v63  }
0xa1: {  	_ =	swait.ge [sflag:s23], $0x400  }
0xa2: {  	[sflag:s23] =	ssyncset.done $0x0  }
0xa3: {  	[sflag:s23] =	ssyncadd.s32 $0xFFFFFC00  }
0xa4: {  	_ =	swait.ge [sflag:s23], $0x400  }
0xa5: {  	[sflag:s23] =	ssyncset.done $0x0  }
0xa6: {  	[sflag:s23] =	ssyncadd.s32 $0xFFFFFC00  }
0xa7: {  	_ =	swait.ge [sflag:s23], $0x400  }
0xa8: {  	[sflag:s23] =	ssyncset.done $0x0  }
0xa9: {  	[sflag:s23] =	ssyncadd.s32 $0xFFFFFC00  }
0xaa: {  	_ =	swait.ge [sflag:s23], $0x400  }
0xab: {  	s28 =	rddreg [dreg:$0xd]  }
0xac: {  	[sflag:s23] =	ssyncset.done $0x0;
	s29 =	rddreg [dreg:$0xe]  }
0xad: {  	s31 =	sld [smem:$0x7DA];
	[sflag:s23] =	ssyncadd.s32 $0xFFFFFC00  }
0xae: {  	[hbm4b:s28+s24] =	stream.strided.scatter [tilespmem:s11], [sflag:$0x3], $0x100, s25, s24, $0x38;
	[tilespmem:$0x4C80] =	vst v63  }
0xaf: {  	s30 =	rddreg [dreg:$0x10]  }
0xb0: {  	[hbm4b:s29+s24] =	stream.strided.scatter [tilespmem:s31], [sflag:$0x3], $0x100, s25, s24, $0x38;
	[tilespmem:$0x4C80] =	vst v63  }
0xb1: {  	s29 =	sld [smem:$0x7DB]  }
0xb2: {  	s28 =	rddreg [dreg:$0xf]  }
0xb3: {  	s31 =	sld [smem:$0x7DC]  }
0xb4: {  	[hbm4b:s28+s24] =	stream.strided.scatter [tilespmem:s29], [sflag:$0x3], $0x100, s25, s24, $0x38;
	[tilespmem:$0x4C80] =	vst v63  }
0xb5: {  	s28 =	rddreg [dreg:$0x11]  }
0xb6: {  	s29 =	rddreg [dreg:$0x12]  }
0xb7: {  	[hbm4b:s30+s24] =	stream.strided.scatter [tilespmem:s31], [sflag:$0x3], $0x100, s25, s24, $0x38;
	[tilespmem:$0x4C80] =	vst v63  }
0xb8: {  	s31 =	sld [smem:$0x7DD]  }
0xb9: {  	[hbm4b:s28+s24] =	stream.strided.scatter [tilespmem:s12], [sflag:$0x3], $0x100, s25, s24, $0x38;
	[tilespmem:$0x4C80] =	vst v63  }
0xba: {  	s30 =	rddreg [dreg:$0x14]  }
0xbb: {  	[hbm4b:s29+s24] =	stream.strided.scatter [tilespmem:s31], [sflag:$0x3], $0x100, s25, s24, $0x38;
	[tilespmem:$0x4C80] =	vst v63  }
0xbc: {  	s29 =	sld [smem:$0x7DE]  }
0xbd: {  	s28 =	rddreg [dreg:$0x13]  }
0xbe: {  	s31 =	sld [smem:$0x7DF]  }
0xbf: {  	[hbm4b:s28+s24] =	stream.strided.scatter [tilespmem:s29], [sflag:$0x3], $0x100, s25, s24, $0x38;
	[tilespmem:$0x4C80] =	vst v63  }
0xc0: {  	s28 =	rddreg [dreg:$0x15]  }
0xc1: {  	s29 =	rddreg [dreg:$0x16]  }
0xc2: {  	[hbm4b:s30+s24] =	stream.strided.scatter [tilespmem:s31], [sflag:$0x3], $0x100, s25, s24, $0x38;
	[tilespmem:$0x4C80] =	vst v63  }
0xc3: {  	s31 =	sld [smem:$0x7E0]  }
0xc4: {  	[hbm4b:s28+s24] =	stream.strided.scatter [tilespmem:s13], [sflag:$0x3], $0x100, s25, s24, $0x38;
	[tilespmem:$0x4C80] =	vst v63  }
0xc5: {  	s30 =	rddreg [dreg:$0x18]  }
0xc6: {  	[hbm4b:s29+s24] =	stream.strided.scatter [tilespmem:s31], [sflag:$0x3], $0x100, s25, s24, $0x38;
	[tilespmem:$0x4C80] =	vst v63  }
0xc7: {  	s29 =	sld [smem:$0x7E1]  }
0xc8: {  	s28 =	rddreg [dreg:$0x17]  }
0xc9: {  	s31 =	sld [smem:$0x7E2]  }
0xca: {  	[hbm4b:s28+s24] =	stream.strided.scatter [tilespmem:s29], [sflag:$0x3], $0x100, s25, s24, $0x38;
	[tilespmem:$0x4C80] =	vst v63  }
0xcb: {  	s28 =	rddreg [dreg:$0x19]  }
0xcc: {  	[hbm4b:s30+s24] =	stream.strided.scatter [tilespmem:s31], [sflag:$0x3], $0x100, s25, s24, $0x38;
	[tilespmem:$0x4C80] =	vst v63  }
0xcd: {  	s31 =	sld [smem:$0x7E3]  }
0xce: {  	[hbm4b:s28+s24] =	stream.strided.scatter [tilespmem:s14], [sflag:$0x3], $0x100, s25, s24, $0x38;
	[tilespmem:$0x4C80] =	vst v63  }
0xcf: {  	s29 =	rddreg [dreg:$0x1a]  }
0xd0: {  	[hbm4b:s29+s24] =	stream.strided.scatter [tilespmem:s31], [sflag:$0x3], $0x100, s25, s24, $0x38;
	[tilespmem:$0x4C80] =	vst v63  }
0xd1: {  	s29 =	sld [smem:$0x7E4]  }
0xd2: {  	s28 =	rddreg [dreg:$0x1b]  }
0xd3: {  	s31 =	sld [smem:$0x7E5]  }
0xd4: {  	[hbm4b:s28+s24] =	stream.strided.scatter [tilespmem:s29], [sflag:$0x3], $0x100, s25, s24, $0x38;
	[tilespmem:$0x4C80] =	vst v63  }
0xd5: {  	s30 =	rddreg [dreg:$0x1c]  }
0xd6: {  	[hbm4b:s30+s24] =	stream.strided.scatter [tilespmem:s31], [sflag:$0x3], $0x100, s25, s24, $0x38;
	[tilespmem:$0x4C80] =	vst v63  }
0xd7: {  	_ =	swait.ge [sflag:s23], $0x400  }
0xd8: {  	[sflag:s23] =	ssyncset.done $0x0  }
0xd9: {  	[sflag:s23] =	ssyncadd.s32 $0xFFFFFC00  }
0xda: {  	_ =	swait.ge [sflag:s23], $0x400  }
0xdb: {  	[sflag:s23] =	ssyncset.done $0x0  }
0xdc: {  	[sflag:s23] =	ssyncadd.s32 $0xFFFFFC00  }
0xdd: {  	_ =	swait.ge [sflag:s23], $0x400  }
0xde: {  	[sflag:s23] =	ssyncset.done $0x0  }
0xdf: {  	[sflag:s23] =	ssyncadd.s32 $0xFFFFFC00  }
0xe0: {  	_ =	swait.ge [sflag:s23], $0x400  }
0xe1: {  	s28 =	rddreg [dreg:$0x1d]  }
0xe2: {  	[sflag:s23] =	ssyncset.done $0x0;
	s29 =	rddreg [dreg:$0x1e]  }
0xe3: {  	s31 =	sld [smem:$0x7E6];
	[sflag:s23] =	ssyncadd.s32 $0xFFFFFC00  }
0xe4: {  	[hbm4b:s28+s24] =	stream.strided.scatter [tilespmem:s15], [sflag:$0x3], $0x100, s25, s24, $0x38;
	[tilespmem:$0x4C80] =	vst v63  }
0xe5: {  	s30 =	sld [smem:$0x7B4]  }
0xe6: {  	[hbm4b:s29+s24] =	stream.strided.scatter [tilespmem:s31], [sflag:$0x3], $0x100, s25, s24, $0x38;
	[tilespmem:$0x4C80] =	vst v63  }
0xe7: {  	s29 =	sld [smem:$0x7E7]  }
0xe8: {  	s28 =	rddreg [dreg:$0x1f]  }
0xe9: {  	s31 =	sld [smem:$0x7E8]  }
0xea: {  	[hbm4b:s28+s24] =	stream.strided.scatter [tilespmem:s29], [sflag:$0x3], $0x100, s25, s24, $0x38;
	[tilespmem:$0x4C80] =	vst v63  }
0xeb: {  	s28 =	sld [smem:$0x7B5]  }
0xec: {  	s29 =	sld [smem:$0x7B6]  }
0xed: {  	[hbm4b:s30+s24] =	stream.strided.scatter [tilespmem:s31], [sflag:$0x3], $0x100, s25, s24, $0x38;
	[tilespmem:$0x4C80] =	vst v63  }
0xee: {  	s31 =	sld [smem:$0x7E9]  }
0xef: {  	[hbm4b:s28+s24] =	stream.strided.scatter [tilespmem:s16], [sflag:$0x3], $0x100, s25, s24, $0x38;
	[tilespmem:$0x4C80] =	vst v63  }
0xf0: {  	s28 =	sld [smem:$0x7B7]  }
0xf1: {  	[hbm4b:s29+s24] =	stream.strided.scatter [tilespmem:s31], [sflag:$0x3], $0x100, s25, s24, $0x38;
	[tilespmem:$0x4C80] =	vst v63  }
0xf2: {  	s29 =	sld [smem:$0x7EA]  }
0xf3: {  	s30 =	sld [smem:$0x7B8]  }
0xf4: {  	s31 =	sld [smem:$0x7EB]  }
0xf5: {  	[hbm4b:s28+s24] =	stream.strided.scatter [tilespmem:s29], [sflag:$0x3], $0x100, s25, s24, $0x38;
	[tilespmem:$0x4C80] =	vst v63  }
0xf6: {  	s28 =	sld [smem:$0x7B9]  }
0xf7: {  	s29 =	sld [smem:$0x7BA]  }
0xf8: {  	[hbm4b:s30+s24] =	stream.strided.scatter [tilespmem:s31], [sflag:$0x3], $0x100, s25, s24, $0x38;
	[tilespmem:$0x4C80] =	vst v63  }
0xf9: {  	s31 =	sld [smem:$0x7EC]  }
0xfa: {  	[hbm4b:s28+s24] =	stream.strided.scatter [tilespmem:s17], [sflag:$0x3], $0x100, s25, s24, $0x38;
	[tilespmem:$0x4C80] =	vst v63  }
0xfb: {  	s28 =	sld [smem:$0x7BB]  }
0xfc: {  	[hbm4b:s29+s24] =	stream.strided.scatter [tilespmem:s31], [sflag:$0x3], $0x100, s25, s24, $0x38;
	[tilespmem:$0x4C80] =	vst v63  }
0xfd: {  	s29 =	sld [smem:$0x7ED]  }
0xfe: {  	s30 =	sld [smem:$0x7BC]  }
0xff: {  	s31 =	sld [smem:$0x7EE]  }
0x100: {  	[hbm4b:s28+s24] =	stream.strided.scatter [tilespmem:s29], [sflag:$0x3], $0x100, s25, s24, $0x38;
	[tilespmem:$0x4C80] =	vst v63  }
0x101: {  	s28 =	sld [smem:$0x7BD]  }
0x102: {  	s29 =	sld [smem:$0x7BE]  }
0x103: {  	[hbm4b:s30+s24] =	stream.strided.scatter [tilespmem:s31], [sflag:$0x3], $0x100, s25, s24, $0x38;
	[tilespmem:$0x4C80] =	vst v63  }
0x104: {  	s31 =	sld [smem:$0x7EF]  }
0x105: {  	[hbm4b:s28+s24] =	stream.strided.scatter [tilespmem:s18], [sflag:$0x3], $0x100, s25, s24, $0x38;
	[tilespmem:$0x4C80] =	vst v63  }
0x106: {  	s28 =	sld [smem:$0x7BF]  }
0x107: {  	[hbm4b:s29+s24] =	stream.strided.scatter [tilespmem:s31], [sflag:$0x3], $0x100, s25, s24, $0x38;
	[tilespmem:$0x4C80] =	vst v63  }
0x108: {  	s29 =	sld [smem:$0x7F0]  }
0x109: {  	s30 =	sld [smem:$0x7C0]  }
0x10a: {  	s31 =	sld [smem:$0x7F1]  }
0x10b: {  	[hbm4b:s28+s24] =	stream.strided.scatter [tilespmem:s29], [sflag:$0x3], $0x100, s25, s24, $0x38;
	[tilespmem:$0x4C80] =	vst v63  }
0x10c: {  	_ = 	snop  }
0x10d: {  	[hbm4b:s30+s24] =	stream.strided.scatter [tilespmem:s31], [sflag:$0x3], $0x100, s25, s24, $0x38;
	[tilespmem:$0x4C80] =	vst v63  }
0x10e: {  	_ =	swait.ge [sflag:s23], $0x400  }
0x10f: {  	[sflag:s23] =	ssyncset.done $0x0  }
0x110: {  	[sflag:s23] =	ssyncadd.s32 $0xFFFFFC00  }
0x111: {  	_ =	swait.ge [sflag:s23], $0x400  }
0x112: {  	[sflag:s23] =	ssyncset.done $0x0  }
0x113: {  	[sflag:s23] =	ssyncadd.s32 $0xFFFFFC00  }
0x114: {  	_ =	swait.ge [sflag:s23], $0x400  }
0x115: {  	[sflag:s23] =	ssyncset.done $0x0  }
0x116: {  	[sflag:s23] =	ssyncadd.s32 $0xFFFFFC00  }
0x117: {  	_ =	swait.ge [sflag:s23], $0x400  }
0x118: {  	s28 =	sld [smem:$0x7C1]  }
0x119: {  	[sflag:s23] =	ssyncset.done $0x0;
	s29 =	sld [smem:$0x7C2]  }
0x11a: {  	s31 =	sld [smem:$0x7F2];
	[sflag:s23] =	ssyncadd.s32 $0xFFFFFC00  }
0x11b: {  	[hbm4b:s28+s24] =	stream.strided.scatter [tilespmem:s19], [sflag:$0x3], $0x100, s25, s24, $0x38;
	[tilespmem:$0x4C80] =	vst v63  }
0x11c: {  	s28 =	sld [smem:$0x7C3]  }
0x11d: {  	[hbm4b:s29+s24] =	stream.strided.scatter [tilespmem:s31], [sflag:$0x3], $0x100, s25, s24, $0x38;
	[tilespmem:$0x4C80] =	vst v63  }
0x11e: {  	s29 =	sld [smem:$0x7F3]  }
0x11f: {  	s30 =	sld [smem:$0x7C4]  }
0x120: {  	s31 =	sld [smem:$0x7F4]  }
0x121: {  	[hbm4b:s28+s24] =	stream.strided.scatter [tilespmem:s29], [sflag:$0x3], $0x100, s25, s24, $0x38;
	[tilespmem:$0x4C80] =	vst v63  }
0x122: {  	s28 =	sld [smem:$0x7C5]  }
0x123: {  	s29 =	sld [smem:$0x7C6]  }
0x124: {  	[hbm4b:s30+s24] =	stream.strided.scatter [tilespmem:s31], [sflag:$0x3], $0x100, s25, s24, $0x38;
	[tilespmem:$0x4C80] =	vst v63  }
0x125: {  	s31 =	sld [smem:$0x7F5]  }
0x126: {  	[hbm4b:s28+s24] =	stream.strided.scatter [tilespmem:s20], [sflag:$0x3], $0x100, s25, s24, $0x38;
	[tilespmem:$0x4C80] =	vst v63  }
0x127: {  	s28 =	sld [smem:$0x7C7]  }
0x128: {  	[hbm4b:s29+s24] =	stream.strided.scatter [tilespmem:s31], [sflag:$0x3], $0x100, s25, s24, $0x38;
	[tilespmem:$0x4C80] =	vst v63  }
0x129: {  	s29 =	sld [smem:$0x7F6]  }
0x12a: {  	s30 =	sld [smem:$0x7C8]  }
0x12b: {  	s31 =	sld [smem:$0x7F7]  }
0x12c: {  	[hbm4b:s28+s24] =	stream.strided.scatter [tilespmem:s29], [sflag:$0x3], $0x100, s25, s24, $0x38;
	[tilespmem:$0x4C80] =	vst v63  }
0x12d: {  	s28 =	sld [smem:$0x7C9]  }
0x12e: {  	s29 =	sld [smem:$0x7CA]  }
0x12f: {  	[hbm4b:s30+s24] =	stream.strided.scatter [tilespmem:s31], [sflag:$0x3], $0x100, s25, s24, $0x38;
	[tilespmem:$0x4C80] =	vst v63  }
0x130: {  	s31 =	sld [smem:$0x7F8]  }
0x131: {  	[hbm4b:s28+s24] =	stream.strided.scatter [tilespmem:s21], [sflag:$0x3], $0x100, s25, s24, $0x38;
	[tilespmem:$0x4C80] =	vst v63  }
0x132: {  	s28 =	sld [smem:$0x7CB]  }
0x133: {  	[hbm4b:s29+s24] =	stream.strided.scatter [tilespmem:s31], [sflag:$0x3], $0x100, s25, s24, $0x38;
	[tilespmem:$0x4C80] =	vst v63  }
0x134: {  	s29 =	sld [smem:$0x7F9]  }
0x135: {  	s30 =	sld [smem:$0x7CC]  }
0x136: {  	s31 =	sld [smem:$0x7FA]  }
0x137: {  	[hbm4b:s28+s24] =	stream.strided.scatter [tilespmem:s29], [sflag:$0x3], $0x100, s25, s24, $0x38;
	[tilespmem:$0x4C80] =	vst v63  }
0x138: {  	s28 =	sld [smem:$0x7CD]  }
0x139: {  	s29 =	sld [smem:$0x7CE]  }
0x13a: {  	[hbm4b:s30+s24] =	stream.strided.scatter [tilespmem:s31], [sflag:$0x3], $0x100, s25, s24, $0x38;
	[tilespmem:$0x4C80] =	vst v63  }
0x13b: {  	s31 =	sld [smem:$0x7FB]  }
0x13c: {  	[hbm4b:s28+s24] =	stream.strided.scatter [tilespmem:s22], [sflag:$0x3], $0x100, s25, s24, $0x38;
	[tilespmem:$0x4C80] =	vst v63  }
0x13d: {  	s28 =	sld [smem:$0x7CF]  }
0x13e: {  	[hbm4b:s29+s24] =	stream.strided.scatter [tilespmem:s31], [sflag:$0x3], $0x100, s25, s24, $0x38;
	[tilespmem:$0x4C80] =	vst v63  }
0x13f: {  	s29 =	sld [smem:$0x7FC]  }
0x140: {  	s30 =	sld [smem:$0x7D0]  }
0x141: {  	s31 =	sld [smem:$0x7FD]  }
0x142: {  	[hbm4b:s28+s24] =	stream.strided.scatter [tilespmem:s29], [sflag:$0x3], $0x100, s25, s24, $0x38;
	[tilespmem:$0x4C80] =	vst v63  }
0x143: {  	_ = 	snop  }
0x144: {  	[hbm4b:s30+s24] =	stream.strided.scatter [tilespmem:s31], [sflag:$0x3], $0x100, s25, s24, $0x38;
	[tilespmem:$0x4C80] =	vst v63  }
0x145: {  	_ =	swait.ge [sflag:s26], $0x100  }
0x146: {  	[sflag:s26] =	ssyncset.done $0x0  }
0x147: {  	[sflag:s26] =	ssyncadd.s32 $0xFFFFFF00  }
0x148: {  	_ =	swait.ge [sflag:s26], $0x100  }
0x149: {  	[sflag:s26] =	ssyncset.done $0x0  }
0x14a: {  	[sflag:s26] =	ssyncadd.s32 $0xFFFFFF00  }
0x14b: {  	_ =	swait.ge [sflag:s26], $0x100  }
0x14c: {  	[sflag:s26] =	ssyncset.done $0x0  }
0x14d: {  	[sflag:s26] =	ssyncadd.s32 $0xFFFFFF00  }
0x14e: {  	_ =	swait.ge [sflag:s26], $0x100  }
0x14f: {  	[sflag:s26] =	ssyncset.done $0x0  }
0x150: {  	[sflag:s26] =	ssyncadd.s32 $0xFFFFFF00  }
0x151: {  	_ =	swait.ge [sflag:s26], $0x100  }
0x152: {  	[sflag:s26] =	ssyncset.done $0x0  }
0x153: {  	[sflag:s26] =	ssyncadd.s32 $0xFFFFFF00  }
0x154: {  	_ =	swait.ge [sflag:s26], $0x100  }
0x155: {  	[sflag:s26] =	ssyncset.done $0x0  }
0x156: {  	[sflag:s26] =	ssyncadd.s32 $0xFFFFFF00  }
0x157: {  	_ =	swait.ge [sflag:s26], $0x100  }
0x158: {  	[sflag:s26] =	ssyncset.done $0x0  }
0x159: {  	[sflag:s26] =	ssyncadd.s32 $0xFFFFFF00  }
0x15a: {  	_ =	swait.ge [sflag:s26], $0x100  }
0x15b: {  	[sflag:s26] =	ssyncset.done $0x0  }
0x15c: {  	[sflag:s26] =	ssyncadd.s32 $0xFFFFFF00  }
0x15d: {  	_ =	swait.ge [sflag:s26], $0x100  }
0x15e: {  	[sflag:s26] =	ssyncset.done $0x0  }
0x15f: {  	[sflag:s26] =	ssyncadd.s32 $0xFFFFFF00  }
0x160: {  	_ =	swait.ge [sflag:s26], $0x100  }
0x161: {  	[sflag:s26] =	ssyncset.done $0x0  }
0x162: {  	[sflag:s26] =	ssyncadd.s32 $0xFFFFFF00  }
0x163: {  	_ =	swait.ge [sflag:s26], $0x100  }
0x164: {  	[sflag:s26] =	ssyncset.done $0x0  }
0x165: {  	[sflag:s26] =	ssyncadd.s32 $0xFFFFFF00  }
0x166: {  	_ =	swait.ge [sflag:s26], $0x100  }
0x167: {  	[sflag:s26] =	ssyncset.done $0x0  }
0x168: {  	[sflag:s26] =	ssyncadd.s32 $0xFFFFFF00  }
0x169: {  	_ =	swait.ge [sflag:s26], $0x100  }
0x16a: {  	[sflag:s26] =	ssyncset.done $0x0  }
0x16b: {  	[sflag:s26] =	ssyncadd.s32 $0xFFFFFF00  }
0x16c: {  	_ =	swait.ge [sflag:s26], $0x100  }
0x16d: {  	[sflag:s26] =	ssyncset.done $0x0  }
0x16e: {  	[sflag:s26] =	ssyncadd.s32 $0xFFFFFF00  }
0x16f: {  	_ =	swait.ge [sflag:s26], $0x100  }
0x170: {  	[sflag:s26] =	ssyncset.done $0x0  }
0x171: {  	[sflag:s26] =	ssyncadd.s32 $0xFFFFFF00  }
0x172: {  	_ =	swait.ge [sflag:s26], $0x100  }
0x173: {  	[sflag:s26] =	ssyncset.done $0x0  }
0x174: {  	[sflag:s26] =	ssyncadd.s32 $0xFFFFFF00  }
0x175: {  	_ =	swait.ge [sflag:s26], $0x100  }
0x176: {  	[sflag:s26] =	ssyncset.done $0x0  }
0x177: {  	[sflag:s26] =	ssyncadd.s32 $0xFFFFFF00  }
0x178: {  	_ =	swait.ge [sflag:s26], $0x100  }
0x179: {  	[sflag:s26] =	ssyncset.done $0x0  }
0x17a: {  	[sflag:s26] =	ssyncadd.s32 $0xFFFFFF00  }
0x17b: {  	_ =	swait.ge [sflag:s26], $0x100  }
0x17c: {  	[sflag:s26] =	ssyncset.done $0x0  }
0x17d: {  	[sflag:s26] =	ssyncadd.s32 $0xFFFFFF00  }
0x17e: {  	_ =	swait.ge [sflag:s26], $0x100  }
0x17f: {  	[sflag:s26] =	ssyncset.done $0x0  }
0x180: {  	[sflag:s26] =	ssyncadd.s32 $0xFFFFFF00  }
0x181: {  	_ =	swait.ge [sflag:s26], $0x100  }
0x182: {  	[sflag:s26] =	ssyncset.done $0x0  }
0x183: {  	[sflag:s26] =	ssyncadd.s32 $0xFFFFFF00  }
0x184: {  	_ =	swait.ge [sflag:s26], $0x100  }
0x185: {  	[sflag:s26] =	ssyncset.done $0x0  }
0x186: {  	[sflag:s26] =	ssyncadd.s32 $0xFFFFFF00  }
0x187: {  	_ =	swait.ge [sflag:s26], $0x100  }
0x188: {  	[sflag:s26] =	ssyncset.done $0x0  }
0x189: {  	[sflag:s26] =	ssyncadd.s32 $0xFFFFFF00  }
0x18a: {  	_ =	swait.ge [sflag:s26], $0x100  }
0x18b: {  	[sflag:s26] =	ssyncset.done $0x0  }
0x18c: {  	[sflag:s26] =	ssyncadd.s32 $0xFFFFFF00  }
0x18d: {  	_ =	swait.ge [sflag:s26], $0x100  }
0x18e: {  	[sflag:s26] =	ssyncset.done $0x0  }
0x18f: {  	[sflag:s26] =	ssyncadd.s32 $0xFFFFFF00  }
0x190: {  	_ =	swait.ge [sflag:s26], $0x100  }
0x191: {  	[sflag:s26] =	ssyncset.done $0x0  }
0x192: {  	[sflag:s26] =	ssyncadd.s32 $0xFFFFFF00  }
0x193: {  	_ =	swait.ge [sflag:s26], $0x100  }
0x194: {  	[sflag:s26] =	ssyncset.done $0x0  }
0x195: {  	[sflag:s26] =	ssyncadd.s32 $0xFFFFFF00  }
0x196: {  	_ =	swait.ge [sflag:s26], $0x100  }
0x197: {  	[sflag:s26] =	ssyncset.done $0x0  }
0x198: {  	[sflag:s26] =	ssyncadd.s32 $0xFFFFFF00  }
0x199: {  	_ =	swait.ge [sflag:s26], $0x100  }
0x19a: {  	[sflag:s26] =	ssyncset.done $0x0  }
0x19b: {  	[sflag:s26] =	ssyncadd.s32 $0xFFFFFF00  }
0x19c: {  	_ =	swait.ge [sflag:s26], $0x100  }
0x19d: {  	[sflag:s26] =	ssyncset.done $0x0  }
0x19e: {  	[sflag:s26] =	ssyncadd.s32 $0xFFFFFF00  }
0x19f: {  	_ =	swait.ge [sflag:s26], $0x100  }
0x1a0: {  	[sflag:s26] =	ssyncset.done $0x0  }
0x1a1: {  	[sflag:s26] =	ssyncadd.s32 $0xFFFFFF00  }
0x1a2: {  	_ =	swait.ge [sflag:s26], $0x100  }
0x1a3: {  	[sflag:s26] =	ssyncset.done $0x0  }
0x1a4: {  	[sflag:s26] =	ssyncadd.s32 $0xFFFFFF00  }
0x1a5: {  	_ =	swait.ge [sflag:s26], $0x100  }
0x1a6: {  	[sflag:s26] =	ssyncset.done $0x0  }
0x1a7: {  	[sflag:s26] =	ssyncadd.s32 $0xFFFFFF00  }
0x1a8: {  	_ =	swait.ge [sflag:s26], $0x100  }
0x1a9: {  	[sflag:s26] =	ssyncset.done $0x0  }
0x1aa: {  	[sflag:s26] =	ssyncadd.s32 $0xFFFFFF00  }
0x1ab: {  	_ =	swait.ge [sflag:s26], $0x100  }
0x1ac: {  	[sflag:s26] =	ssyncset.done $0x0  }
0x1ad: {  	[sflag:s26] =	ssyncadd.s32 $0xFFFFFF00  }
0x1ae: {  	_ =	swait.ge [sflag:s26], $0x100  }
0x1af: {  	[sflag:s26] =	ssyncset.done $0x0  }
0x1b0: {  	[sflag:s26] =	ssyncadd.s32 $0xFFFFFF00  }
0x1b1: {  	_ =	swait.ge [sflag:s26], $0x100  }
0x1b2: {  	[sflag:s26] =	ssyncset.done $0x0  }
0x1b3: {  	[sflag:s26] =	ssyncadd.s32 $0xFFFFFF00  }
0x1b4: {  	_ =	swait.ge [sflag:s26], $0x100  }
0x1b5: {  	[sflag:s26] =	ssyncset.done $0x0  }
0x1b6: {  	[sflag:s26] =	ssyncadd.s32 $0xFFFFFF00  }
0x1b7: {  	_ =	swait.ge [sflag:s26], $0x100  }
0x1b8: {  	[sflag:s26] =	ssyncset.done $0x0  }
0x1b9: {  	[sflag:s26] =	ssyncadd.s32 $0xFFFFFF00  }
0x1ba: {  	_ =	swait.ge [sflag:s26], $0x100  }
0x1bb: {  	[sflag:s26] =	ssyncset.done $0x0  }
0x1bc: {  	[sflag:s26] =	ssyncadd.s32 $0xFFFFFF00  }
0x1bd: {  	_ =	swait.ge [sflag:s26], $0x100  }
0x1be: {  	[sflag:s26] =	ssyncset.done $0x0  }
0x1bf: {  	[sflag:s26] =	ssyncadd.s32 $0xFFFFFF00  }
0x1c0: {  	_ =	swait.ge [sflag:s26], $0x100  }
0x1c1: {  	[sflag:s26] =	ssyncset.done $0x0  }
0x1c2: {  	[sflag:s26] =	ssyncadd.s32 $0xFFFFFF00  }
0x1c3: {  	_ =	swait.ge [sflag:s26], $0x100  }
0x1c4: {  	[sflag:s26] =	ssyncset.done $0x0  }
0x1c5: {  	[sflag:s26] =	ssyncadd.s32 $0xFFFFFF00  }
0x1c6: {  	_ =	swait.ge [sflag:s26], $0x100  }
0x1c7: {  	[sflag:s26] =	ssyncset.done $0x0  }
0x1c8: {  	[sflag:s26] =	ssyncadd.s32 $0xFFFFFF00  }
0x1c9: {  	_ =	swait.ge [sflag:s26], $0x100  }
0x1ca: {  	[sflag:s26] =	ssyncset.done $0x0  }
0x1cb: {  	[sflag:s26] =	ssyncadd.s32 $0xFFFFFF00  }
0x1cc: {  	_ =	swait.ge [sflag:s26], $0x100  }
0x1cd: {  	[sflag:s26] =	ssyncset.done $0x0  }
0x1ce: {  	s5 =	sadd.s32 $0xFFFFFFFF, s5;
	[sflag:s26] =	ssyncadd.s32 $0xFFFFFF00  }
0x1cf: {  	p1 =	sne.s32 s5, $0x0;
	_ =	swait.ge [sflag:s26], $0x100  }
.Ltmp0:
0x1d0: {  	[sflag:s26] =	ssyncset.done $0x0;
	(pc) =	sbr.rel @p1 .LBB2_1-.Ltmp0, $4  }
0x1d1: {  	[sflag:s26] =	ssyncadd.s32 $0xFFFFFF00  }
0x1d2: {  	_ =	swait.ge [sflag:s26], $0x100  }
0x1d3: {  	[sflag:s26] =	ssyncset.done $0x0  }
0x1d4: {  	[sflag:s26] =	ssyncadd.s32 $0xFFFFFF00  }
0x1d5: {  	_ =	sfence.sel $0x180000  }
0x1d6: {  	[bflag:$0x0] =	sbarrier.arrive $0xFFFF  }
0x1d7: {  	_ =	strace $0x90000047  }
0x1d8: {  	s0 =	sadd.s32 @!p0 $0x100000, s0;
	[bflag:$0x2] =	sbarrier.arrive $0xFFFF  }
0x1d9: {  	[sflag:s0] =	ssyncadd.tile.s32 @!p0 $0x1;
	_ =	shalt  }
.Lfunc_end2:
_tile_overlayer_lowered:
.L_overlay_start_2:
0x1da: {  	(tag) =	ssettag $0x2  }
0x1db: {  	s0 =	rddreg [dreg:$0x0];
	s2 =	stileid.u32  }
0x1dc: {  	s1 =	rddreg [dreg:$0x1];
	p0 =	sne.s32 s2, $0x0  }
0x1dd: {  	s3 =	rddreg [dreg:$0x2];
	[bflag:$0x3] =	sbarrier.arrive $0xFFFF;
	s2 =	simm.s32 @!p0 $0x1C05  }
0x1de: {  	[timem:s3], [sflag:s2] =	dma.local @!p0 [hbm:s0], s1  }
0x1df: {  	s0 =	simm.s32 @!p0 $0x5  }
0x1e0: {  	_ =	swait.ge @!p0 [sflag:s0], s1  }
0x1e1: {  	s1 =	ssub.s32 @!p0 $0x0, s1;
	[sflag:s0] =	ssyncset.done @!p0 $0x0  }
0x1e2: {  	[sflag:s0] =	ssyncadd.s32 @!p0 s1  }
0x1e3: {  	[bflag:$0x3] =	sbarrier.arrive $0xFFFF  }
0x1e4: {  	_ =	shalt  }

</sc_bundles>
